<compile_context>
chip_gen: v7x
topology: tpu7x:2x2x1
jax: 0.10.2.dev20260603
libtpu: 0.0.44.dev20260713+nightly
codegen_flags: <defaults>
</compile_context>

<pallas_src>
import functools

import jax
import jax.numpy as jnp
from jax import lax
from jax.experimental import pallas as pl
from jax.experimental.pallas import tpu as pltpu
from jax.experimental.pallas import tpu_sc as plsc

N = 10000
E = 320000
L = 100000
D = 128

NC = 2
NS = 16
NTILES = NC * NS

CH = 128
N_PAD = 10240
RPT = N_PAD // NS
E_PT = E // NTILES
NCH_E = -(-E_PT // CH)
NCH_E = 80
E_PAD = NTILES * NCH_E * CH
NCH_L = 26
L_PT = NCH_L * CH
L_PAD = NTILES * L_PT
NBUF_E = 2
HALF_E = NCH_E // 2
NBUF_L = 2

BL = 1280
BLL = 2048


def _mesh():
  return plsc.VectorSubcoreMesh(core_axis_name="c", subcore_axis_name="s")


def _sc_degree(dst3):

  @functools.partial(
      pl.kernel,
      out_type=jax.ShapeDtypeStruct((NC, N_PAD), jnp.float32),
      mesh=_mesh(),
      scratch_types=[
          pltpu.VMEM((NCH_E, CH), jnp.int32),
          pltpu.VMEM((CH,), jnp.float32),
          pltpu.VMEM((RPT,), jnp.float32),
          pltpu.VMEM_SHARED((N_PAD,), jnp.float32),
          pltpu.SemaphoreType.DMA,
      ],
  )
  def k(dst_hbm, out_hbm, idx_v, ones_v, zeros_v, deg_sh, sem):
    del sem
    c = lax.axis_index("c")
    s = lax.axis_index("s")
    tb = c * NS + s
    for i in range(CH // 16):
      ones_v[pl.ds(i * 16, 16)] = jnp.ones((16,), jnp.float32)
    for i in range(RPT // 16):
      zeros_v[pl.ds(i * 16, 16)] = jnp.zeros((16,), jnp.float32)
    rs = pl.ds(s * RPT, RPT)
    pltpu.sync_copy(zeros_v, deg_sh.at[rs])
    pltpu.sync_copy(dst_hbm.at[tb], idx_v)
    plsc.subcore_barrier()

    def body(j, carry):
      pltpu.sync_copy(ones_v, deg_sh.at[idx_v.at[j]], add=True)
      return carry

    lax.fori_loop(0, NCH_E, body, 0)
    plsc.subcore_barrier()
    pltpu.sync_copy(deg_sh.at[rs], out_hbm.at[c].at[rs])

  return k(dst3)


def _sc_scatter(hs, src3, dst3, zeros2):

  @functools.partial(
      pl.kernel,
      out_type=jax.ShapeDtypeStruct((NC, N_PAD, D), jnp.float32),
      mesh=_mesh(),
      scratch_types=[
          pltpu.VMEM((HALF_E, CH), jnp.int32),
          pltpu.VMEM((HALF_E, CH), jnp.int32),
          [pltpu.VMEM((CH, D), jnp.float32) for _ in range(NBUF_E)],
          pltpu.VMEM_SHARED((N_PAD, D), jnp.float32),
          [pltpu.SemaphoreType.DMA for _ in range(NBUF_E)],
      ],
  )
  def k(hs_hbm, src_hbm, dst_hbm, z_hbm, out_hbm, sidx, didx, rows, acc_sh,
        sems):
    c = lax.axis_index("c")
    s = lax.axis_index("s")
    tb = c * NS + s
    rs = pl.ds(s * RPT, RPT)

    @pl.when(c == 0)
    def _():
      pltpu.sync_copy(hs_hbm.at[rs], acc_sh.at[rs])

    @pl.when(c != 0)
    def _():
      pltpu.sync_copy(z_hbm.at[rs], acc_sh.at[rs])

    plsc.subcore_barrier()

    for h in range(2):
      pltpu.sync_copy(src_hbm.at[tb].at[pl.ds(h * HALF_E, HALF_E)], sidx)
      pltpu.sync_copy(dst_hbm.at[tb].at[pl.ds(h * HALF_E, HALF_E)], didx)
      for i in range(NBUF_E):
        pltpu.async_copy(hs_hbm.at[sidx.at[i]], rows[i], sems[i])

      def body(t, carry):
        j = t * NBUF_E
        for i in range(NBUF_E):
          pltpu.make_async_copy(hs_hbm.at[pl.ds(0, CH)], rows[i],
                                sems[i]).wait()
          pltpu.sync_copy(rows[i], acc_sh.at[didx.at[j + i]], add=True)

          @pl.when(j + i + NBUF_E < HALF_E)
          def _():
            pltpu.async_copy(hs_hbm.at[sidx.at[j + i + NBUF_E]], rows[i],
                             sems[i])

        return carry

      lax.fori_loop(0, HALF_E // NBUF_E, body, 0)
    plsc.subcore_barrier()
    pltpu.sync_copy(acc_sh.at[rs], out_hbm.at[c].at[rs])

  return k(hs, src3, dst3, zeros2)


def _sc_gather_predict(hsrc, hdst, sl3, dl3, bvec, wvec):

  @functools.partial(
      pl.kernel,
      out_type=jax.ShapeDtypeStruct((L_PAD, 16), jnp.float32),
      mesh=_mesh(),
      scratch_types=[
          pltpu.VMEM((NCH_L, CH), jnp.int32),
          pltpu.VMEM((NCH_L, CH), jnp.int32),
          [pltpu.VMEM((CH, D), jnp.float32) for _ in range(NBUF_L)],
          [pltpu.VMEM((CH, D), jnp.float32) for _ in range(NBUF_L)],
          [pltpu.VMEM((CH, 16), jnp.float32) for _ in range(NBUF_L)],
          pltpu.VMEM((D,), jnp.float32),
          pltpu.VMEM((D,), jnp.float32),
          [pltpu.SemaphoreType.DMA for _ in range(NBUF_L)],
          [pltpu.SemaphoreType.DMA for _ in range(NBUF_L)],
      ],
  )
  def k(hs_hbm, hd_hbm, sl_hbm, dl_hbm, b_hbm, w_hbm, out_hbm, sidx, didx,
        rows_a, rows_b, pbuf, b_v, w_v, gsem, wsem):
    c = lax.axis_index("c")
    s = lax.axis_index("s")
    tb = c * NS + s
    pltpu.sync_copy(sl_hbm.at[tb], sidx)
    pltpu.sync_copy(dl_hbm.at[tb], didx)
    pltpu.sync_copy(b_hbm, b_v)
    pltpu.sync_copy(w_hbm, w_v)
    base = tb * L_PT
    bp = [b_v[pl.ds(w * 16, 16)] for w in range(D // 16)]
    wp = [w_v[pl.ds(w * 16, 16)] for w in range(D // 16)]

    def fire_gathers(i, j):
      pltpu.async_copy(hs_hbm.at[sidx.at[j]], rows_a[i], gsem[i])
      pltpu.async_copy(hd_hbm.at[didx.at[j]], rows_b[i], gsem[i])

    def drain_g(i):
      pltpu.make_async_copy(hs_hbm.at[pl.ds(0, CH)], rows_a[i],
                            gsem[i]).wait()
      pltpu.make_async_copy(hs_hbm.at[pl.ds(0, CH)], rows_a[i],
                            gsem[i]).wait()

    def drain_w(i):
      pltpu.make_async_copy(out_hbm.at[pl.ds(0, CH)], pbuf[i],
                            wsem[i]).wait()

    for i in range(NBUF_L):
      fire_gathers(i, i)

    def body(t, carry):
      j = t * NBUF_L
      for i in range(NBUF_L):
        drain_g(i)

        def row(r, rcarry):
          acc = jnp.zeros((16,), jnp.float32)
          for w in range(D // 16):
            a = rows_a[i][r, pl.ds(w * 16, 16)]
            b = rows_b[i][r, pl.ds(w * 16, 16)]
            acc = acc + jnp.maximum(a + b + bp[w], 0.0) * wp[w]
          pbuf[i][r] = acc
          return rcarry

        lax.fori_loop(0, CH, row, 0)
        pltpu.async_copy(pbuf[i], out_hbm.at[pl.ds(base + (j + i) * CH, CH)],
                         wsem[i])

        @pl.when(j + i + NBUF_L < NCH_L)
        def _():
          drain_w(i)
          fire_gathers(i, j + i + NBUF_L)

      return carry

    lax.fori_loop(0, NCH_L // NBUF_L, body, 0)
    for i in range(NBUF_L):
      drain_w(i)

  return k(hsrc, hdst, sl3, dl3, bvec, wvec)


def _k_stage1(x_ref, w_ref, d0_ref, d1_ref, o_ref):
  dinv = lax.rsqrt(d0_ref[...] + d1_ref[...] + 1.0)
  h = jnp.dot(x_ref[...], w_ref[...], preferred_element_type=jnp.float32)
  o_ref[...] = h * dinv


def _k_stage3(a0_ref, a1_ref, d0_ref, d1_ref, b_ref, w_ref, o_ref):
  dinv = lax.rsqrt(d0_ref[...] + d1_ref[...] + 1.0)
  h1 = jnp.maximum((a0_ref[...] + a1_ref[...]) * dinv + b_ref[...], 0.0)
  h = jnp.dot(h1, w_ref[...], preferred_element_type=jnp.float32)
  o_ref[...] = h * dinv


def _k_stage5(a0_ref, a1_ref, d0_ref, d1_ref, b_ref, wa_ref, wb_ref, o1_ref,
              o2_ref):
  dinv = lax.rsqrt(d0_ref[...] + d1_ref[...] + 1.0)
  h2 = (a0_ref[...] + a1_ref[...]) * dinv + b_ref[...]
  o1_ref[...] = jnp.dot(h2, wa_ref[...], preferred_element_type=jnp.float32)
  o2_ref[...] = jnp.dot(h2, wb_ref[...], preferred_element_type=jnp.float32)


def _k_stage7(p_ref, b2_ref, o_ref):
  r = jnp.sum(p_ref[...], axis=1) + b2_ref[0, 0]
  o_ref[...] = r.reshape(BLL, 1)


def _row_spec(bl):
  return pl.BlockSpec((bl, D), lambda i: (i, 0))


def _col_spec(bl):
  return pl.BlockSpec((bl, 1), lambda i: (i, 0))


def _full_spec(shape):
  return pl.BlockSpec(shape, lambda i: tuple(0 for _ in shape))


def kernel(x, edge_index, edge_label_index, W1, b1, W2, b2, Wp1, bp1, Wp2,
           bp2):
  f32 = jnp.float32
  i32 = jnp.int32

  src = edge_index[0]
  dst = edge_index[1]
  pe = E_PAD - E
  src3 = jnp.concatenate([src, jnp.zeros((pe,), i32)]).reshape(
      NTILES, NCH_E, CH)
  dst3 = jnp.concatenate([dst, jnp.full((pe,), N, i32)]).reshape(
      NTILES, NCH_E, CH)
  plab = L_PAD - L
  sl3 = jnp.concatenate([edge_label_index[0],
                         jnp.zeros((plab,), i32)]).reshape(NTILES, NCH_L, CH)
  dl3 = jnp.concatenate([edge_label_index[1],
                         jnp.zeros((plab,), i32)]).reshape(NTILES, NCH_L, CH)
  x_p = jnp.zeros((N_PAD, D), f32).at[:N].set(x)
  zeros2 = jnp.zeros((N_PAD, D), f32)

  deg = _sc_degree(dst3)
  d0 = deg[0].reshape(N_PAD, 1)
  d1 = deg[1].reshape(N_PAD, 1)

  grid_n = (N_PAD // BL,)

  hs1 = pl.pallas_call(
      _k_stage1,
      grid=grid_n,
      in_specs=[
          _row_spec(BL),
          _full_spec((D, D)),
          _col_spec(BL),
          _col_spec(BL),
      ],
      out_specs=_row_spec(BL),
      out_shape=jax.ShapeDtypeStruct((N_PAD, D), f32),
  )(x_p, W1, d0, d1)

  acc1 = _sc_scatter(hs1, src3, dst3, zeros2)

  hs2 = pl.pallas_call(
      _k_stage3,
      grid=grid_n,
      in_specs=[
          _row_spec(BL),
          _row_spec(BL),
          _col_spec(BL),
          _col_spec(BL),
          _full_spec((1, D)),
          _full_spec((D, D)),
      ],
      out_specs=_row_spec(BL),
      out_shape=jax.ShapeDtypeStruct((N_PAD, D), f32),
  )(acc1[0], acc1[1], d0, d1, b1.reshape(1, D), W2)

  acc2 = _sc_scatter(hs2, src3, dst3, zeros2)

  hsrc, hdst = pl.pallas_call(
      _k_stage5,
      grid=grid_n,
      in_specs=[
          _row_spec(BL),
          _row_spec(BL),
          _col_spec(BL),
          _col_spec(BL),
          _full_spec((1, D)),
          _full_spec((D, D)),
          _full_spec((D, D)),
      ],
      out_specs=[_row_spec(BL), _row_spec(BL)],
      out_shape=[
          jax.ShapeDtypeStruct((N_PAD, D), f32),
          jax.ShapeDtypeStruct((N_PAD, D), f32),
      ],
  )(acc2[0], acc2[1], d0, d1, b2.reshape(1, D), Wp1[:D], Wp1[D:])

  p16 = _sc_gather_predict(hsrc, hdst, sl3, dl3, bp1, Wp2.reshape(D))

  out = pl.pallas_call(
      _k_stage7,
      grid=(L_PAD // BLL,),
      in_specs=[
          pl.BlockSpec((BLL, 16), lambda i: (i, 0)),
          _full_spec((1, 1)),
      ],
      out_specs=pl.BlockSpec((BLL, 1), lambda i: (i, 0)),
      out_shape=jax.ShapeDtypeStruct((L_PAD, 1), f32),
  )(p16, bp2.reshape(1, 1))

  return out.reshape(L_PAD)[:L]

# --- scband reference (transcript-rebuilt; emitter-appended) ---
"""Pipeline reference for scband-link-predictor-41781441855682 (READ-ONLY COPY).

The authoritative reference and input builder live on the scoring server;
editing this copy changes nothing except your own understanding.
"""

import jax, jax.numpy as jnp
import numpy as np

N = 10000
E = 320000
L = 100000
D = 128


def gcn_conv(x, edge_index, W, b):
    # PyG-style GCNConv: add self-loops, symmetric normalization, linear transform, scatter-add
    src = edge_index[0]
    dst = edge_index[1]
    loop = jnp.arange(N, dtype=edge_index.dtype)
    src = jnp.concatenate([src, loop])
    dst = jnp.concatenate([dst, loop])
    deg = jax.ops.segment_sum(jnp.ones(src.shape[0], dtype=x.dtype), dst, num_segments=N)
    dinv = jnp.where(deg > 0, jax.lax.rsqrt(jnp.maximum(deg, 1e-12)), 0.0)
    norm = dinv[src] * dinv[dst]
    h = x @ W
    msg = h[src] * norm[:, None]
    out = jax.ops.segment_sum(msg, dst, num_segments=N)
    return out + b


def setup_inputs(seed: int = 0) -> dict:
    key = jax.random.key(seed)
    ks = jax.random.split(key, 12)
    x = jax.random.normal(ks[0], (N, D), dtype=jnp.float32)
    edge_index = jax.random.randint(ks[1], (2, E), 0, N, dtype=jnp.int32)
    edge_label_index = jax.random.randint(ks[2], (2, L), 0, N, dtype=jnp.int32)
    s = 0.05
    W1 = jax.random.normal(ks[3], (D, D), dtype=jnp.float32) * s
    b1 = jnp.zeros((D,), dtype=jnp.float32)
    W2 = jax.random.normal(ks[4], (D, D), dtype=jnp.float32) * s
    b2 = jnp.zeros((D,), dtype=jnp.float32)
    Wp1 = jax.random.normal(ks[5], (2 * D, D), dtype=jnp.float32) * s
    bp1 = jnp.zeros((D,), dtype=jnp.float32)
    Wp2 = jax.random.normal(ks[6], (D, 1), dtype=jnp.float32) * s
    bp2 = jnp.zeros((1,), dtype=jnp.float32)
    return {"x": x, "edge_index": edge_index, "edge_label_index": edge_label_index,
            "W1": W1, "b1": b1, "W2": W2, "b2": b2,
            "Wp1": Wp1, "bp1": bp1, "Wp2": Wp2, "bp2": bp2}


def reference(x, edge_index, edge_label_index, W1, b1, W2, b2, Wp1, bp1, Wp2, bp2):
    # two GCN layers (num_layers=2): relu after all but last
    h = jax.nn.relu(gcn_conv(x, edge_index, W1, b1))
    h = gcn_conv(h, edge_index, W2, b2)
    # gather endpoint embeddings for label edges
    src_emb = h[edge_label_index[0]]
    dst_emb = h[edge_label_index[1]]
    edge_emb = jnp.concatenate([src_emb, dst_emb], axis=1)
    # predictor MLP (dropout is identity in eval mode)
    p = jax.nn.relu(edge_emb @ Wp1 + bp1)
    pred = p @ Wp2 + bp2
    return pred.squeeze()

if __name__ == "__main__":
    import jax
    _d = setup_inputs()
    print(jax.jit(kernel)(*tuple(_d.values())))

</pallas_src>

<mosaic_0001>
#map = affine_map<(d0, d1) -> (0, 0)>
#map1 = affine_map<(d0, d1) -> (0, 0, 0)>
module attributes {stable_mosaic.version = 14 : i64} {
  func.func @k(%arg0: i32, %arg1: i32, %arg2: memref<10240x128xf32, #tpu.memory_space<hbm>>, %arg3: memref<32x80x128xi32, #tpu.memory_space<hbm>>, %arg4: memref<32x80x128xi32, #tpu.memory_space<hbm>>, %arg5: memref<10240x128xf32, #tpu.memory_space<hbm>>, %arg6: memref<2x10240x128xf32, #tpu.memory_space<hbm>>, %arg7: memref<40x128xi32, #tpu.memory_space<vmem>>, %arg8: memref<40x128xi32, #tpu.memory_space<vmem>>, %arg9: memref<128x128xf32, #tpu.memory_space<vmem>>, %arg10: memref<128x128xf32, #tpu.memory_space<vmem>>, %arg11: memref<10240x128xf32, #tpu.memory_space<vmem_shared>>, %arg12: memref<!tpu.dma_semaphore, #tpu.memory_space<semaphore_mem>>, %arg13: memref<!tpu.dma_semaphore, #tpu.memory_space<semaphore_mem>>) attributes {dimension_semantics = [#tpu.dimension_semantics<core_parallel>, #tpu.dimension_semantics<subcore_parallel>], iteration_bounds = array<i64: 2, 16>, scalar_prefetch = 0 : i64, scratch_operands = 7 : i64, tpu.core_type = #tpu.core_type<sc_vector_subcore>, window_params = [{transform_indices = #map}, {transform_indices = #map1}, {transform_indices = #map1}, {transform_indices = #map}, {transform_indices = #map1}]} {
    %mul3A = arith.constant 16 : i32
    %mul3A_0 = arith.muli %arg0, %mul3A : i32
    %add3A = arith.addi %mul3A_0, %arg1 : i32
    %mul3A_1 = arith.constant 640 : i32
    %mul3A_2 = arith.muli %arg1, %mul3A_1 : i32
    %eq3A = arith.constant 0 : i32
    %eq3A_3 = arith.cmpi eq, %arg0, %eq3A : i32
    %convert_element_type3A = arith.extui %eq3A_3 : i1 to i32
    %cond3A = arith.constant 0 : i32
    %cond3A_4 = arith.cmpi ne, %convert_element_type3A, %cond3A : i32
    scf.if %cond3A_4 {
      "tpu.region"() ({
        %run_scoped3A = tpu.sem_alloc : memref<!tpu.dma_semaphore, #tpu.memory_space<semaphore_mem>>
        %dma_start3A_48 = arith.constant 0 : i32
        %dma_start3A_49 = tpu.memref_slice %arg11[%mul3A_2, %dma_start3A_48] : memref<10240x128xf32, #tpu.memory_space<vmem_shared>> -> memref<640x128xf32, #tpu.memory_space<vmem_shared>>
        %dma_start3A_50 = arith.constant 0 : i32
        %dma_start3A_51 = tpu.memref_slice %arg2[%mul3A_2, %dma_start3A_50] : memref<10240x128xf32, #tpu.memory_space<hbm>> -> memref<640x128xf32, #tpu.memory_space<hbm>>
        tpu.enqueue_dma source(%dma_start3A_51 : memref<640x128xf32, #tpu.memory_space<hbm>>) target(%dma_start3A_49 : memref<640x128xf32, #tpu.memory_space<vmem_shared>>) target_semaphore(%run_scoped3A : memref<!tpu.dma_semaphore, #tpu.memory_space<semaphore_mem>>)
        %dma_wait3A = arith.constant 0 : i32
        %dma_wait3A_52 = tpu.memref_slice %arg11[%mul3A_2, %dma_wait3A] : memref<10240x128xf32, #tpu.memory_space<vmem_shared>> -> memref<640x128xf32, #tpu.memory_space<vmem_shared>>
        %dma_wait3A_53 = arith.constant 0 : i32
        %dma_wait3A_54 = tpu.memref_slice %arg2[%mul3A_2, %dma_wait3A_53] : memref<10240x128xf32, #tpu.memory_space<hbm>> -> memref<640x128xf32, #tpu.memory_space<hbm>>
        tpu.wait_dma2 semaphore(%run_scoped3A : memref<!tpu.dma_semaphore, #tpu.memory_space<semaphore_mem>>) src(%dma_wait3A_54 : memref<640x128xf32, #tpu.memory_space<hbm>>) dst(%dma_wait3A_52 : memref<640x128xf32, #tpu.memory_space<vmem_shared>>)
        tpu.yield
      }) : () -> ()
    } else {
    }
    %ne3A = arith.constant 0 : i32
    %ne3A_5 = arith.cmpi ne, %arg0, %ne3A : i32
    %convert_element_type3A_6 = arith.extui %ne3A_5 : i1 to i32
    %cond3A_7 = arith.constant 0 : i32
    %cond3A_8 = arith.cmpi ne, %convert_element_type3A_6, %cond3A_7 : i32
    scf.if %cond3A_8 {
      "tpu.region"() ({
        %run_scoped3A = tpu.sem_alloc : memref<!tpu.dma_semaphore, #tpu.memory_space<semaphore_mem>>
        %dma_start3A_48 = arith.constant 0 : i32
        %dma_start3A_49 = tpu.memref_slice %arg11[%mul3A_2, %dma_start3A_48] : memref<10240x128xf32, #tpu.memory_space<vmem_shared>> -> memref<640x128xf32, #tpu.memory_space<vmem_shared>>
        %dma_start3A_50 = arith.constant 0 : i32
        %dma_start3A_51 = tpu.memref_slice %arg5[%mul3A_2, %dma_start3A_50] : memref<10240x128xf32, #tpu.memory_space<hbm>> -> memref<640x128xf32, #tpu.memory_space<hbm>>
        tpu.enqueue_dma source(%dma_start3A_51 : memref<640x128xf32, #tpu.memory_space<hbm>>) target(%dma_start3A_49 : memref<640x128xf32, #tpu.memory_space<vmem_shared>>) target_semaphore(%run_scoped3A : memref<!tpu.dma_semaphore, #tpu.memory_space<semaphore_mem>>)
        %dma_wait3A = arith.constant 0 : i32
        %dma_wait3A_52 = tpu.memref_slice %arg11[%mul3A_2, %dma_wait3A] : memref<10240x128xf32, #tpu.memory_space<vmem_shared>> -> memref<640x128xf32, #tpu.memory_space<vmem_shared>>
        %dma_wait3A_53 = arith.constant 0 : i32
        %dma_wait3A_54 = tpu.memref_slice %arg5[%mul3A_2, %dma_wait3A_53] : memref<10240x128xf32, #tpu.memory_space<hbm>> -> memref<640x128xf32, #tpu.memory_space<hbm>>
        tpu.wait_dma2 semaphore(%run_scoped3A : memref<!tpu.dma_semaphore, #tpu.memory_space<semaphore_mem>>) src(%dma_wait3A_54 : memref<640x128xf32, #tpu.memory_space<hbm>>) dst(%dma_wait3A_52 : memref<640x128xf32, #tpu.memory_space<vmem_shared>>)
        tpu.yield
      }) : () -> ()
    } else {
    }
    %barrier3A = arith.constant 0 : index
    tpu.barrier barrier_id(%barrier3A)
    "tpu.region"() ({
      %run_scoped3A = tpu.sem_alloc : memref<!tpu.dma_semaphore, #tpu.memory_space<semaphore_mem>>
      %dma_start3A_48 = arith.constant 0 : i32
      %dma_start3A_49 = arith.constant 0 : i32
      %dma_start3A_50 = tpu.memref_slice %arg3[%add3A, %dma_start3A_48, %dma_start3A_49] : memref<32x80x128xi32, #tpu.memory_space<hbm>> -> memref<1x80x128xi32, #tpu.memory_space<hbm>>
      %dma_start3A_51 = tpu.memref_squeeze %dma_start3A_50 : memref<1x80x128xi32, #tpu.memory_space<hbm>> -> memref<80x128xi32, #tpu.memory_space<hbm>>
      %dma_start3A_52 = arith.constant 0 : i32
      %dma_start3A_53 = arith.constant 0 : i32
      %dma_start3A_54 = tpu.memref_slice %dma_start3A_51[%dma_start3A_52, %dma_start3A_53] : memref<80x128xi32, #tpu.memory_space<hbm>> -> memref<40x128xi32, #tpu.memory_space<hbm>>
      %dma_start3A_55 = arith.constant 0 : i32
      %dma_start3A_56 = arith.constant 0 : i32
      %dma_start3A_57 = tpu.memref_slice %arg3[%add3A, %dma_start3A_55, %dma_start3A_56] : memref<32x80x128xi32, #tpu.memory_space<hbm>> -> memref<1x80x128xi32, #tpu.memory_space<hbm>>
      %dma_start3A_58 = tpu.memref_squeeze %dma_start3A_57 : memref<1x80x128xi32, #tpu.memory_space<hbm>> -> memref<80x128xi32, #tpu.memory_space<hbm>>
      %dma_start3A_59 = arith.constant 0 : i32
      %dma_start3A_60 = arith.constant 0 : i32
      %dma_start3A_61 = tpu.memref_slice %dma_start3A_58[%dma_start3A_59, %dma_start3A_60] : memref<80x128xi32, #tpu.memory_space<hbm>> -> memref<40x128xi32, #tpu.memory_space<hbm>>
      tpu.enqueue_dma source(%dma_start3A_61 : memref<40x128xi32, #tpu.memory_space<hbm>>) target(%arg7 : memref<40x128xi32, #tpu.memory_space<vmem>>) target_semaphore(%run_scoped3A : memref<!tpu.dma_semaphore, #tpu.memory_space<semaphore_mem>>)
      %dma_wait3A = arith.constant 0 : i32
      %dma_wait3A_62 = arith.constant 0 : i32
      %dma_wait3A_63 = tpu.memref_slice %arg3[%add3A, %dma_wait3A, %dma_wait3A_62] : memref<32x80x128xi32, #tpu.memory_space<hbm>> -> memref<1x80x128xi32, #tpu.memory_space<hbm>>
      %dma_wait3A_64 = tpu.memref_squeeze %dma_wait3A_63 : memref<1x80x128xi32, #tpu.memory_space<hbm>> -> memref<80x128xi32, #tpu.memory_space<hbm>>
      %dma_wait3A_65 = arith.constant 0 : i32
      %dma_wait3A_66 = arith.constant 0 : i32
      %dma_wait3A_67 = tpu.memref_slice %dma_wait3A_64[%dma_wait3A_65, %dma_wait3A_66] : memref<80x128xi32, #tpu.memory_space<hbm>> -> memref<40x128xi32, #tpu.memory_space<hbm>>
      %dma_wait3A_68 = arith.constant 0 : i32
      %dma_wait3A_69 = arith.constant 0 : i32
      %dma_wait3A_70 = tpu.memref_slice %arg3[%add3A, %dma_wait3A_68, %dma_wait3A_69] : memref<32x80x128xi32, #tpu.memory_space<hbm>> -> memref<1x80x128xi32, #tpu.memory_space<hbm>>
      %dma_wait3A_71 = tpu.memref_squeeze %dma_wait3A_70 : memref<1x80x128xi32, #tpu.memory_space<hbm>> -> memref<80x128xi32, #tpu.memory_space<hbm>>
      %dma_wait3A_72 = arith.constant 0 : i32
      %dma_wait3A_73 = arith.constant 0 : i32
      %dma_wait3A_74 = tpu.memref_slice %dma_wait3A_71[%dma_wait3A_72, %dma_wait3A_73] : memref<80x128xi32, #tpu.memory_space<hbm>> -> memref<40x128xi32, #tpu.memory_space<hbm>>
      tpu.wait_dma2 semaphore(%run_scoped3A : memref<!tpu.dma_semaphore, #tpu.memory_space<semaphore_mem>>) src(%dma_wait3A_74 : memref<40x128xi32, #tpu.memory_space<hbm>>) dst(%arg7 : memref<40x128xi32, #tpu.memory_space<vmem>>)
      tpu.yield
    }) : () -> ()
    "tpu.region"() ({
      %run_scoped3A = tpu.sem_alloc : memref<!tpu.dma_semaphore, #tpu.memory_space<semaphore_mem>>
      %dma_start3A_48 = arith.constant 0 : i32
      %dma_start3A_49 = arith.constant 0 : i32
      %dma_start3A_50 = tpu.memref_slice %arg4[%add3A, %dma_start3A_48, %dma_start3A_49] : memref<32x80x128xi32, #tpu.memory_space<hbm>> -> memref<1x80x128xi32, #tpu.memory_space<hbm>>
      %dma_start3A_51 = tpu.memref_squeeze %dma_start3A_50 : memref<1x80x128xi32, #tpu.memory_space<hbm>> -> memref<80x128xi32, #tpu.memory_space<hbm>>
      %dma_start3A_52 = arith.constant 0 : i32
      %dma_start3A_53 = arith.constant 0 : i32
      %dma_start3A_54 = tpu.memref_slice %dma_start3A_51[%dma_start3A_52, %dma_start3A_53] : memref<80x128xi32, #tpu.memory_space<hbm>> -> memref<40x128xi32, #tpu.memory_space<hbm>>
      %dma_start3A_55 = arith.constant 0 : i32
      %dma_start3A_56 = arith.constant 0 : i32
      %dma_start3A_57 = tpu.memref_slice %arg4[%add3A, %dma_start3A_55, %dma_start3A_56] : memref<32x80x128xi32, #tpu.memory_space<hbm>> -> memref<1x80x128xi32, #tpu.memory_space<hbm>>
      %dma_start3A_58 = tpu.memref_squeeze %dma_start3A_57 : memref<1x80x128xi32, #tpu.memory_space<hbm>> -> memref<80x128xi32, #tpu.memory_space<hbm>>
      %dma_start3A_59 = arith.constant 0 : i32
      %dma_start3A_60 = arith.constant 0 : i32
      %dma_start3A_61 = tpu.memref_slice %dma_start3A_58[%dma_start3A_59, %dma_start3A_60] : memref<80x128xi32, #tpu.memory_space<hbm>> -> memref<40x128xi32, #tpu.memory_space<hbm>>
      tpu.enqueue_dma source(%dma_start3A_61 : memref<40x128xi32, #tpu.memory_space<hbm>>) target(%arg8 : memref<40x128xi32, #tpu.memory_space<vmem>>) target_semaphore(%run_scoped3A : memref<!tpu.dma_semaphore, #tpu.memory_space<semaphore_mem>>)
      %dma_wait3A = arith.constant 0 : i32
      %dma_wait3A_62 = arith.constant 0 : i32
      %dma_wait3A_63 = tpu.memref_slice %arg4[%add3A, %dma_wait3A, %dma_wait3A_62] : memref<32x80x128xi32, #tpu.memory_space<hbm>> -> memref<1x80x128xi32, #tpu.memory_space<hbm>>
      %dma_wait3A_64 = tpu.memref_squeeze %dma_wait3A_63 : memref<1x80x128xi32, #tpu.memory_space<hbm>> -> memref<80x128xi32, #tpu.memory_space<hbm>>
      %dma_wait3A_65 = arith.constant 0 : i32
      %dma_wait3A_66 = arith.constant 0 : i32
      %dma_wait3A_67 = tpu.memref_slice %dma_wait3A_64[%dma_wait3A_65, %dma_wait3A_66] : memref<80x128xi32, #tpu.memory_space<hbm>> -> memref<40x128xi32, #tpu.memory_space<hbm>>
      %dma_wait3A_68 = arith.constant 0 : i32
      %dma_wait3A_69 = arith.constant 0 : i32
      %dma_wait3A_70 = tpu.memref_slice %arg4[%add3A, %dma_wait3A_68, %dma_wait3A_69] : memref<32x80x128xi32, #tpu.memory_space<hbm>> -> memref<1x80x128xi32, #tpu.memory_space<hbm>>
      %dma_wait3A_71 = tpu.memref_squeeze %dma_wait3A_70 : memref<1x80x128xi32, #tpu.memory_space<hbm>> -> memref<80x128xi32, #tpu.memory_space<hbm>>
      %dma_wait3A_72 = arith.constant 0 : i32
      %dma_wait3A_73 = arith.constant 0 : i32
      %dma_wait3A_74 = tpu.memref_slice %dma_wait3A_71[%dma_wait3A_72, %dma_wait3A_73] : memref<80x128xi32, #tpu.memory_space<hbm>> -> memref<40x128xi32, #tpu.memory_space<hbm>>
      tpu.wait_dma2 semaphore(%run_scoped3A : memref<!tpu.dma_semaphore, #tpu.memory_space<semaphore_mem>>) src(%dma_wait3A_74 : memref<40x128xi32, #tpu.memory_space<hbm>>) dst(%arg8 : memref<40x128xi32, #tpu.memory_space<vmem>>)
      tpu.yield
    }) : () -> ()
    %dma_start3A = arith.constant 0 : i32
    %dma_start3A_9 = arith.constant 0 : i32
    %dma_start3A_10 = tpu.memref_slice %arg7[%dma_start3A, %dma_start3A_9] : memref<40x128xi32, #tpu.memory_space<vmem>> -> memref<1x128xi32, #tpu.memory_space<vmem>>
    %dma_start3A_11 = tpu.memref_squeeze %dma_start3A_10 : memref<1x128xi32, #tpu.memory_space<vmem>> -> memref<128xi32, #tpu.memory_space<vmem>>
    %dma_start3A_12 = arith.constant 0 : i32
    %dma_start3A_13 = arith.constant 0 : i32
    %dma_start3A_14 = tpu.memref_slice %arg2[%dma_start3A_12, %dma_start3A_13] : memref<10240x128xf32, #tpu.memory_space<hbm>> -> memref<10240x128xf32, #tpu.memory_space<hbm>>
    tpu.enqueue_indirect_dma source(%dma_start3A_14 : memref<10240x128xf32, #tpu.memory_space<hbm>>) target(%arg9 : memref<128x128xf32, #tpu.memory_space<vmem>>) offsets(%dma_start3A_11 : memref<128xi32, #tpu.memory_space<vmem>>) semaphore(%arg12 : memref<!tpu.dma_semaphore, #tpu.memory_space<semaphore_mem>>)
    %dma_start3A_15 = arith.constant 1 : i32
    %dma_start3A_16 = arith.constant 0 : i32
    %dma_start3A_17 = tpu.memref_slice %arg7[%dma_start3A_15, %dma_start3A_16] : memref<40x128xi32, #tpu.memory_space<vmem>> -> memref<1x128xi32, #tpu.memory_space<vmem>>
    %dma_start3A_18 = tpu.memref_squeeze %dma_start3A_17 : memref<1x128xi32, #tpu.memory_space<vmem>> -> memref<128xi32, #tpu.memory_space<vmem>>
    %dma_start3A_19 = arith.constant 0 : i32
    %dma_start3A_20 = arith.constant 0 : i32
    %dma_start3A_21 = tpu.memref_slice %arg2[%dma_start3A_19, %dma_start3A_20] : memref<10240x128xf32, #tpu.memory_space<hbm>> -> memref<10240x128xf32, #tpu.memory_space<hbm>>
    tpu.enqueue_indirect_dma source(%dma_start3A_21 : memref<10240x128xf32, #tpu.memory_space<hbm>>) target(%arg10 : memref<128x128xf32, #tpu.memory_space<vmem>>) offsets(%dma_start3A_18 : memref<128xi32, #tpu.memory_space<vmem>>) semaphore(%arg13 : memref<!tpu.dma_semaphore, #tpu.memory_space<semaphore_mem>>)
    %scan3A = arith.constant 0 : i32
    %scan3A_22 = arith.constant 0 : i32
    %scan3A_23 = arith.constant 20 : i32
    %scan3A_24 = arith.addi %scan3A_22, %scan3A_23 : i32
    %scan3A_25 = arith.constant 1 : i32
    scf.for %scan3A_48 = %scan3A_22 to %scan3A_24 step %scan3A_25  : i32 {
      %mul3A_49 = arith.constant 2 : i32
      %mul3A_50 = arith.muli %scan3A_48, %mul3A_49 : i32
      %dma_wait3A = arith.constant 0 : i32
      %dma_wait3A_51 = arith.constant 0 : i32
      %dma_wait3A_52 = tpu.memref_slice %arg2[%dma_wait3A, %dma_wait3A_51] : memref<10240x128xf32, #tpu.memory_space<hbm>> -> memref<128x128xf32, #tpu.memory_space<hbm>>
      %dma_wait3A_53 = arith.constant 0 : i32
      %dma_wait3A_54 = arith.constant 0 : i32
      %dma_wait3A_55 = tpu.memref_slice %arg2[%dma_wait3A_53, %dma_wait3A_54] : memref<10240x128xf32, #tpu.memory_space<hbm>> -> memref<128x128xf32, #tpu.memory_space<hbm>>
      tpu.wait_dma2 semaphore(%arg12 : memref<!tpu.dma_semaphore, #tpu.memory_space<semaphore_mem>>) src(%dma_wait3A_55 : memref<128x128xf32, #tpu.memory_space<hbm>>) dst(%arg9 : memref<128x128xf32, #tpu.memory_space<vmem>>)
      %add3A_56 = arith.constant 0 : i32
      %add3A_57 = arith.addi %mul3A_50, %add3A_56 : i32
      "tpu.region"() ({
        %run_scoped3A = tpu.sem_alloc : memref<!tpu.dma_semaphore, #tpu.memory_space<semaphore_mem>>
        %dma_start3A_83 = arith.constant 0 : i32
        %dma_start3A_84 = tpu.memref_slice %arg8[%add3A_57, %dma_start3A_83] : memref<40x128xi32, #tpu.memory_space<vmem>> -> memref<1x128xi32, #tpu.memory_space<vmem>>
        %dma_start3A_85 = tpu.memref_squeeze %dma_start3A_84 : memref<1x128xi32, #tpu.memory_space<vmem>> -> memref<128xi32, #tpu.memory_space<vmem>>
        %dma_start3A_86 = arith.constant 0 : i32
        %dma_start3A_87 = arith.constant 0 : i32
        %dma_start3A_88 = tpu.memref_slice %arg11[%dma_start3A_86, %dma_start3A_87] : memref<10240x128xf32, #tpu.memory_space<vmem_shared>> -> memref<10240x128xf32, #tpu.memory_space<vmem_shared>>
        tpu.enqueue_indirect_dma source(%arg9 : memref<128x128xf32, #tpu.memory_space<vmem>>) target(%dma_start3A_88 : memref<10240x128xf32, #tpu.memory_space<vmem_shared>>) offsets(%dma_start3A_85 : memref<128xi32, #tpu.memory_space<vmem>>) semaphore(%run_scoped3A : memref<!tpu.dma_semaphore, #tpu.memory_space<semaphore_mem>>) {add = true}
        %dma_wait3A_89 = arith.constant 0 : i32
        %dma_wait3A_90 = tpu.memref_slice %arg8[%add3A_57, %dma_wait3A_89] : memref<40x128xi32, #tpu.memory_space<vmem>> -> memref<1x128xi32, #tpu.memory_space<vmem>>
        %dma_wait3A_91 = tpu.memref_squeeze %dma_wait3A_90 : memref<1x128xi32, #tpu.memory_space<vmem>> -> memref<128xi32, #tpu.memory_space<vmem>>
        %dma_wait3A_92 = arith.constant 0 : i32
        %dma_wait3A_93 = arith.constant 0 : i32
        %dma_wait3A_94 = tpu.memref_slice %arg11[%dma_wait3A_92, %dma_wait3A_93] : memref<10240x128xf32, #tpu.memory_space<vmem_shared>> -> memref<10240x128xf32, #tpu.memory_space<vmem_shared>>
        tpu.wait_indirect_dma semaphore(%run_scoped3A : memref<!tpu.dma_semaphore, #tpu.memory_space<semaphore_mem>>) src(%arg9 : memref<128x128xf32, #tpu.memory_space<vmem>>) dst(%dma_wait3A_94 : memref<10240x128xf32, #tpu.memory_space<vmem_shared>>)
        tpu.yield
      }) : () -> ()
      %add3A_58 = arith.constant 0 : i32
      %add3A_59 = arith.addi %mul3A_50, %add3A_58 : i32
      %add3A_60 = arith.constant 2 : i32
      %add3A_61 = arith.addi %add3A_59, %add3A_60 : i32
      %lt3A = arith.constant 40 : i32
      %lt3A_62 = arith.cmpi slt, %add3A_61, %lt3A : i32
      %convert_element_type3A_63 = arith.extui %lt3A_62 : i1 to i32
      %cond3A_64 = arith.constant 0 : i32
      %cond3A_65 = arith.cmpi ne, %convert_element_type3A_63, %cond3A_64 : i32
      scf.if %cond3A_65 {
        %add3A_83 = arith.constant 0 : i32
        %add3A_84 = arith.addi %mul3A_50, %add3A_83 : i32
        %add3A_85 = arith.constant 2 : i32
        %add3A_86 = arith.addi %add3A_84, %add3A_85 : i32
        %dma_start3A_87 = arith.constant 0 : i32
        %dma_start3A_88 = tpu.memref_slice %arg7[%add3A_86, %dma_start3A_87] : memref<40x128xi32, #tpu.memory_space<vmem>> -> memref<1x128xi32, #tpu.memory_space<vmem>>
        %dma_start3A_89 = tpu.memref_squeeze %dma_start3A_88 : memref<1x128xi32, #tpu.memory_space<vmem>> -> memref<128xi32, #tpu.memory_space<vmem>>
        %dma_start3A_90 = arith.constant 0 : i32
        %dma_start3A_91 = arith.constant 0 : i32
        %dma_start3A_92 = tpu.memref_slice %arg2[%dma_start3A_90, %dma_start3A_91] : memref<10240x128xf32, #tpu.memory_space<hbm>> -> memref<10240x128xf32, #tpu.memory_space<hbm>>
        tpu.enqueue_indirect_dma source(%dma_start3A_92 : memref<10240x128xf32, #tpu.memory_space<hbm>>) target(%arg9 : memref<128x128xf32, #tpu.memory_space<vmem>>) offsets(%dma_start3A_89 : memref<128xi32, #tpu.memory_space<vmem>>) semaphore(%arg12 : memref<!tpu.dma_semaphore, #tpu.memory_space<semaphore_mem>>)
      } else {
      }
      %dma_wait3A_66 = arith.constant 0 : i32
      %dma_wait3A_67 = arith.constant 0 : i32
      %dma_wait3A_68 = tpu.memref_slice %arg2[%dma_wait3A_66, %dma_wait3A_67] : memref<10240x128xf32, #tpu.memory_space<hbm>> -> memref<128x128xf32, #tpu.memory_space<hbm>>
      %dma_wait3A_69 = arith.constant 0 : i32
      %dma_wait3A_70 = arith.constant 0 : i32
      %dma_wait3A_71 = tpu.memref_slice %arg2[%dma_wait3A_69, %dma_wait3A_70] : memref<10240x128xf32, #tpu.memory_space<hbm>> -> memref<128x128xf32, #tpu.memory_space<hbm>>
      tpu.wait_dma2 semaphore(%arg13 : memref<!tpu.dma_semaphore, #tpu.memory_space<semaphore_mem>>) src(%dma_wait3A_71 : memref<128x128xf32, #tpu.memory_space<hbm>>) dst(%arg10 : memref<128x128xf32, #tpu.memory_space<vmem>>)
      %add3A_72 = arith.constant 1 : i32
      %add3A_73 = arith.addi %mul3A_50, %add3A_72 : i32
      "tpu.region"() ({
        %run_scoped3A = tpu.sem_alloc : memref<!tpu.dma_semaphore, #tpu.memory_space<semaphore_mem>>
        %dma_start3A_83 = arith.constant 0 : i32
        %dma_start3A_84 = tpu.memref_slice %arg8[%add3A_73, %dma_start3A_83] : memref<40x128xi32, #tpu.memory_space<vmem>> -> memref<1x128xi32, #tpu.memory_space<vmem>>
        %dma_start3A_85 = tpu.memref_squeeze %dma_start3A_84 : memref<1x128xi32, #tpu.memory_space<vmem>> -> memref<128xi32, #tpu.memory_space<vmem>>
        %dma_start3A_86 = arith.constant 0 : i32
        %dma_start3A_87 = arith.constant 0 : i32
        %dma_start3A_88 = tpu.memref_slice %arg11[%dma_start3A_86, %dma_start3A_87] : memref<10240x128xf32, #tpu.memory_space<vmem_shared>> -> memref<10240x128xf32, #tpu.memory_space<vmem_shared>>
        tpu.enqueue_indirect_dma source(%arg10 : memref<128x128xf32, #tpu.memory_space<vmem>>) target(%dma_start3A_88 : memref<10240x128xf32, #tpu.memory_space<vmem_shared>>) offsets(%dma_start3A_85 : memref<128xi32, #tpu.memory_space<vmem>>) semaphore(%run_scoped3A : memref<!tpu.dma_semaphore, #tpu.memory_space<semaphore_mem>>) {add = true}
        %dma_wait3A_89 = arith.constant 0 : i32
        %dma_wait3A_90 = tpu.memref_slice %arg8[%add3A_73, %dma_wait3A_89] : memref<40x128xi32, #tpu.memory_space<vmem>> -> memref<1x128xi32, #tpu.memory_space<vmem>>
        %dma_wait3A_91 = tpu.memref_squeeze %dma_wait3A_90 : memref<1x128xi32, #tpu.memory_space<vmem>> -> memref<128xi32, #tpu.memory_space<vmem>>
        %dma_wait3A_92 = arith.constant 0 : i32
        %dma_wait3A_93 = arith.constant 0 : i32
        %dma_wait3A_94 = tpu.memref_slice %arg11[%dma_wait3A_92, %dma_wait3A_93] : memref<10240x128xf32, #tpu.memory_space<vmem_shared>> -> memref<10240x128xf32, #tpu.memory_space<vmem_shared>>
        tpu.wait_indirect_dma semaphore(%run_scoped3A : memref<!tpu.dma_semaphore, #tpu.memory_space<semaphore_mem>>) src(%arg10 : memref<128x128xf32, #tpu.memory_space<vmem>>) dst(%dma_wait3A_94 : memref<10240x128xf32, #tpu.memory_space<vmem_shared>>)
        tpu.yield
      }) : () -> ()
      %add3A_74 = arith.constant 1 : i32
      %add3A_75 = arith.addi %mul3A_50, %add3A_74 : i32
      %add3A_76 = arith.constant 2 : i32
      %add3A_77 = arith.addi %add3A_75, %add3A_76 : i32
      %lt3A_78 = arith.constant 40 : i32
      %lt3A_79 = arith.cmpi slt, %add3A_77, %lt3A_78 : i32
      %convert_element_type3A_80 = arith.extui %lt3A_79 : i1 to i32
      %cond3A_81 = arith.constant 0 : i32
      %cond3A_82 = arith.cmpi ne, %convert_element_type3A_80, %cond3A_81 : i32
      scf.if %cond3A_82 {
        %add3A_83 = arith.constant 1 : i32
        %add3A_84 = arith.addi %mul3A_50, %add3A_83 : i32
        %add3A_85 = arith.constant 2 : i32
        %add3A_86 = arith.addi %add3A_84, %add3A_85 : i32
        %dma_start3A_87 = arith.constant 0 : i32
        %dma_start3A_88 = tpu.memref_slice %arg7[%add3A_86, %dma_start3A_87] : memref<40x128xi32, #tpu.memory_space<vmem>> -> memref<1x128xi32, #tpu.memory_space<vmem>>
        %dma_start3A_89 = tpu.memref_squeeze %dma_start3A_88 : memref<1x128xi32, #tpu.memory_space<vmem>> -> memref<128xi32, #tpu.memory_space<vmem>>
        %dma_start3A_90 = arith.constant 0 : i32
        %dma_start3A_91 = arith.constant 0 : i32
        %dma_start3A_92 = tpu.memref_slice %arg2[%dma_start3A_90, %dma_start3A_91] : memref<10240x128xf32, #tpu.memory_space<hbm>> -> memref<10240x128xf32, #tpu.memory_space<hbm>>
        tpu.enqueue_indirect_dma source(%dma_start3A_92 : memref<10240x128xf32, #tpu.memory_space<hbm>>) target(%arg10 : memref<128x128xf32, #tpu.memory_space<vmem>>) offsets(%dma_start3A_89 : memref<128xi32, #tpu.memory_space<vmem>>) semaphore(%arg13 : memref<!tpu.dma_semaphore, #tpu.memory_space<semaphore_mem>>)
      } else {
      }
    }
    %scan3A_26 = arith.constant 20 : i32
    "tpu.region"() ({
      %run_scoped3A = tpu.sem_alloc : memref<!tpu.dma_semaphore, #tpu.memory_space<semaphore_mem>>
      %dma_start3A_48 = arith.constant 0 : i32
      %dma_start3A_49 = arith.constant 0 : i32
      %dma_start3A_50 = tpu.memref_slice %arg3[%add3A, %dma_start3A_48, %dma_start3A_49] : memref<32x80x128xi32, #tpu.memory_space<hbm>> -> memref<1x80x128xi32, #tpu.memory_space<hbm>>
      %dma_start3A_51 = tpu.memref_squeeze %dma_start3A_50 : memref<1x80x128xi32, #tpu.memory_space<hbm>> -> memref<80x128xi32, #tpu.memory_space<hbm>>
      %dma_start3A_52 = arith.constant 40 : i32
      %dma_start3A_53 = arith.constant 0 : i32
      %dma_start3A_54 = tpu.memref_slice %dma_start3A_51[%dma_start3A_52, %dma_start3A_53] : memref<80x128xi32, #tpu.memory_space<hbm>> -> memref<40x128xi32, #tpu.memory_space<hbm>>
      %dma_start3A_55 = arith.constant 0 : i32
      %dma_start3A_56 = arith.constant 0 : i32
      %dma_start3A_57 = tpu.memref_slice %arg3[%add3A, %dma_start3A_55, %dma_start3A_56] : memref<32x80x128xi32, #tpu.memory_space<hbm>> -> memref<1x80x128xi32, #tpu.memory_space<hbm>>
      %dma_start3A_58 = tpu.memref_squeeze %dma_start3A_57 : memref<1x80x128xi32, #tpu.memory_space<hbm>> -> memref<80x128xi32, #tpu.memory_space<hbm>>
      %dma_start3A_59 = arith.constant 40 : i32
      %dma_start3A_60 = arith.constant 0 : i32
      %dma_start3A_61 = tpu.memref_slice %dma_start3A_58[%dma_start3A_59, %dma_start3A_60] : memref<80x128xi32, #tpu.memory_space<hbm>> -> memref<40x128xi32, #tpu.memory_space<hbm>>
      tpu.enqueue_dma source(%dma_start3A_61 : memref<40x128xi32, #tpu.memory_space<hbm>>) target(%arg7 : memref<40x128xi32, #tpu.memory_space<vmem>>) target_semaphore(%run_scoped3A : memref<!tpu.dma_semaphore, #tpu.memory_space<semaphore_mem>>)
      %dma_wait3A = arith.constant 0 : i32
      %dma_wait3A_62 = arith.constant 0 : i32
      %dma_wait3A_63 = tpu.memref_slice %arg3[%add3A, %dma_wait3A, %dma_wait3A_62] : memref<32x80x128xi32, #tpu.memory_space<hbm>> -> memref<1x80x128xi32, #tpu.memory_space<hbm>>
      %dma_wait3A_64 = tpu.memref_squeeze %dma_wait3A_63 : memref<1x80x128xi32, #tpu.memory_space<hbm>> -> memref<80x128xi32, #tpu.memory_space<hbm>>
      %dma_wait3A_65 = arith.constant 40 : i32
      %dma_wait3A_66 = arith.constant 0 : i32
      %dma_wait3A_67 = tpu.memref_slice %dma_wait3A_64[%dma_wait3A_65, %dma_wait3A_66] : memref<80x128xi32, #tpu.memory_space<hbm>> -> memref<40x128xi32, #tpu.memory_space<hbm>>
      %dma_wait3A_68 = arith.constant 0 : i32
      %dma_wait3A_69 = arith.constant 0 : i32
      %dma_wait3A_70 = tpu.memref_slice %arg3[%add3A, %dma_wait3A_68, %dma_wait3A_69] : memref<32x80x128xi32, #tpu.memory_space<hbm>> -> memref<1x80x128xi32, #tpu.memory_space<hbm>>
      %dma_wait3A_71 = tpu.memref_squeeze %dma_wait3A_70 : memref<1x80x128xi32, #tpu.memory_space<hbm>> -> memref<80x128xi32, #tpu.memory_space<hbm>>
      %dma_wait3A_72 = arith.constant 40 : i32
      %dma_wait3A_73 = arith.constant 0 : i32
      %dma_wait3A_74 = tpu.memref_slice %dma_wait3A_71[%dma_wait3A_72, %dma_wait3A_73] : memref<80x128xi32, #tpu.memory_space<hbm>> -> memref<40x128xi32, #tpu.memory_space<hbm>>
      tpu.wait_dma2 semaphore(%run_scoped3A : memref<!tpu.dma_semaphore, #tpu.memory_space<semaphore_mem>>) src(%dma_wait3A_74 : memref<40x128xi32, #tpu.memory_space<hbm>>) dst(%arg7 : memref<40x128xi32, #tpu.memory_space<vmem>>)
      tpu.yield
    }) : () -> ()
    "tpu.region"() ({
      %run_scoped3A = tpu.sem_alloc : memref<!tpu.dma_semaphore, #tpu.memory_space<semaphore_mem>>
      %dma_start3A_48 = arith.constant 0 : i32
      %dma_start3A_49 = arith.constant 0 : i32
      %dma_start3A_50 = tpu.memref_slice %arg4[%add3A, %dma_start3A_48, %dma_start3A_49] : memref<32x80x128xi32, #tpu.memory_space<hbm>> -> memref<1x80x128xi32, #tpu.memory_space<hbm>>
      %dma_start3A_51 = tpu.memref_squeeze %dma_start3A_50 : memref<1x80x128xi32, #tpu.memory_space<hbm>> -> memref<80x128xi32, #tpu.memory_space<hbm>>
      %dma_start3A_52 = arith.constant 40 : i32
      %dma_start3A_53 = arith.constant 0 : i32
      %dma_start3A_54 = tpu.memref_slice %dma_start3A_51[%dma_start3A_52, %dma_start3A_53] : memref<80x128xi32, #tpu.memory_space<hbm>> -> memref<40x128xi32, #tpu.memory_space<hbm>>
      %dma_start3A_55 = arith.constant 0 : i32
      %dma_start3A_56 = arith.constant 0 : i32
      %dma_start3A_57 = tpu.memref_slice %arg4[%add3A, %dma_start3A_55, %dma_start3A_56] : memref<32x80x128xi32, #tpu.memory_space<hbm>> -> memref<1x80x128xi32, #tpu.memory_space<hbm>>
      %dma_start3A_58 = tpu.memref_squeeze %dma_start3A_57 : memref<1x80x128xi32, #tpu.memory_space<hbm>> -> memref<80x128xi32, #tpu.memory_space<hbm>>
      %dma_start3A_59 = arith.constant 40 : i32
      %dma_start3A_60 = arith.constant 0 : i32
      %dma_start3A_61 = tpu.memref_slice %dma_start3A_58[%dma_start3A_59, %dma_start3A_60] : memref<80x128xi32, #tpu.memory_space<hbm>> -> memref<40x128xi32, #tpu.memory_space<hbm>>
      tpu.enqueue_dma source(%dma_start3A_61 : memref<40x128xi32, #tpu.memory_space<hbm>>) target(%arg8 : memref<40x128xi32, #tpu.memory_space<vmem>>) target_semaphore(%run_scoped3A : memref<!tpu.dma_semaphore, #tpu.memory_space<semaphore_mem>>)
      %dma_wait3A = arith.constant 0 : i32
      %dma_wait3A_62 = arith.constant 0 : i32
      %dma_wait3A_63 = tpu.memref_slice %arg4[%add3A, %dma_wait3A, %dma_wait3A_62] : memref<32x80x128xi32, #tpu.memory_space<hbm>> -> memref<1x80x128xi32, #tpu.memory_space<hbm>>
      %dma_wait3A_64 = tpu.memref_squeeze %dma_wait3A_63 : memref<1x80x128xi32, #tpu.memory_space<hbm>> -> memref<80x128xi32, #tpu.memory_space<hbm>>
      %dma_wait3A_65 = arith.constant 40 : i32
      %dma_wait3A_66 = arith.constant 0 : i32
      %dma_wait3A_67 = tpu.memref_slice %dma_wait3A_64[%dma_wait3A_65, %dma_wait3A_66] : memref<80x128xi32, #tpu.memory_space<hbm>> -> memref<40x128xi32, #tpu.memory_space<hbm>>
      %dma_wait3A_68 = arith.constant 0 : i32
      %dma_wait3A_69 = arith.constant 0 : i32
      %dma_wait3A_70 = tpu.memref_slice %arg4[%add3A, %dma_wait3A_68, %dma_wait3A_69] : memref<32x80x128xi32, #tpu.memory_space<hbm>> -> memref<1x80x128xi32, #tpu.memory_space<hbm>>
      %dma_wait3A_71 = tpu.memref_squeeze %dma_wait3A_70 : memref<1x80x128xi32, #tpu.memory_space<hbm>> -> memref<80x128xi32, #tpu.memory_space<hbm>>
      %dma_wait3A_72 = arith.constant 40 : i32
      %dma_wait3A_73 = arith.constant 0 : i32
      %dma_wait3A_74 = tpu.memref_slice %dma_wait3A_71[%dma_wait3A_72, %dma_wait3A_73] : memref<80x128xi32, #tpu.memory_space<hbm>> -> memref<40x128xi32, #tpu.memory_space<hbm>>
      tpu.wait_dma2 semaphore(%run_scoped3A : memref<!tpu.dma_semaphore, #tpu.memory_space<semaphore_mem>>) src(%dma_wait3A_74 : memref<40x128xi32, #tpu.memory_space<hbm>>) dst(%arg8 : memref<40x128xi32, #tpu.memory_space<vmem>>)
      tpu.yield
    }) : () -> ()
    %dma_start3A_27 = arith.constant 0 : i32
    %dma_start3A_28 = arith.constant 0 : i32
    %dma_start3A_29 = tpu.memref_slice %arg7[%dma_start3A_27, %dma_start3A_28] : memref<40x128xi32, #tpu.memory_space<vmem>> -> memref<1x128xi32, #tpu.memory_space<vmem>>
    %dma_start3A_30 = tpu.memref_squeeze %dma_start3A_29 : memref<1x128xi32, #tpu.memory_space<vmem>> -> memref<128xi32, #tpu.memory_space<vmem>>
    %dma_start3A_31 = arith.constant 0 : i32
    %dma_start3A_32 = arith.constant 0 : i32
    %dma_start3A_33 = tpu.memref_slice %arg2[%dma_start3A_31, %dma_start3A_32] : memref<10240x128xf32, #tpu.memory_space<hbm>> -> memref<10240x128xf32, #tpu.memory_space<hbm>>
    tpu.enqueue_indirect_dma source(%dma_start3A_33 : memref<10240x128xf32, #tpu.memory_space<hbm>>) target(%arg9 : memref<128x128xf32, #tpu.memory_space<vmem>>) offsets(%dma_start3A_30 : memref<128xi32, #tpu.memory_space<vmem>>) semaphore(%arg12 : memref<!tpu.dma_semaphore, #tpu.memory_space<semaphore_mem>>)
    %dma_start3A_34 = arith.constant 1 : i32
    %dma_start3A_35 = arith.constant 0 : i32
    %dma_start3A_36 = tpu.memref_slice %arg7[%dma_start3A_34, %dma_start3A_35] : memref<40x128xi32, #tpu.memory_space<vmem>> -> memref<1x128xi32, #tpu.memory_space<vmem>>
    %dma_start3A_37 = tpu.memref_squeeze %dma_start3A_36 : memref<1x128xi32, #tpu.memory_space<vmem>> -> memref<128xi32, #tpu.memory_space<vmem>>
    %dma_start3A_38 = arith.constant 0 : i32
    %dma_start3A_39 = arith.constant 0 : i32
    %dma_start3A_40 = tpu.memref_slice %arg2[%dma_start3A_38, %dma_start3A_39] : memref<10240x128xf32, #tpu.memory_space<hbm>> -> memref<10240x128xf32, #tpu.memory_space<hbm>>
    tpu.enqueue_indirect_dma source(%dma_start3A_40 : memref<10240x128xf32, #tpu.memory_space<hbm>>) target(%arg10 : memref<128x128xf32, #tpu.memory_space<vmem>>) offsets(%dma_start3A_37 : memref<128xi32, #tpu.memory_space<vmem>>) semaphore(%arg13 : memref<!tpu.dma_semaphore, #tpu.memory_space<semaphore_mem>>)
    %scan3A_41 = arith.constant 0 : i32
    %scan3A_42 = arith.constant 0 : i32
    %scan3A_43 = arith.constant 20 : i32
    %scan3A_44 = arith.addi %scan3A_42, %scan3A_43 : i32
    %scan3A_45 = arith.constant 1 : i32
    scf.for %scan3A_48 = %scan3A_42 to %scan3A_44 step %scan3A_45  : i32 {
      %mul3A_49 = arith.constant 2 : i32
      %mul3A_50 = arith.muli %scan3A_48, %mul3A_49 : i32
      %dma_wait3A = arith.constant 0 : i32
      %dma_wait3A_51 = arith.constant 0 : i32
      %dma_wait3A_52 = tpu.memref_slice %arg2[%dma_wait3A, %dma_wait3A_51] : memref<10240x128xf32, #tpu.memory_space<hbm>> -> memref<128x128xf32, #tpu.memory_space<hbm>>
      %dma_wait3A_53 = arith.constant 0 : i32
      %dma_wait3A_54 = arith.constant 0 : i32
      %dma_wait3A_55 = tpu.memref_slice %arg2[%dma_wait3A_53, %dma_wait3A_54] : memref<10240x128xf32, #tpu.memory_space<hbm>> -> memref<128x128xf32, #tpu.memory_space<hbm>>
      tpu.wait_dma2 semaphore(%arg12 : memref<!tpu.dma_semaphore, #tpu.memory_space<semaphore_mem>>) src(%dma_wait3A_55 : memref<128x128xf32, #tpu.memory_space<hbm>>) dst(%arg9 : memref<128x128xf32, #tpu.memory_space<vmem>>)
      %add3A_56 = arith.constant 0 : i32
      %add3A_57 = arith.addi %mul3A_50, %add3A_56 : i32
      "tpu.region"() ({
        %run_scoped3A = tpu.sem_alloc : memref<!tpu.dma_semaphore, #tpu.memory_space<semaphore_mem>>
        %dma_start3A_83 = arith.constant 0 : i32
        %dma_start3A_84 = tpu.memref_slice %arg8[%add3A_57, %dma_start3A_83] : memref<40x128xi32, #tpu.memory_space<vmem>> -> memref<1x128xi32, #tpu.memory_space<vmem>>
        %dma_start3A_85 = tpu.memref_squeeze %dma_start3A_84 : memref<1x128xi32, #tpu.memory_space<vmem>> -> memref<128xi32, #tpu.memory_space<vmem>>
        %dma_start3A_86 = arith.constant 0 : i32
        %dma_start3A_87 = arith.constant 0 : i32
        %dma_start3A_88 = tpu.memref_slice %arg11[%dma_start3A_86, %dma_start3A_87] : memref<10240x128xf32, #tpu.memory_space<vmem_shared>> -> memref<10240x128xf32, #tpu.memory_space<vmem_shared>>
        tpu.enqueue_indirect_dma source(%arg9 : memref<128x128xf32, #tpu.memory_space<vmem>>) target(%dma_start3A_88 : memref<10240x128xf32, #tpu.memory_space<vmem_shared>>) offsets(%dma_start3A_85 : memref<128xi32, #tpu.memory_space<vmem>>) semaphore(%run_scoped3A : memref<!tpu.dma_semaphore, #tpu.memory_space<semaphore_mem>>) {add = true}
        %dma_wait3A_89 = arith.constant 0 : i32
        %dma_wait3A_90 = tpu.memref_slice %arg8[%add3A_57, %dma_wait3A_89] : memref<40x128xi32, #tpu.memory_space<vmem>> -> memref<1x128xi32, #tpu.memory_space<vmem>>
        %dma_wait3A_91 = tpu.memref_squeeze %dma_wait3A_90 : memref<1x128xi32, #tpu.memory_space<vmem>> -> memref<128xi32, #tpu.memory_space<vmem>>
        %dma_wait3A_92 = arith.constant 0 : i32
        %dma_wait3A_93 = arith.constant 0 : i32
        %dma_wait3A_94 = tpu.memref_slice %arg11[%dma_wait3A_92, %dma_wait3A_93] : memref<10240x128xf32, #tpu.memory_space<vmem_shared>> -> memref<10240x128xf32, #tpu.memory_space<vmem_shared>>
        tpu.wait_indirect_dma semaphore(%run_scoped3A : memref<!tpu.dma_semaphore, #tpu.memory_space<semaphore_mem>>) src(%arg9 : memref<128x128xf32, #tpu.memory_space<vmem>>) dst(%dma_wait3A_94 : memref<10240x128xf32, #tpu.memory_space<vmem_shared>>)
        tpu.yield
      }) : () -> ()
      %add3A_58 = arith.constant 0 : i32
      %add3A_59 = arith.addi %mul3A_50, %add3A_58 : i32
      %add3A_60 = arith.constant 2 : i32
      %add3A_61 = arith.addi %add3A_59, %add3A_60 : i32
      %lt3A = arith.constant 40 : i32
      %lt3A_62 = arith.cmpi slt, %add3A_61, %lt3A : i32
      %convert_element_type3A_63 = arith.extui %lt3A_62 : i1 to i32
      %cond3A_64 = arith.constant 0 : i32
      %cond3A_65 = arith.cmpi ne, %convert_element_type3A_63, %cond3A_64 : i32
      scf.if %cond3A_65 {
        %add3A_83 = arith.constant 0 : i32
        %add3A_84 = arith.addi %mul3A_50, %add3A_83 : i32
        %add3A_85 = arith.constant 2 : i32
        %add3A_86 = arith.addi %add3A_84, %add3A_85 : i32
        %dma_start3A_87 = arith.constant 0 : i32
        %dma_start3A_88 = tpu.memref_slice %arg7[%add3A_86, %dma_start3A_87] : memref<40x128xi32, #tpu.memory_space<vmem>> -> memref<1x128xi32, #tpu.memory_space<vmem>>
        %dma_start3A_89 = tpu.memref_squeeze %dma_start3A_88 : memref<1x128xi32, #tpu.memory_space<vmem>> -> memref<128xi32, #tpu.memory_space<vmem>>
        %dma_start3A_90 = arith.constant 0 : i32
        %dma_start3A_91 = arith.constant 0 : i32
        %dma_start3A_92 = tpu.memref_slice %arg2[%dma_start3A_90, %dma_start3A_91] : memref<10240x128xf32, #tpu.memory_space<hbm>> -> memref<10240x128xf32, #tpu.memory_space<hbm>>
        tpu.enqueue_indirect_dma source(%dma_start3A_92 : memref<10240x128xf32, #tpu.memory_space<hbm>>) target(%arg9 : memref<128x128xf32, #tpu.memory_space<vmem>>) offsets(%dma_start3A_89 : memref<128xi32, #tpu.memory_space<vmem>>) semaphore(%arg12 : memref<!tpu.dma_semaphore, #tpu.memory_space<semaphore_mem>>)
      } else {
      }
      %dma_wait3A_66 = arith.constant 0 : i32
      %dma_wait3A_67 = arith.constant 0 : i32
      %dma_wait3A_68 = tpu.memref_slice %arg2[%dma_wait3A_66, %dma_wait3A_67] : memref<10240x128xf32, #tpu.memory_space<hbm>> -> memref<128x128xf32, #tpu.memory_space<hbm>>
      %dma_wait3A_69 = arith.constant 0 : i32
      %dma_wait3A_70 = arith.constant 0 : i32
      %dma_wait3A_71 = tpu.memref_slice %arg2[%dma_wait3A_69, %dma_wait3A_70] : memref<10240x128xf32, #tpu.memory_space<hbm>> -> memref<128x128xf32, #tpu.memory_space<hbm>>
      tpu.wait_dma2 semaphore(%arg13 : memref<!tpu.dma_semaphore, #tpu.memory_space<semaphore_mem>>) src(%dma_wait3A_71 : memref<128x128xf32, #tpu.memory_space<hbm>>) dst(%arg10 : memref<128x128xf32, #tpu.memory_space<vmem>>)
      %add3A_72 = arith.constant 1 : i32
      %add3A_73 = arith.addi %mul3A_50, %add3A_72 : i32
      "tpu.region"() ({
        %run_scoped3A = tpu.sem_alloc : memref<!tpu.dma_semaphore, #tpu.memory_space<semaphore_mem>>
        %dma_start3A_83 = arith.constant 0 : i32
        %dma_start3A_84 = tpu.memref_slice %arg8[%add3A_73, %dma_start3A_83] : memref<40x128xi32, #tpu.memory_space<vmem>> -> memref<1x128xi32, #tpu.memory_space<vmem>>
        %dma_start3A_85 = tpu.memref_squeeze %dma_start3A_84 : memref<1x128xi32, #tpu.memory_space<vmem>> -> memref<128xi32, #tpu.memory_space<vmem>>
        %dma_start3A_86 = arith.constant 0 : i32
        %dma_start3A_87 = arith.constant 0 : i32
        %dma_start3A_88 = tpu.memref_slice %arg11[%dma_start3A_86, %dma_start3A_87] : memref<10240x128xf32, #tpu.memory_space<vmem_shared>> -> memref<10240x128xf32, #tpu.memory_space<vmem_shared>>
        tpu.enqueue_indirect_dma source(%arg10 : memref<128x128xf32, #tpu.memory_space<vmem>>) target(%dma_start3A_88 : memref<10240x128xf32, #tpu.memory_space<vmem_shared>>) offsets(%dma_start3A_85 : memref<128xi32, #tpu.memory_space<vmem>>) semaphore(%run_scoped3A : memref<!tpu.dma_semaphore, #tpu.memory_space<semaphore_mem>>) {add = true}
        %dma_wait3A_89 = arith.constant 0 : i32
        %dma_wait3A_90 = tpu.memref_slice %arg8[%add3A_73, %dma_wait3A_89] : memref<40x128xi32, #tpu.memory_space<vmem>> -> memref<1x128xi32, #tpu.memory_space<vmem>>
        %dma_wait3A_91 = tpu.memref_squeeze %dma_wait3A_90 : memref<1x128xi32, #tpu.memory_space<vmem>> -> memref<128xi32, #tpu.memory_space<vmem>>
        %dma_wait3A_92 = arith.constant 0 : i32
        %dma_wait3A_93 = arith.constant 0 : i32
        %dma_wait3A_94 = tpu.memref_slice %arg11[%dma_wait3A_92, %dma_wait3A_93] : memref<10240x128xf32, #tpu.memory_space<vmem_shared>> -> memref<10240x128xf32, #tpu.memory_space<vmem_shared>>
        tpu.wait_indirect_dma semaphore(%run_scoped3A : memref<!tpu.dma_semaphore, #tpu.memory_space<semaphore_mem>>) src(%arg10 : memref<128x128xf32, #tpu.memory_space<vmem>>) dst(%dma_wait3A_94 : memref<10240x128xf32, #tpu.memory_space<vmem_shared>>)
        tpu.yield
      }) : () -> ()
      %add3A_74 = arith.constant 1 : i32
      %add3A_75 = arith.addi %mul3A_50, %add3A_74 : i32
      %add3A_76 = arith.constant 2 : i32
      %add3A_77 = arith.addi %add3A_75, %add3A_76 : i32
      %lt3A_78 = arith.constant 40 : i32
      %lt3A_79 = arith.cmpi slt, %add3A_77, %lt3A_78 : i32
      %convert_element_type3A_80 = arith.extui %lt3A_79 : i1 to i32
      %cond3A_81 = arith.constant 0 : i32
      %cond3A_82 = arith.cmpi ne, %convert_element_type3A_80, %cond3A_81 : i32
      scf.if %cond3A_82 {
        %add3A_83 = arith.constant 1 : i32
        %add3A_84 = arith.addi %mul3A_50, %add3A_83 : i32
        %add3A_85 = arith.constant 2 : i32
        %add3A_86 = arith.addi %add3A_84, %add3A_85 : i32
        %dma_start3A_87 = arith.constant 0 : i32
        %dma_start3A_88 = tpu.memref_slice %arg7[%add3A_86, %dma_start3A_87] : memref<40x128xi32, #tpu.memory_space<vmem>> -> memref<1x128xi32, #tpu.memory_space<vmem>>
        %dma_start3A_89 = tpu.memref_squeeze %dma_start3A_88 : memref<1x128xi32, #tpu.memory_space<vmem>> -> memref<128xi32, #tpu.memory_space<vmem>>
        %dma_start3A_90 = arith.constant 0 : i32
        %dma_start3A_91 = arith.constant 0 : i32
        %dma_start3A_92 = tpu.memref_slice %arg2[%dma_start3A_90, %dma_start3A_91] : memref<10240x128xf32, #tpu.memory_space<hbm>> -> memref<10240x128xf32, #tpu.memory_space<hbm>>
        tpu.enqueue_indirect_dma source(%dma_start3A_92 : memref<10240x128xf32, #tpu.memory_space<hbm>>) target(%arg10 : memref<128x128xf32, #tpu.memory_space<vmem>>) offsets(%dma_start3A_89 : memref<128xi32, #tpu.memory_space<vmem>>) semaphore(%arg13 : memref<!tpu.dma_semaphore, #tpu.memory_space<semaphore_mem>>)
      } else {
      }
    }
    %scan3A_46 = arith.constant 20 : i32
    %barrier3A_47 = arith.constant 0 : index
    tpu.barrier barrier_id(%barrier3A_47)
    "tpu.region"() ({
      %run_scoped3A = tpu.sem_alloc : memref<!tpu.dma_semaphore, #tpu.memory_space<semaphore_mem>>
      %dma_start3A_48 = arith.constant 0 : i32
      %dma_start3A_49 = arith.constant 0 : i32
      %dma_start3A_50 = tpu.memref_slice %arg6[%arg0, %dma_start3A_48, %dma_start3A_49] : memref<2x10240x128xf32, #tpu.memory_space<hbm>> -> memref<1x10240x128xf32, #tpu.memory_space<hbm>>
      %dma_start3A_51 = tpu.memref_squeeze %dma_start3A_50 : memref<1x10240x128xf32, #tpu.memory_space<hbm>> -> memref<10240x128xf32, #tpu.memory_space<hbm>>
      %dma_start3A_52 = arith.constant 0 : i32
      %dma_start3A_53 = tpu.memref_slice %dma_start3A_51[%mul3A_2, %dma_start3A_52] : memref<10240x128xf32, #tpu.memory_space<hbm>> -> memref<640x128xf32, #tpu.memory_space<hbm>>
      %dma_start3A_54 = arith.constant 0 : i32
      %dma_start3A_55 = tpu.memref_slice %arg11[%mul3A_2, %dma_start3A_54] : memref<10240x128xf32, #tpu.memory_space<vmem_shared>> -> memref<640x128xf32, #tpu.memory_space<vmem_shared>>
      tpu.enqueue_dma source(%dma_start3A_55 : memref<640x128xf32, #tpu.memory_space<vmem_shared>>) target(%dma_start3A_53 : memref<640x128xf32, #tpu.memory_space<hbm>>) target_semaphore(%run_scoped3A : memref<!tpu.dma_semaphore, #tpu.memory_space<semaphore_mem>>)
      %dma_wait3A = arith.constant 0 : i32
      %dma_wait3A_56 = arith.constant 0 : i32
      %dma_wait3A_57 = tpu.memref_slice %arg6[%arg0, %dma_wait3A, %dma_wait3A_56] : memref<2x10240x128xf32, #tpu.memory_space<hbm>> -> memref<1x10240x128xf32, #tpu.memory_space<hbm>>
      %dma_wait3A_58 = tpu.memref_squeeze %dma_wait3A_57 : memref<1x10240x128xf32, #tpu.memory_space<hbm>> -> memref<10240x128xf32, #tpu.memory_space<hbm>>
      %dma_wait3A_59 = arith.constant 0 : i32
      %dma_wait3A_60 = tpu.memref_slice %dma_wait3A_58[%mul3A_2, %dma_wait3A_59] : memref<10240x128xf32, #tpu.memory_space<hbm>> -> memref<640x128xf32, #tpu.memory_space<hbm>>
      %dma_wait3A_61 = arith.constant 0 : i32
      %dma_wait3A_62 = tpu.memref_slice %arg11[%mul3A_2, %dma_wait3A_61] : memref<10240x128xf32, #tpu.memory_space<vmem_shared>> -> memref<640x128xf32, #tpu.memory_space<vmem_shared>>
      tpu.wait_dma2 semaphore(%run_scoped3A : memref<!tpu.dma_semaphore, #tpu.memory_space<semaphore_mem>>) src(%dma_wait3A_62 : memref<640x128xf32, #tpu.memory_space<vmem_shared>>) dst(%dma_wait3A_60 : memref<640x128xf32, #tpu.memory_space<hbm>>)
      tpu.yield
    }) : () -> ()
    return
  }
}

#map = affine_map<(d0, d1) -> (0, 0)>
#map1 = affine_map<(d0, d1) -> (0, 0, 0)>
#map2 = affine_map<(d0, d1) -> (0)>
module attributes {stable_mosaic.version = 14 : i64} {
  func.func @k(%arg0: i32, %arg1: i32, %arg2: memref<10240x128xf32, #tpu.memory_space<hbm>>, %arg3: memref<10240x128xf32, #tpu.memory_space<hbm>>, %arg4: memref<32x26x128xi32, #tpu.memory_space<hbm>>, %arg5: memref<32x26x128xi32, #tpu.memory_space<hbm>>, %arg6: memref<128xf32, #tpu.memory_space<hbm>>, %arg7: memref<128xf32, #tpu.memory_space<hbm>>, %arg8: memref<106496x16xf32, #tpu.memory_space<hbm>>, %arg9: memref<26x128xi32, #tpu.memory_space<vmem>>, %arg10: memref<26x128xi32, #tpu.memory_space<vmem>>, %arg11: memref<128x128xf32, #tpu.memory_space<vmem>>, %arg12: memref<128x128xf32, #tpu.memory_space<vmem>>, %arg13: memref<128x128xf32, #tpu.memory_space<vmem>>, %arg14: memref<128x128xf32, #tpu.memory_space<vmem>>, %arg15: memref<128x16xf32, #tpu.memory_space<vmem>>, %arg16: memref<128x16xf32, #tpu.memory_space<vmem>>, %arg17: memref<128xf32, #tpu.memory_space<vmem>>, %arg18: memref<128xf32, #tpu.memory_space<vmem>>, %arg19: memref<!tpu.dma_semaphore, #tpu.memory_space<semaphore_mem>>, %arg20: memref<!tpu.dma_semaphore, #tpu.memory_space<semaphore_mem>>, %arg21: memref<!tpu.dma_semaphore, #tpu.memory_space<semaphore_mem>>, %arg22: memref<!tpu.dma_semaphore, #tpu.memory_space<semaphore_mem>>) attributes {dimension_semantics = [#tpu.dimension_semantics<core_parallel>, #tpu.dimension_semantics<subcore_parallel>], iteration_bounds = array<i64: 2, 16>, scalar_prefetch = 0 : i64, scratch_operands = 14 : i64, tpu.core_type = #tpu.core_type<sc_vector_subcore>, window_params = [{transform_indices = #map}, {transform_indices = #map}, {transform_indices = #map1}, {transform_indices = #map1}, {transform_indices = #map2}, {transform_indices = #map2}, {transform_indices = #map}]} {
    %mul3A = arith.constant 16 : i32
    %mul3A_0 = arith.muli %arg0, %mul3A : i32
    %add3A = arith.addi %mul3A_0, %arg1 : i32
    "tpu.region"() ({
      %run_scoped3A = tpu.sem_alloc : memref<!tpu.dma_semaphore, #tpu.memory_space<semaphore_mem>>
      %dma_start3A_93 = arith.constant 0 : i32
      %dma_start3A_94 = arith.constant 0 : i32
      %dma_start3A_95 = tpu.memref_slice %arg4[%add3A, %dma_start3A_93, %dma_start3A_94] : memref<32x26x128xi32, #tpu.memory_space<hbm>> -> memref<1x26x128xi32, #tpu.memory_space<hbm>>
      %dma_start3A_96 = tpu.memref_squeeze %dma_start3A_95 : memref<1x26x128xi32, #tpu.memory_space<hbm>> -> memref<26x128xi32, #tpu.memory_space<hbm>>
      %dma_start3A_97 = arith.constant 0 : i32
      %dma_start3A_98 = arith.constant 0 : i32
      %dma_start3A_99 = tpu.memref_slice %arg4[%add3A, %dma_start3A_97, %dma_start3A_98] : memref<32x26x128xi32, #tpu.memory_space<hbm>> -> memref<1x26x128xi32, #tpu.memory_space<hbm>>
      %dma_start3A_100 = tpu.memref_squeeze %dma_start3A_99 : memref<1x26x128xi32, #tpu.memory_space<hbm>> -> memref<26x128xi32, #tpu.memory_space<hbm>>
      tpu.enqueue_dma source(%dma_start3A_100 : memref<26x128xi32, #tpu.memory_space<hbm>>) target(%arg9 : memref<26x128xi32, #tpu.memory_space<vmem>>) target_semaphore(%run_scoped3A : memref<!tpu.dma_semaphore, #tpu.memory_space<semaphore_mem>>)
      %dma_wait3A_101 = arith.constant 0 : i32
      %dma_wait3A_102 = arith.constant 0 : i32
      %dma_wait3A_103 = tpu.memref_slice %arg4[%add3A, %dma_wait3A_101, %dma_wait3A_102] : memref<32x26x128xi32, #tpu.memory_space<hbm>> -> memref<1x26x128xi32, #tpu.memory_space<hbm>>
      %dma_wait3A_104 = tpu.memref_squeeze %dma_wait3A_103 : memref<1x26x128xi32, #tpu.memory_space<hbm>> -> memref<26x128xi32, #tpu.memory_space<hbm>>
      %dma_wait3A_105 = arith.constant 0 : i32
      %dma_wait3A_106 = arith.constant 0 : i32
      %dma_wait3A_107 = tpu.memref_slice %arg4[%add3A, %dma_wait3A_105, %dma_wait3A_106] : memref<32x26x128xi32, #tpu.memory_space<hbm>> -> memref<1x26x128xi32, #tpu.memory_space<hbm>>
      %dma_wait3A_108 = tpu.memref_squeeze %dma_wait3A_107 : memref<1x26x128xi32, #tpu.memory_space<hbm>> -> memref<26x128xi32, #tpu.memory_space<hbm>>
      tpu.wait_dma2 semaphore(%run_scoped3A : memref<!tpu.dma_semaphore, #tpu.memory_space<semaphore_mem>>) src(%dma_wait3A_108 : memref<26x128xi32, #tpu.memory_space<hbm>>) dst(%arg9 : memref<26x128xi32, #tpu.memory_space<vmem>>)
      tpu.yield
    }) : () -> ()
    "tpu.region"() ({
      %run_scoped3A = tpu.sem_alloc : memref<!tpu.dma_semaphore, #tpu.memory_space<semaphore_mem>>
      %dma_start3A_93 = arith.constant 0 : i32
      %dma_start3A_94 = arith.constant 0 : i32
      %dma_start3A_95 = tpu.memref_slice %arg5[%add3A, %dma_start3A_93, %dma_start3A_94] : memref<32x26x128xi32, #tpu.memory_space<hbm>> -> memref<1x26x128xi32, #tpu.memory_space<hbm>>
      %dma_start3A_96 = tpu.memref_squeeze %dma_start3A_95 : memref<1x26x128xi32, #tpu.memory_space<hbm>> -> memref<26x128xi32, #tpu.memory_space<hbm>>
      %dma_start3A_97 = arith.constant 0 : i32
      %dma_start3A_98 = arith.constant 0 : i32
      %dma_start3A_99 = tpu.memref_slice %arg5[%add3A, %dma_start3A_97, %dma_start3A_98] : memref<32x26x128xi32, #tpu.memory_space<hbm>> -> memref<1x26x128xi32, #tpu.memory_space<hbm>>
      %dma_start3A_100 = tpu.memref_squeeze %dma_start3A_99 : memref<1x26x128xi32, #tpu.memory_space<hbm>> -> memref<26x128xi32, #tpu.memory_space<hbm>>
      tpu.enqueue_dma source(%dma_start3A_100 : memref<26x128xi32, #tpu.memory_space<hbm>>) target(%arg10 : memref<26x128xi32, #tpu.memory_space<vmem>>) target_semaphore(%run_scoped3A : memref<!tpu.dma_semaphore, #tpu.memory_space<semaphore_mem>>)
      %dma_wait3A_101 = arith.constant 0 : i32
      %dma_wait3A_102 = arith.constant 0 : i32
      %dma_wait3A_103 = tpu.memref_slice %arg5[%add3A, %dma_wait3A_101, %dma_wait3A_102] : memref<32x26x128xi32, #tpu.memory_space<hbm>> -> memref<1x26x128xi32, #tpu.memory_space<hbm>>
      %dma_wait3A_104 = tpu.memref_squeeze %dma_wait3A_103 : memref<1x26x128xi32, #tpu.memory_space<hbm>> -> memref<26x128xi32, #tpu.memory_space<hbm>>
      %dma_wait3A_105 = arith.constant 0 : i32
      %dma_wait3A_106 = arith.constant 0 : i32
      %dma_wait3A_107 = tpu.memref_slice %arg5[%add3A, %dma_wait3A_105, %dma_wait3A_106] : memref<32x26x128xi32, #tpu.memory_space<hbm>> -> memref<1x26x128xi32, #tpu.memory_space<hbm>>
      %dma_wait3A_108 = tpu.memref_squeeze %dma_wait3A_107 : memref<1x26x128xi32, #tpu.memory_space<hbm>> -> memref<26x128xi32, #tpu.memory_space<hbm>>
      tpu.wait_dma2 semaphore(%run_scoped3A : memref<!tpu.dma_semaphore, #tpu.memory_space<semaphore_mem>>) src(%dma_wait3A_108 : memref<26x128xi32, #tpu.memory_space<hbm>>) dst(%arg10 : memref<26x128xi32, #tpu.memory_space<vmem>>)
      tpu.yield
    }) : () -> ()
    "tpu.region"() ({
      %run_scoped3A = tpu.sem_alloc : memref<!tpu.dma_semaphore, #tpu.memory_space<semaphore_mem>>
      tpu.enqueue_dma source(%arg6 : memref<128xf32, #tpu.memory_space<hbm>>) target(%arg17 : memref<128xf32, #tpu.memory_space<vmem>>) target_semaphore(%run_scoped3A : memref<!tpu.dma_semaphore, #tpu.memory_space<semaphore_mem>>)
      tpu.wait_dma2 semaphore(%run_scoped3A : memref<!tpu.dma_semaphore, #tpu.memory_space<semaphore_mem>>) src(%arg6 : memref<128xf32, #tpu.memory_space<hbm>>) dst(%arg17 : memref<128xf32, #tpu.memory_space<vmem>>)
      tpu.yield
    }) : () -> ()
    "tpu.region"() ({
      %run_scoped3A = tpu.sem_alloc : memref<!tpu.dma_semaphore, #tpu.memory_space<semaphore_mem>>
      tpu.enqueue_dma source(%arg7 : memref<128xf32, #tpu.memory_space<hbm>>) target(%arg18 : memref<128xf32, #tpu.memory_space<vmem>>) target_semaphore(%run_scoped3A : memref<!tpu.dma_semaphore, #tpu.memory_space<semaphore_mem>>)
      tpu.wait_dma2 semaphore(%run_scoped3A : memref<!tpu.dma_semaphore, #tpu.memory_space<semaphore_mem>>) src(%arg7 : memref<128xf32, #tpu.memory_space<hbm>>) dst(%arg18 : memref<128xf32, #tpu.memory_space<vmem>>)
      tpu.yield
    }) : () -> ()
    %mul3A_1 = arith.constant 3328 : i32
    %mul3A_2 = arith.muli %add3A, %mul3A_1 : i32
    %get3A = arith.constant 0 : index
    %get3A_3 = tpu.vector_load %arg17[%get3A] {strides = array<i32>} : memref<128xf32, #tpu.memory_space<vmem>>, vector<16xf32>,
    %get3A_4 = vector.shape_cast %get3A_3 : vector<16xf32> to vector<16xf32>
    %get3A_5 = arith.constant 16 : index
    %get3A_6 = tpu.vector_load %arg17[%get3A_5] {strides = array<i32>} : memref<128xf32, #tpu.memory_space<vmem>>, vector<16xf32>,
    %get3A_7 = vector.shape_cast %get3A_6 : vector<16xf32> to vector<16xf32>
    %get3A_8 = arith.constant 32 : index
    %get3A_9 = tpu.vector_load %arg17[%get3A_8] {strides = array<i32>} : memref<128xf32, #tpu.memory_space<vmem>>, vector<16xf32>,
    %get3A_10 = vector.shape_cast %get3A_9 : vector<16xf32> to vector<16xf32>
    %get3A_11 = arith.constant 48 : index
    %get3A_12 = tpu.vector_load %arg17[%get3A_11] {strides = array<i32>} : memref<128xf32, #tpu.memory_space<vmem>>, vector<16xf32>,
    %get3A_13 = vector.shape_cast %get3A_12 : vector<16xf32> to vector<16xf32>
    %get3A_14 = arith.constant 64 : index
    %get3A_15 = tpu.vector_load %arg17[%get3A_14] {strides = array<i32>} : memref<128xf32, #tpu.memory_space<vmem>>, vector<16xf32>,
    %get3A_16 = vector.shape_cast %get3A_15 : vector<16xf32> to vector<16xf32>
    %get3A_17 = arith.constant 80 : index
    %get3A_18 = tpu.vector_load %arg17[%get3A_17] {strides = array<i32>} : memref<128xf32, #tpu.memory_space<vmem>>, vector<16xf32>,
    %get3A_19 = vector.shape_cast %get3A_18 : vector<16xf32> to vector<16xf32>
    %get3A_20 = arith.constant 96 : index
    %get3A_21 = tpu.vector_load %arg17[%get3A_20] {strides = array<i32>} : memref<128xf32, #tpu.memory_space<vmem>>, vector<16xf32>,
    %get3A_22 = vector.shape_cast %get3A_21 : vector<16xf32> to vector<16xf32>
    %get3A_23 = arith.constant 112 : index
    %get3A_24 = tpu.vector_load %arg17[%get3A_23] {strides = array<i32>} : memref<128xf32, #tpu.memory_space<vmem>>, vector<16xf32>,
    %get3A_25 = vector.shape_cast %get3A_24 : vector<16xf32> to vector<16xf32>
    %get3A_26 = arith.constant 0 : index
    %get3A_27 = tpu.vector_load %arg18[%get3A_26] {strides = array<i32>} : memref<128xf32, #tpu.memory_space<vmem>>, vector<16xf32>,
    %get3A_28 = vector.shape_cast %get3A_27 : vector<16xf32> to vector<16xf32>
    %get3A_29 = arith.constant 16 : index
    %get3A_30 = tpu.vector_load %arg18[%get3A_29] {strides = array<i32>} : memref<128xf32, #tpu.memory_space<vmem>>, vector<16xf32>,
    %get3A_31 = vector.shape_cast %get3A_30 : vector<16xf32> to vector<16xf32>
    %get3A_32 = arith.constant 32 : index
    %get3A_33 = tpu.vector_load %arg18[%get3A_32] {strides = array<i32>} : memref<128xf32, #tpu.memory_space<vmem>>, vector<16xf32>,
    %get3A_34 = vector.shape_cast %get3A_33 : vector<16xf32> to vector<16xf32>
    %get3A_35 = arith.constant 48 : index
    %get3A_36 = tpu.vector_load %arg18[%get3A_35] {strides = array<i32>} : memref<128xf32, #tpu.memory_space<vmem>>, vector<16xf32>,
    %get3A_37 = vector.shape_cast %get3A_36 : vector<16xf32> to vector<16xf32>
    %get3A_38 = arith.constant 64 : index
    %get3A_39 = tpu.vector_load %arg18[%get3A_38] {strides = array<i32>} : memref<128xf32, #tpu.memory_space<vmem>>, vector<16xf32>,
    %get3A_40 = vector.shape_cast %get3A_39 : vector<16xf32> to vector<16xf32>
    %get3A_41 = arith.constant 80 : index
    %get3A_42 = tpu.vector_load %arg18[%get3A_41] {strides = array<i32>} : memref<128xf32, #tpu.memory_space<vmem>>, vector<16xf32>,
    %get3A_43 = vector.shape_cast %get3A_42 : vector<16xf32> to vector<16xf32>
    %get3A_44 = arith.constant 96 : index
    %get3A_45 = tpu.vector_load %arg18[%get3A_44] {strides = array<i32>} : memref<128xf32, #tpu.memory_space<vmem>>, vector<16xf32>,
    %get3A_46 = vector.shape_cast %get3A_45 : vector<16xf32> to vector<16xf32>
    %get3A_47 = arith.constant 112 : index
    %get3A_48 = tpu.vector_load %arg18[%get3A_47] {strides = array<i32>} : memref<128xf32, #tpu.memory_space<vmem>>, vector<16xf32>,
    %get3A_49 = vector.shape_cast %get3A_48 : vector<16xf32> to vector<16xf32>
    %dma_start3A = arith.constant 0 : i32
    %dma_start3A_50 = arith.constant 0 : i32
    %dma_start3A_51 = tpu.memref_slice %arg9[%dma_start3A, %dma_start3A_50] : memref<26x128xi32, #tpu.memory_space<vmem>> -> memref<1x128xi32, #tpu.memory_space<vmem>>
    %dma_start3A_52 = tpu.memref_squeeze %dma_start3A_51 : memref<1x128xi32, #tpu.memory_space<vmem>> -> memref<128xi32, #tpu.memory_space<vmem>>
    %dma_start3A_53 = arith.constant 0 : i32
    %dma_start3A_54 = arith.constant 0 : i32
    %dma_start3A_55 = tpu.memref_slice %arg2[%dma_start3A_53, %dma_start3A_54] : memref<10240x128xf32, #tpu.memory_space<hbm>> -> memref<10240x128xf32, #tpu.memory_space<hbm>>
    tpu.enqueue_indirect_dma source(%dma_start3A_55 : memref<10240x128xf32, #tpu.memory_space<hbm>>) target(%arg11 : memref<128x128xf32, #tpu.memory_space<vmem>>) offsets(%dma_start3A_52 : memref<128xi32, #tpu.memory_space<vmem>>) semaphore(%arg19 : memref<!tpu.dma_semaphore, #tpu.memory_space<semaphore_mem>>)
    %dma_start3A_56 = arith.constant 0 : i32
    %dma_start3A_57 = arith.constant 0 : i32
    %dma_start3A_58 = tpu.memref_slice %arg10[%dma_start3A_56, %dma_start3A_57] : memref<26x128xi32, #tpu.memory_space<vmem>> -> memref<1x128xi32, #tpu.memory_space<vmem>>
    %dma_start3A_59 = tpu.memref_squeeze %dma_start3A_58 : memref<1x128xi32, #tpu.memory_space<vmem>> -> memref<128xi32, #tpu.memory_space<vmem>>
    %dma_start3A_60 = arith.constant 0 : i32
    %dma_start3A_61 = arith.constant 0 : i32
    %dma_start3A_62 = tpu.memref_slice %arg3[%dma_start3A_60, %dma_start3A_61] : memref<10240x128xf32, #tpu.memory_space<hbm>> -> memref<10240x128xf32, #tpu.memory_space<hbm>>
    tpu.enqueue_indirect_dma source(%dma_start3A_62 : memref<10240x128xf32, #tpu.memory_space<hbm>>) target(%arg13 : memref<128x128xf32, #tpu.memory_space<vmem>>) offsets(%dma_start3A_59 : memref<128xi32, #tpu.memory_space<vmem>>) semaphore(%arg19 : memref<!tpu.dma_semaphore, #tpu.memory_space<semaphore_mem>>)
    %dma_start3A_63 = arith.constant 1 : i32
    %dma_start3A_64 = arith.constant 0 : i32
    %dma_start3A_65 = tpu.memref_slice %arg9[%dma_start3A_63, %dma_start3A_64] : memref<26x128xi32, #tpu.memory_space<vmem>> -> memref<1x128xi32, #tpu.memory_space<vmem>>
    %dma_start3A_66 = tpu.memref_squeeze %dma_start3A_65 : memref<1x128xi32, #tpu.memory_space<vmem>> -> memref<128xi32, #tpu.memory_space<vmem>>
    %dma_start3A_67 = arith.constant 0 : i32
    %dma_start3A_68 = arith.constant 0 : i32
    %dma_start3A_69 = tpu.memref_slice %arg2[%dma_start3A_67, %dma_start3A_68] : memref<10240x128xf32, #tpu.memory_space<hbm>> -> memref<10240x128xf32, #tpu.memory_space<hbm>>
    tpu.enqueue_indirect_dma source(%dma_start3A_69 : memref<10240x128xf32, #tpu.memory_space<hbm>>) target(%arg12 : memref<128x128xf32, #tpu.memory_space<vmem>>) offsets(%dma_start3A_66 : memref<128xi32, #tpu.memory_space<vmem>>) semaphore(%arg20 : memref<!tpu.dma_semaphore, #tpu.memory_space<semaphore_mem>>)
    %dma_start3A_70 = arith.constant 1 : i32
    %dma_start3A_71 = arith.constant 0 : i32
    %dma_start3A_72 = tpu.memref_slice %arg10[%dma_start3A_70, %dma_start3A_71] : memref<26x128xi32, #tpu.memory_space<vmem>> -> memref<1x128xi32, #tpu.memory_space<vmem>>
    %dma_start3A_73 = tpu.memref_squeeze %dma_start3A_72 : memref<1x128xi32, #tpu.memory_space<vmem>> -> memref<128xi32, #tpu.memory_space<vmem>>
    %dma_start3A_74 = arith.constant 0 : i32
    %dma_start3A_75 = arith.constant 0 : i32
    %dma_start3A_76 = tpu.memref_slice %arg3[%dma_start3A_74, %dma_start3A_75] : memref<10240x128xf32, #tpu.memory_space<hbm>> -> memref<10240x128xf32, #tpu.memory_space<hbm>>
    tpu.enqueue_indirect_dma source(%dma_start3A_76 : memref<10240x128xf32, #tpu.memory_space<hbm>>) target(%arg14 : memref<128x128xf32, #tpu.memory_space<vmem>>) offsets(%dma_start3A_73 : memref<128xi32, #tpu.memory_space<vmem>>) semaphore(%arg20 : memref<!tpu.dma_semaphore, #tpu.memory_space<semaphore_mem>>)
    %scan3A = arith.constant 0 : i32
    %scan3A_77 = arith.constant 0 : i32
    %scan3A_78 = arith.constant 13 : i32
    %scan3A_79 = arith.addi %scan3A_77, %scan3A_78 : i32
    %scan3A_80 = arith.constant 1 : i32
    scf.for %scan3A_93 = %scan3A_77 to %scan3A_79 step %scan3A_80  : i32 {
      %mul3A_94 = arith.constant 2 : i32
      %mul3A_95 = arith.muli %scan3A_93, %mul3A_94 : i32
      %dma_wait3A_96 = arith.constant 0 : i32
      %dma_wait3A_97 = arith.constant 0 : i32
      %dma_wait3A_98 = tpu.memref_slice %arg2[%dma_wait3A_96, %dma_wait3A_97] : memref<10240x128xf32, #tpu.memory_space<hbm>> -> memref<128x128xf32, #tpu.memory_space<hbm>>
      %dma_wait3A_99 = arith.constant 0 : i32
      %dma_wait3A_100 = arith.constant 0 : i32
      %dma_wait3A_101 = tpu.memref_slice %arg2[%dma_wait3A_99, %dma_wait3A_100] : memref<10240x128xf32, #tpu.memory_space<hbm>> -> memref<128x128xf32, #tpu.memory_space<hbm>>
      tpu.wait_dma2 semaphore(%arg19 : memref<!tpu.dma_semaphore, #tpu.memory_space<semaphore_mem>>) src(%dma_wait3A_101 : memref<128x128xf32, #tpu.memory_space<hbm>>) dst(%arg11 : memref<128x128xf32, #tpu.memory_space<vmem>>)
      %dma_wait3A_102 = arith.constant 0 : i32
      %dma_wait3A_103 = arith.constant 0 : i32
      %dma_wait3A_104 = tpu.memref_slice %arg2[%dma_wait3A_102, %dma_wait3A_103] : memref<10240x128xf32, #tpu.memory_space<hbm>> -> memref<128x128xf32, #tpu.memory_space<hbm>>
      %dma_wait3A_105 = arith.constant 0 : i32
      %dma_wait3A_106 = arith.constant 0 : i32
      %dma_wait3A_107 = tpu.memref_slice %arg2[%dma_wait3A_105, %dma_wait3A_106] : memref<10240x128xf32, #tpu.memory_space<hbm>> -> memref<128x128xf32, #tpu.memory_space<hbm>>
      tpu.wait_dma2 semaphore(%arg19 : memref<!tpu.dma_semaphore, #tpu.memory_space<semaphore_mem>>) src(%dma_wait3A_107 : memref<128x128xf32, #tpu.memory_space<hbm>>) dst(%arg11 : memref<128x128xf32, #tpu.memory_space<vmem>>)
      %scan3A_108 = arith.constant 0 : i32
      %scan3A_109 = arith.constant 0 : i32
      %scan3A_110 = arith.constant 128 : i32
      %scan3A_111 = arith.addi %scan3A_109, %scan3A_110 : i32
      %scan3A_112 = arith.constant 1 : i32
      scf.for %scan3A_165 = %scan3A_109 to %scan3A_111 step %scan3A_112  : i32 {
        %broadcast_in_dim3A = arith.constant 0.000000e+00 : f32
        %broadcast_in_dim3A_166 = vector.broadcast %broadcast_in_dim3A : f32 to vector<16xf32>
        %get3A_167 = arith.index_cast %scan3A_165 : i32 to index
        %get3A_168 = arith.constant 0 : index
        %get3A_169 = tpu.vector_load %arg11[%get3A_167, %get3A_168] {strides = array<i32>} : memref<128x128xf32, #tpu.memory_space<vmem>>, vector<1x16xf32>,
        %get3A_170 = vector.shape_cast %get3A_169 : vector<1x16xf32> to vector<16xf32>
        %get3A_171 = arith.index_cast %scan3A_165 : i32 to index
        %get3A_172 = arith.constant 0 : index
        %get3A_173 = tpu.vector_load %arg13[%get3A_171, %get3A_172] {strides = array<i32>} : memref<128x128xf32, #tpu.memory_space<vmem>>, vector<1x16xf32>,
        %get3A_174 = vector.shape_cast %get3A_173 : vector<1x16xf32> to vector<16xf32>
        %add3A_175 = arith.addf %get3A_170, %get3A_174 : vector<16xf32>
        %add3A_176 = arith.addf %add3A_175, %get3A_4 : vector<16xf32>
        %max3A = arith.constant 0.000000e+00 : f32
        %max3A_177 = vector.broadcast %max3A : f32 to vector<16xf32>
        %max3A_178 = arith.maximumf %add3A_176, %max3A_177 : vector<16xf32>
        %mul3A_179 = arith.mulf %max3A_178, %get3A_28 : vector<16xf32>
        %add3A_180 = arith.addf %broadcast_in_dim3A_166, %mul3A_179 : vector<16xf32>
        %get3A_181 = arith.index_cast %scan3A_165 : i32 to index
        %get3A_182 = arith.constant 16 : index
        %get3A_183 = tpu.vector_load %arg11[%get3A_181, %get3A_182] {strides = array<i32>} : memref<128x128xf32, #tpu.memory_space<vmem>>, vector<1x16xf32>,
        %get3A_184 = vector.shape_cast %get3A_183 : vector<1x16xf32> to vector<16xf32>
        %get3A_185 = arith.index_cast %scan3A_165 : i32 to index
        %get3A_186 = arith.constant 16 : index
        %get3A_187 = tpu.vector_load %arg13[%get3A_185, %get3A_186] {strides = array<i32>} : memref<128x128xf32, #tpu.memory_space<vmem>>, vector<1x16xf32>,
        %get3A_188 = vector.shape_cast %get3A_187 : vector<1x16xf32> to vector<16xf32>
        %add3A_189 = arith.addf %get3A_184, %get3A_188 : vector<16xf32>
        %add3A_190 = arith.addf %add3A_189, %get3A_7 : vector<16xf32>
        %max3A_191 = arith.constant 0.000000e+00 : f32
        %max3A_192 = vector.broadcast %max3A_191 : f32 to vector<16xf32>
        %max3A_193 = arith.maximumf %add3A_190, %max3A_192 : vector<16xf32>
        %mul3A_194 = arith.mulf %max3A_193, %get3A_31 : vector<16xf32>
        %add3A_195 = arith.addf %add3A_180, %mul3A_194 : vector<16xf32>
        %get3A_196 = arith.index_cast %scan3A_165 : i32 to index
        %get3A_197 = arith.constant 32 : index
        %get3A_198 = tpu.vector_load %arg11[%get3A_196, %get3A_197] {strides = array<i32>} : memref<128x128xf32, #tpu.memory_space<vmem>>, vector<1x16xf32>,
        %get3A_199 = vector.shape_cast %get3A_198 : vector<1x16xf32> to vector<16xf32>
        %get3A_200 = arith.index_cast %scan3A_165 : i32 to index
        %get3A_201 = arith.constant 32 : index
        %get3A_202 = tpu.vector_load %arg13[%get3A_200, %get3A_201] {strides = array<i32>} : memref<128x128xf32, #tpu.memory_space<vmem>>, vector<1x16xf32>,
        %get3A_203 = vector.shape_cast %get3A_202 : vector<1x16xf32> to vector<16xf32>
        %add3A_204 = arith.addf %get3A_199, %get3A_203 : vector<16xf32>
        %add3A_205 = arith.addf %add3A_204, %get3A_10 : vector<16xf32>
        %max3A_206 = arith.constant 0.000000e+00 : f32
        %max3A_207 = vector.broadcast %max3A_206 : f32 to vector<16xf32>
        %max3A_208 = arith.maximumf %add3A_205, %max3A_207 : vector<16xf32>
        %mul3A_209 = arith.mulf %max3A_208, %get3A_34 : vector<16xf32>
        %add3A_210 = arith.addf %add3A_195, %mul3A_209 : vector<16xf32>
        %get3A_211 = arith.index_cast %scan3A_165 : i32 to index
        %get3A_212 = arith.constant 48 : index
        %get3A_213 = tpu.vector_load %arg11[%get3A_211, %get3A_212] {strides = array<i32>} : memref<128x128xf32, #tpu.memory_space<vmem>>, vector<1x16xf32>,
        %get3A_214 = vector.shape_cast %get3A_213 : vector<1x16xf32> to vector<16xf32>
        %get3A_215 = arith.index_cast %scan3A_165 : i32 to index
        %get3A_216 = arith.constant 48 : index
        %get3A_217 = tpu.vector_load %arg13[%get3A_215, %get3A_216] {strides = array<i32>} : memref<128x128xf32, #tpu.memory_space<vmem>>, vector<1x16xf32>,
        %get3A_218 = vector.shape_cast %get3A_217 : vector<1x16xf32> to vector<16xf32>
        %add3A_219 = arith.addf %get3A_214, %get3A_218 : vector<16xf32>
        %add3A_220 = arith.addf %add3A_219, %get3A_13 : vector<16xf32>
        %max3A_221 = arith.constant 0.000000e+00 : f32
        %max3A_222 = vector.broadcast %max3A_221 : f32 to vector<16xf32>
        %max3A_223 = arith.maximumf %add3A_220, %max3A_222 : vector<16xf32>
        %mul3A_224 = arith.mulf %max3A_223, %get3A_37 : vector<16xf32>
        %add3A_225 = arith.addf %add3A_210, %mul3A_224 : vector<16xf32>
        %get3A_226 = arith.index_cast %scan3A_165 : i32 to index
        %get3A_227 = arith.constant 64 : index
        %get3A_228 = tpu.vector_load %arg11[%get3A_226, %get3A_227] {strides = array<i32>} : memref<128x128xf32, #tpu.memory_space<vmem>>, vector<1x16xf32>,
        %get3A_229 = vector.shape_cast %get3A_228 : vector<1x16xf32> to vector<16xf32>
        %get3A_230 = arith.index_cast %scan3A_165 : i32 to index
        %get3A_231 = arith.constant 64 : index
        %get3A_232 = tpu.vector_load %arg13[%get3A_230, %get3A_231] {strides = array<i32>} : memref<128x128xf32, #tpu.memory_space<vmem>>, vector<1x16xf32>,
        %get3A_233 = vector.shape_cast %get3A_232 : vector<1x16xf32> to vector<16xf32>
        %add3A_234 = arith.addf %get3A_229, %get3A_233 : vector<16xf32>
        %add3A_235 = arith.addf %add3A_234, %get3A_16 : vector<16xf32>
        %max3A_236 = arith.constant 0.000000e+00 : f32
        %max3A_237 = vector.broadcast %max3A_236 : f32 to vector<16xf32>
        %max3A_238 = arith.maximumf %add3A_235, %max3A_237 : vector<16xf32>
        %mul3A_239 = arith.mulf %max3A_238, %get3A_40 : vector<16xf32>
        %add3A_240 = arith.addf %add3A_225, %mul3A_239 : vector<16xf32>
        %get3A_241 = arith.index_cast %scan3A_165 : i32 to index
        %get3A_242 = arith.constant 80 : index
        %get3A_243 = tpu.vector_load %arg11[%get3A_241, %get3A_242] {strides = array<i32>} : memref<128x128xf32, #tpu.memory_space<vmem>>, vector<1x16xf32>,
        %get3A_244 = vector.shape_cast %get3A_243 : vector<1x16xf32> to vector<16xf32>
        %get3A_245 = arith.index_cast %scan3A_165 : i32 to index
        %get3A_246 = arith.constant 80 : index
        %get3A_247 = tpu.vector_load %arg13[%get3A_245, %get3A_246] {strides = array<i32>} : memref<128x128xf32, #tpu.memory_space<vmem>>, vector<1x16xf32>,
        %get3A_248 = vector.shape_cast %get3A_247 : vector<1x16xf32> to vector<16xf32>
        %add3A_249 = arith.addf %get3A_244, %get3A_248 : vector<16xf32>
        %add3A_250 = arith.addf %add3A_249, %get3A_19 : vector<16xf32>
        %max3A_251 = arith.constant 0.000000e+00 : f32
        %max3A_252 = vector.broadcast %max3A_251 : f32 to vector<16xf32>
        %max3A_253 = arith.maximumf %add3A_250, %max3A_252 : vector<16xf32>
        %mul3A_254 = arith.mulf %max3A_253, %get3A_43 : vector<16xf32>
        %add3A_255 = arith.addf %add3A_240, %mul3A_254 : vector<16xf32>
        %get3A_256 = arith.index_cast %scan3A_165 : i32 to index
        %get3A_257 = arith.constant 96 : index
        %get3A_258 = tpu.vector_load %arg11[%get3A_256, %get3A_257] {strides = array<i32>} : memref<128x128xf32, #tpu.memory_space<vmem>>, vector<1x16xf32>,
        %get3A_259 = vector.shape_cast %get3A_258 : vector<1x16xf32> to vector<16xf32>
        %get3A_260 = arith.index_cast %scan3A_165 : i32 to index
        %get3A_261 = arith.constant 96 : index
        %get3A_262 = tpu.vector_load %arg13[%get3A_260, %get3A_261] {strides = array<i32>} : memref<128x128xf32, #tpu.memory_space<vmem>>, vector<1x16xf32>,
        %get3A_263 = vector.shape_cast %get3A_262 : vector<1x16xf32> to vector<16xf32>
        %add3A_264 = arith.addf %get3A_259, %get3A_263 : vector<16xf32>
        %add3A_265 = arith.addf %add3A_264, %get3A_22 : vector<16xf32>
        %max3A_266 = arith.constant 0.000000e+00 : f32
        %max3A_267 = vector.broadcast %max3A_266 : f32 to vector<16xf32>
        %max3A_268 = arith.maximumf %add3A_265, %max3A_267 : vector<16xf32>
        %mul3A_269 = arith.mulf %max3A_268, %get3A_46 : vector<16xf32>
        %add3A_270 = arith.addf %add3A_255, %mul3A_269 : vector<16xf32>
        %get3A_271 = arith.index_cast %scan3A_165 : i32 to index
        %get3A_272 = arith.constant 112 : index
        %get3A_273 = tpu.vector_load %arg11[%get3A_271, %get3A_272] {strides = array<i32>} : memref<128x128xf32, #tpu.memory_space<vmem>>, vector<1x16xf32>,
        %get3A_274 = vector.shape_cast %get3A_273 : vector<1x16xf32> to vector<16xf32>
        %get3A_275 = arith.index_cast %scan3A_165 : i32 to index
        %get3A_276 = arith.constant 112 : index
        %get3A_277 = tpu.vector_load %arg13[%get3A_275, %get3A_276] {strides = array<i32>} : memref<128x128xf32, #tpu.memory_space<vmem>>, vector<1x16xf32>,
        %get3A_278 = vector.shape_cast %get3A_277 : vector<1x16xf32> to vector<16xf32>
        %add3A_279 = arith.addf %get3A_274, %get3A_278 : vector<16xf32>
        %add3A_280 = arith.addf %add3A_279, %get3A_25 : vector<16xf32>
        %max3A_281 = arith.constant 0.000000e+00 : f32
        %max3A_282 = vector.broadcast %max3A_281 : f32 to vector<16xf32>
        %max3A_283 = arith.maximumf %add3A_280, %max3A_282 : vector<16xf32>
        %mul3A_284 = arith.mulf %max3A_283, %get3A_49 : vector<16xf32>
        %add3A_285 = arith.addf %add3A_270, %mul3A_284 : vector<16xf32>
        %swap3A = arith.index_cast %scan3A_165 : i32 to index
        %swap3A_286 = arith.constant 0 : index
        %swap3A_287 = tpu.vector_load %arg15[%swap3A, %swap3A_286] {strides = array<i32>} : memref<128x16xf32, #tpu.memory_space<vmem>>, vector<1x16xf32>,
        %swap3A_288 = vector.shape_cast %swap3A_287 : vector<1x16xf32> to vector<16xf32>
        %swap3A_289 = vector.shape_cast %add3A_285 : vector<16xf32> to vector<1x16xf32>
        tpu.vector_store %arg15[%swap3A, %swap3A_286], %swap3A_289 {strides = array<i32>} : memref<128x16xf32, #tpu.memory_space<vmem>>, vector<1x16xf32>,
      }
      %scan3A_113 = arith.constant 128 : i32
      %add3A_114 = arith.constant 0 : i32
      %add3A_115 = arith.addi %mul3A_95, %add3A_114 : i32
      %mul3A_116 = arith.constant 128 : i32
      %mul3A_117 = arith.muli %add3A_115, %mul3A_116 : i32
      %add3A_118 = arith.addi %mul3A_2, %mul3A_117 : i32
      %dma_start3A_119 = arith.constant 0 : i32
      %dma_start3A_120 = tpu.memref_slice %arg8[%add3A_118, %dma_start3A_119] : memref<106496x16xf32, #tpu.memory_space<hbm>> -> memref<128x16xf32, #tpu.memory_space<hbm>>
      %dma_start3A_121 = arith.constant 0 : i32
      %dma_start3A_122 = tpu.memref_slice %arg8[%add3A_118, %dma_start3A_121] : memref<106496x16xf32, #tpu.memory_space<hbm>> -> memref<128x16xf32, #tpu.memory_space<hbm>>
      tpu.enqueue_dma source(%arg15 : memref<128x16xf32, #tpu.memory_space<vmem>>) target(%dma_start3A_122 : memref<128x16xf32, #tpu.memory_space<hbm>>) target_semaphore(%arg21 : memref<!tpu.dma_semaphore, #tpu.memory_space<semaphore_mem>>)
      %add3A_123 = arith.constant 0 : i32
      %add3A_124 = arith.addi %mul3A_95, %add3A_123 : i32
      %add3A_125 = arith.constant 2 : i32
      %add3A_126 = arith.addi %add3A_124, %add3A_125 : i32
      %lt3A = arith.constant 26 : i32
      %lt3A_127 = arith.cmpi slt, %add3A_126, %lt3A : i32
      %convert_element_type3A = arith.extui %lt3A_127 : i1 to i32
      %cond3A = arith.constant 0 : i32
      %cond3A_128 = arith.cmpi ne, %convert_element_type3A, %cond3A : i32
      scf.if %cond3A_128 {
        %dma_wait3A_165 = arith.constant 0 : i32
        %dma_wait3A_166 = arith.constant 0 : i32
        %dma_wait3A_167 = tpu.memref_slice %arg8[%dma_wait3A_165, %dma_wait3A_166] : memref<106496x16xf32, #tpu.memory_space<hbm>> -> memref<128x16xf32, #tpu.memory_space<hbm>>
        %dma_wait3A_168 = arith.constant 0 : i32
        %dma_wait3A_169 = arith.constant 0 : i32
        %dma_wait3A_170 = tpu.memref_slice %arg8[%dma_wait3A_168, %dma_wait3A_169] : memref<106496x16xf32, #tpu.memory_space<hbm>> -> memref<128x16xf32, #tpu.memory_space<hbm>>
        tpu.wait_dma2 semaphore(%arg21 : memref<!tpu.dma_semaphore, #tpu.memory_space<semaphore_mem>>) src(%dma_wait3A_170 : memref<128x16xf32, #tpu.memory_space<hbm>>) dst(%arg15 : memref<128x16xf32, #tpu.memory_space<vmem>>)
        %add3A_171 = arith.constant 0 : i32
        %add3A_172 = arith.addi %mul3A_95, %add3A_171 : i32
        %add3A_173 = arith.constant 2 : i32
        %add3A_174 = arith.addi %add3A_172, %add3A_173 : i32
        %dma_start3A_175 = arith.constant 0 : i32
        %dma_start3A_176 = tpu.memref_slice %arg9[%add3A_174, %dma_start3A_175] : memref<26x128xi32, #tpu.memory_space<vmem>> -> memref<1x128xi32, #tpu.memory_space<vmem>>
        %dma_start3A_177 = tpu.memref_squeeze %dma_start3A_176 : memref<1x128xi32, #tpu.memory_space<vmem>> -> memref<128xi32, #tpu.memory_space<vmem>>
        %dma_start3A_178 = arith.constant 0 : i32
        %dma_start3A_179 = arith.constant 0 : i32
        %dma_start3A_180 = tpu.memref_slice %arg2[%dma_start3A_178, %dma_start3A_179] : memref<10240x128xf32, #tpu.memory_space<hbm>> -> memref<10240x128xf32, #tpu.memory_space<hbm>>
        tpu.enqueue_indirect_dma source(%dma_start3A_180 : memref<10240x128xf32, #tpu.memory_space<hbm>>) target(%arg11 : memref<128x128xf32, #tpu.memory_space<vmem>>) offsets(%dma_start3A_177 : memref<128xi32, #tpu.memory_space<vmem>>) semaphore(%arg19 : memref<!tpu.dma_semaphore, #tpu.memory_space<semaphore_mem>>)
        %dma_start3A_181 = arith.constant 0 : i32
        %dma_start3A_182 = tpu.memref_slice %arg10[%add3A_174, %dma_start3A_181] : memref<26x128xi32, #tpu.memory_space<vmem>> -> memref<1x128xi32, #tpu.memory_space<vmem>>
        %dma_start3A_183 = tpu.memref_squeeze %dma_start3A_182 : memref<1x128xi32, #tpu.memory_space<vmem>> -> memref<128xi32, #tpu.memory_space<vmem>>
        %dma_start3A_184 = arith.constant 0 : i32
        %dma_start3A_185 = arith.constant 0 : i32
        %dma_start3A_186 = tpu.memref_slice %arg3[%dma_start3A_184, %dma_start3A_185] : memref<10240x128xf32, #tpu.memory_space<hbm>> -> memref<10240x128xf32, #tpu.memory_space<hbm>>
        tpu.enqueue_indirect_dma source(%dma_start3A_186 : memref<10240x128xf32, #tpu.memory_space<hbm>>) target(%arg13 : memref<128x128xf32, #tpu.memory_space<vmem>>) offsets(%dma_start3A_183 : memref<128xi32, #tpu.memory_space<vmem>>) semaphore(%arg19 : memref<!tpu.dma_semaphore, #tpu.memory_space<semaphore_mem>>)
      } else {
      }
      %dma_wait3A_129 = arith.constant 0 : i32
      %dma_wait3A_130 = arith.constant 0 : i32
      %dma_wait3A_131 = tpu.memref_slice %arg2[%dma_wait3A_129, %dma_wait3A_130] : memref<10240x128xf32, #tpu.memory_space<hbm>> -> memref<128x128xf32, #tpu.memory_space<hbm>>
      %dma_wait3A_132 = arith.constant 0 : i32
      %dma_wait3A_133 = arith.constant 0 : i32
      %dma_wait3A_134 = tpu.memref_slice %arg2[%dma_wait3A_132, %dma_wait3A_133] : memref<10240x128xf32, #tpu.memory_space<hbm>> -> memref<128x128xf32, #tpu.memory_space<hbm>>
      tpu.wait_dma2 semaphore(%arg20 : memref<!tpu.dma_semaphore, #tpu.memory_space<semaphore_mem>>) src(%dma_wait3A_134 : memref<128x128xf32, #tpu.memory_space<hbm>>) dst(%arg12 : memref<128x128xf32, #tpu.memory_space<vmem>>)
      %dma_wait3A_135 = arith.constant 0 : i32
      %dma_wait3A_136 = arith.constant 0 : i32
      %dma_wait3A_137 = tpu.memref_slice %arg2[%dma_wait3A_135, %dma_wait3A_136] : memref<10240x128xf32, #tpu.memory_space<hbm>> -> memref<128x128xf32, #tpu.memory_space<hbm>>
      %dma_wait3A_138 = arith.constant 0 : i32
      %dma_wait3A_139 = arith.constant 0 : i32
      %dma_wait3A_140 = tpu.memref_slice %arg2[%dma_wait3A_138, %dma_wait3A_139] : memref<10240x128xf32, #tpu.memory_space<hbm>> -> memref<128x128xf32, #tpu.memory_space<hbm>>
      tpu.wait_dma2 semaphore(%arg20 : memref<!tpu.dma_semaphore, #tpu.memory_space<semaphore_mem>>) src(%dma_wait3A_140 : memref<128x128xf32, #tpu.memory_space<hbm>>) dst(%arg12 : memref<128x128xf32, #tpu.memory_space<vmem>>)
      %scan3A_141 = arith.constant 0 : i32
      %scan3A_142 = arith.constant 0 : i32
      %scan3A_143 = arith.constant 128 : i32
      %scan3A_144 = arith.addi %scan3A_142, %scan3A_143 : i32
      %scan3A_145 = arith.constant 1 : i32
      scf.for %scan3A_165 = %scan3A_142 to %scan3A_144 step %scan3A_145  : i32 {
        %broadcast_in_dim3A = arith.constant 0.000000e+00 : f32
        %broadcast_in_dim3A_166 = vector.broadcast %broadcast_in_dim3A : f32 to vector<16xf32>
        %get3A_167 = arith.index_cast %scan3A_165 : i32 to index
        %get3A_168 = arith.constant 0 : index
        %get3A_169 = tpu.vector_load %arg12[%get3A_167, %get3A_168] {strides = array<i32>} : memref<128x128xf32, #tpu.memory_space<vmem>>, vector<1x16xf32>,
        %get3A_170 = vector.shape_cast %get3A_169 : vector<1x16xf32> to vector<16xf32>
        %get3A_171 = arith.index_cast %scan3A_165 : i32 to index
        %get3A_172 = arith.constant 0 : index
        %get3A_173 = tpu.vector_load %arg14[%get3A_171, %get3A_172] {strides = array<i32>} : memref<128x128xf32, #tpu.memory_space<vmem>>, vector<1x16xf32>,
        %get3A_174 = vector.shape_cast %get3A_173 : vector<1x16xf32> to vector<16xf32>
        %add3A_175 = arith.addf %get3A_170, %get3A_174 : vector<16xf32>
        %add3A_176 = arith.addf %add3A_175, %get3A_4 : vector<16xf32>
        %max3A = arith.constant 0.000000e+00 : f32
        %max3A_177 = vector.broadcast %max3A : f32 to vector<16xf32>
        %max3A_178 = arith.maximumf %add3A_176, %max3A_177 : vector<16xf32>
        %mul3A_179 = arith.mulf %max3A_178, %get3A_28 : vector<16xf32>
        %add3A_180 = arith.addf %broadcast_in_dim3A_166, %mul3A_179 : vector<16xf32>
        %get3A_181 = arith.index_cast %scan3A_165 : i32 to index
        %get3A_182 = arith.constant 16 : index
        %get3A_183 = tpu.vector_load %arg12[%get3A_181, %get3A_182] {strides = array<i32>} : memref<128x128xf32, #tpu.memory_space<vmem>>, vector<1x16xf32>,
        %get3A_184 = vector.shape_cast %get3A_183 : vector<1x16xf32> to vector<16xf32>
        %get3A_185 = arith.index_cast %scan3A_165 : i32 to index
        %get3A_186 = arith.constant 16 : index
        %get3A_187 = tpu.vector_load %arg14[%get3A_185, %get3A_186] {strides = array<i32>} : memref<128x128xf32, #tpu.memory_space<vmem>>, vector<1x16xf32>,
        %get3A_188 = vector.shape_cast %get3A_187 : vector<1x16xf32> to vector<16xf32>
        %add3A_189 = arith.addf %get3A_184, %get3A_188 : vector<16xf32>
        %add3A_190 = arith.addf %add3A_189, %get3A_7 : vector<16xf32>
        %max3A_191 = arith.constant 0.000000e+00 : f32
        %max3A_192 = vector.broadcast %max3A_191 : f32 to vector<16xf32>
        %max3A_193 = arith.maximumf %add3A_190, %max3A_192 : vector<16xf32>
        %mul3A_194 = arith.mulf %max3A_193, %get3A_31 : vector<16xf32>
        %add3A_195 = arith.addf %add3A_180, %mul3A_194 : vector<16xf32>
        %get3A_196 = arith.index_cast %scan3A_165 : i32 to index
        %get3A_197 = arith.constant 32 : index
        %get3A_198 = tpu.vector_load %arg12[%get3A_196, %get3A_197] {strides = array<i32>} : memref<128x128xf32, #tpu.memory_space<vmem>>, vector<1x16xf32>,
        %get3A_199 = vector.shape_cast %get3A_198 : vector<1x16xf32> to vector<16xf32>
        %get3A_200 = arith.index_cast %scan3A_165 : i32 to index
        %get3A_201 = arith.constant 32 : index
        %get3A_202 = tpu.vector_load %arg14[%get3A_200, %get3A_201] {strides = array<i32>} : memref<128x128xf32, #tpu.memory_space<vmem>>, vector<1x16xf32>,
        %get3A_203 = vector.shape_cast %get3A_202 : vector<1x16xf32> to vector<16xf32>
        %add3A_204 = arith.addf %get3A_199, %get3A_203 : vector<16xf32>
        %add3A_205 = arith.addf %add3A_204, %get3A_10 : vector<16xf32>
        %max3A_206 = arith.constant 0.000000e+00 : f32
        %max3A_207 = vector.broadcast %max3A_206 : f32 to vector<16xf32>
        %max3A_208 = arith.maximumf %add3A_205, %max3A_207 : vector<16xf32>
        %mul3A_209 = arith.mulf %max3A_208, %get3A_34 : vector<16xf32>
        %add3A_210 = arith.addf %add3A_195, %mul3A_209 : vector<16xf32>
        %get3A_211 = arith.index_cast %scan3A_165 : i32 to index
        %get3A_212 = arith.constant 48 : index
        %get3A_213 = tpu.vector_load %arg12[%get3A_211, %get3A_212] {strides = array<i32>} : memref<128x128xf32, #tpu.memory_space<vmem>>, vector<1x16xf32>,
        %get3A_214 = vector.shape_cast %get3A_213 : vector<1x16xf32> to vector<16xf32>
        %get3A_215 = arith.index_cast %scan3A_165 : i32 to index
        %get3A_216 = arith.constant 48 : index
        %get3A_217 = tpu.vector_load %arg14[%get3A_215, %get3A_216] {strides = array<i32>} : memref<128x128xf32, #tpu.memory_space<vmem>>, vector<1x16xf32>,
        %get3A_218 = vector.shape_cast %get3A_217 : vector<1x16xf32> to vector<16xf32>
        %add3A_219 = arith.addf %get3A_214, %get3A_218 : vector<16xf32>
        %add3A_220 = arith.addf %add3A_219, %get3A_13 : vector<16xf32>
        %max3A_221 = arith.constant 0.000000e+00 : f32
        %max3A_222 = vector.broadcast %max3A_221 : f32 to vector<16xf32>
        %max3A_223 = arith.maximumf %add3A_220, %max3A_222 : vector<16xf32>
        %mul3A_224 = arith.mulf %max3A_223, %get3A_37 : vector<16xf32>
        %add3A_225 = arith.addf %add3A_210, %mul3A_224 : vector<16xf32>
        %get3A_226 = arith.index_cast %scan3A_165 : i32 to index
        %get3A_227 = arith.constant 64 : index
        %get3A_228 = tpu.vector_load %arg12[%get3A_226, %get3A_227] {strides = array<i32>} : memref<128x128xf32, #tpu.memory_space<vmem>>, vector<1x16xf32>,
        %get3A_229 = vector.shape_cast %get3A_228 : vector<1x16xf32> to vector<16xf32>
        %get3A_230 = arith.index_cast %scan3A_165 : i32 to index
        %get3A_231 = arith.constant 64 : index
        %get3A_232 = tpu.vector_load %arg14[%get3A_230, %get3A_231] {strides = array<i32>} : memref<128x128xf32, #tpu.memory_space<vmem>>, vector<1x16xf32>,
        %get3A_233 = vector.shape_cast %get3A_232 : vector<1x16xf32> to vector<16xf32>
        %add3A_234 = arith.addf %get3A_229, %get3A_233 : vector<16xf32>
        %add3A_235 = arith.addf %add3A_234, %get3A_16 : vector<16xf32>
        %max3A_236 = arith.constant 0.000000e+00 : f32
        %max3A_237 = vector.broadcast %max3A_236 : f32 to vector<16xf32>
        %max3A_238 = arith.maximumf %add3A_235, %max3A_237 : vector<16xf32>
        %mul3A_239 = arith.mulf %max3A_238, %get3A_40 : vector<16xf32>
        %add3A_240 = arith.addf %add3A_225, %mul3A_239 : vector<16xf32>
        %get3A_241 = arith.index_cast %scan3A_165 : i32 to index
        %get3A_242 = arith.constant 80 : index
        %get3A_243 = tpu.vector_load %arg12[%get3A_241, %get3A_242] {strides = array<i32>} : memref<128x128xf32, #tpu.memory_space<vmem>>, vector<1x16xf32>,
        %get3A_244 = vector.shape_cast %get3A_243 : vector<1x16xf32> to vector<16xf32>
        %get3A_245 = arith.index_cast %scan3A_165 : i32 to index
        %get3A_246 = arith.constant 80 : index
        %get3A_247 = tpu.vector_load %arg14[%get3A_245, %get3A_246] {strides = array<i32>} : memref<128x128xf32, #tpu.memory_space<vmem>>, vector<1x16xf32>,
        %get3A_248 = vector.shape_cast %get3A_247 : vector<1x16xf32> to vector<16xf32>
        %add3A_249 = arith.addf %get3A_244, %get3A_248 : vector<16xf32>
        %add3A_250 = arith.addf %add3A_249, %get3A_19 : vector<16xf32>
        %max3A_251 = arith.constant 0.000000e+00 : f32
        %max3A_252 = vector.broadcast %max3A_251 : f32 to vector<16xf32>
        %max3A_253 = arith.maximumf %add3A_250, %max3A_252 : vector<16xf32>
        %mul3A_254 = arith.mulf %max3A_253, %get3A_43 : vector<16xf32>
        %add3A_255 = arith.addf %add3A_240, %mul3A_254 : vector<16xf32>
        %get3A_256 = arith.index_cast %scan3A_165 : i32 to index
        %get3A_257 = arith.constant 96 : index
        %get3A_258 = tpu.vector_load %arg12[%get3A_256, %get3A_257] {strides = array<i32>} : memref<128x128xf32, #tpu.memory_space<vmem>>, vector<1x16xf32>,
        %get3A_259 = vector.shape_cast %get3A_258 : vector<1x16xf32> to vector<16xf32>
        %get3A_260 = arith.index_cast %scan3A_165 : i32 to index
        %get3A_261 = arith.constant 96 : index
        %get3A_262 = tpu.vector_load %arg14[%get3A_260, %get3A_261] {strides = array<i32>} : memref<128x128xf32, #tpu.memory_space<vmem>>, vector<1x16xf32>,
        %get3A_263 = vector.shape_cast %get3A_262 : vector<1x16xf32> to vector<16xf32>
        %add3A_264 = arith.addf %get3A_259, %get3A_263 : vector<16xf32>
        %add3A_265 = arith.addf %add3A_264, %get3A_22 : vector<16xf32>
        %max3A_266 = arith.constant 0.000000e+00 : f32
        %max3A_267 = vector.broadcast %max3A_266 : f32 to vector<16xf32>
        %max3A_268 = arith.maximumf %add3A_265, %max3A_267 : vector<16xf32>
        %mul3A_269 = arith.mulf %max3A_268, %get3A_46 : vector<16xf32>
        %add3A_270 = arith.addf %add3A_255, %mul3A_269 : vector<16xf32>
        %get3A_271 = arith.index_cast %scan3A_165 : i32 to index
        %get3A_272 = arith.constant 112 : index
        %get3A_273 = tpu.vector_load %arg12[%get3A_271, %get3A_272] {strides = array<i32>} : memref<128x128xf32, #tpu.memory_space<vmem>>, vector<1x16xf32>,
        %get3A_274 = vector.shape_cast %get3A_273 : vector<1x16xf32> to vector<16xf32>
        %get3A_275 = arith.index_cast %scan3A_165 : i32 to index
        %get3A_276 = arith.constant 112 : index
        %get3A_277 = tpu.vector_load %arg14[%get3A_275, %get3A_276] {strides = array<i32>} : memref<128x128xf32, #tpu.memory_space<vmem>>, vector<1x16xf32>,
        %get3A_278 = vector.shape_cast %get3A_277 : vector<1x16xf32> to vector<16xf32>
        %add3A_279 = arith.addf %get3A_274, %get3A_278 : vector<16xf32>
        %add3A_280 = arith.addf %add3A_279, %get3A_25 : vector<16xf32>
        %max3A_281 = arith.constant 0.000000e+00 : f32
        %max3A_282 = vector.broadcast %max3A_281 : f32 to vector<16xf32>
        %max3A_283 = arith.maximumf %add3A_280, %max3A_282 : vector<16xf32>
        %mul3A_284 = arith.mulf %max3A_283, %get3A_49 : vector<16xf32>
        %add3A_285 = arith.addf %add3A_270, %mul3A_284 : vector<16xf32>
        %swap3A = arith.index_cast %scan3A_165 : i32 to index
        %swap3A_286 = arith.constant 0 : index
        %swap3A_287 = tpu.vector_load %arg16[%swap3A, %swap3A_286] {strides = array<i32>} : memref<128x16xf32, #tpu.memory_space<vmem>>, vector<1x16xf32>,
        %swap3A_288 = vector.shape_cast %swap3A_287 : vector<1x16xf32> to vector<16xf32>
        %swap3A_289 = vector.shape_cast %add3A_285 : vector<16xf32> to vector<1x16xf32>
        tpu.vector_store %arg16[%swap3A, %swap3A_286], %swap3A_289 {strides = array<i32>} : memref<128x16xf32, #tpu.memory_space<vmem>>, vector<1x16xf32>,
      }
      %scan3A_146 = arith.constant 128 : i32
      %add3A_147 = arith.constant 1 : i32
      %add3A_148 = arith.addi %mul3A_95, %add3A_147 : i32
      %mul3A_149 = arith.constant 128 : i32
      %mul3A_150 = arith.muli %add3A_148, %mul3A_149 : i32
      %add3A_151 = arith.addi %mul3A_2, %mul3A_150 : i32
      %dma_start3A_152 = arith.constant 0 : i32
      %dma_start3A_153 = tpu.memref_slice %arg8[%add3A_151, %dma_start3A_152] : memref<106496x16xf32, #tpu.memory_space<hbm>> -> memref<128x16xf32, #tpu.memory_space<hbm>>
      %dma_start3A_154 = arith.constant 0 : i32
      %dma_start3A_155 = tpu.memref_slice %arg8[%add3A_151, %dma_start3A_154] : memref<106496x16xf32, #tpu.memory_space<hbm>> -> memref<128x16xf32, #tpu.memory_space<hbm>>
      tpu.enqueue_dma source(%arg16 : memref<128x16xf32, #tpu.memory_space<vmem>>) target(%dma_start3A_155 : memref<128x16xf32, #tpu.memory_space<hbm>>) target_semaphore(%arg22 : memref<!tpu.dma_semaphore, #tpu.memory_space<semaphore_mem>>)
      %add3A_156 = arith.constant 1 : i32
      %add3A_157 = arith.addi %mul3A_95, %add3A_156 : i32
      %add3A_158 = arith.constant 2 : i32
      %add3A_159 = arith.addi %add3A_157, %add3A_158 : i32
      %lt3A_160 = arith.constant 26 : i32
      %lt3A_161 = arith.cmpi slt, %add3A_159, %lt3A_160 : i32
      %convert_element_type3A_162 = arith.extui %lt3A_161 : i1 to i32
      %cond3A_163 = arith.constant 0 : i32
      %cond3A_164 = arith.cmpi ne, %convert_element_type3A_162, %cond3A_163 : i32
      scf.if %cond3A_164 {
        %dma_wait3A_165 = arith.constant 0 : i32
        %dma_wait3A_166 = arith.constant 0 : i32
        %dma_wait3A_167 = tpu.memref_slice %arg8[%dma_wait3A_165, %dma_wait3A_166] : memref<106496x16xf32, #tpu.memory_space<hbm>> -> memref<128x16xf32, #tpu.memory_space<hbm>>
        %dma_wait3A_168 = arith.constant 0 : i32
        %dma_wait3A_169 = arith.constant 0 : i32
        %dma_wait3A_170 = tpu.memref_slice %arg8[%dma_wait3A_168, %dma_wait3A_169] : memref<106496x16xf32, #tpu.memory_space<hbm>> -> memref<128x16xf32, #tpu.memory_space<hbm>>
        tpu.wait_dma2 semaphore(%arg22 : memref<!tpu.dma_semaphore, #tpu.memory_space<semaphore_mem>>) src(%dma_wait3A_170 : memref<128x16xf32, #tpu.memory_space<hbm>>) dst(%arg16 : memref<128x16xf32, #tpu.memory_space<vmem>>)
        %add3A_171 = arith.constant 1 : i32
        %add3A_172 = arith.addi %mul3A_95, %add3A_171 : i32
        %add3A_173 = arith.constant 2 : i32
        %add3A_174 = arith.addi %add3A_172, %add3A_173 : i32
        %dma_start3A_175 = arith.constant 0 : i32
        %dma_start3A_176 = tpu.memref_slice %arg9[%add3A_174, %dma_start3A_175] : memref<26x128xi32, #tpu.memory_space<vmem>> -> memref<1x128xi32, #tpu.memory_space<vmem>>
        %dma_start3A_177 = tpu.memref_squeeze %dma_start3A_176 : memref<1x128xi32, #tpu.memory_space<vmem>> -> memref<128xi32, #tpu.memory_space<vmem>>
        %dma_start3A_178 = arith.constant 0 : i32
        %dma_start3A_179 = arith.constant 0 : i32
        %dma_start3A_180 = tpu.memref_slice %arg2[%dma_start3A_178, %dma_start3A_179] : memref<10240x128xf32, #tpu.memory_space<hbm>> -> memref<10240x128xf32, #tpu.memory_space<hbm>>
        tpu.enqueue_indirect_dma source(%dma_start3A_180 : memref<10240x128xf32, #tpu.memory_space<hbm>>) target(%arg12 : memref<128x128xf32, #tpu.memory_space<vmem>>) offsets(%dma_start3A_177 : memref<128xi32, #tpu.memory_space<vmem>>) semaphore(%arg20 : memref<!tpu.dma_semaphore, #tpu.memory_space<semaphore_mem>>)
        %dma_start3A_181 = arith.constant 0 : i32
        %dma_start3A_182 = tpu.memref_slice %arg10[%add3A_174, %dma_start3A_181] : memref<26x128xi32, #tpu.memory_space<vmem>> -> memref<1x128xi32, #tpu.memory_space<vmem>>
        %dma_start3A_183 = tpu.memref_squeeze %dma_start3A_182 : memref<1x128xi32, #tpu.memory_space<vmem>> -> memref<128xi32, #tpu.memory_space<vmem>>
        %dma_start3A_184 = arith.constant 0 : i32
        %dma_start3A_185 = arith.constant 0 : i32
        %dma_start3A_186 = tpu.memref_slice %arg3[%dma_start3A_184, %dma_start3A_185] : memref<10240x128xf32, #tpu.memory_space<hbm>> -> memref<10240x128xf32, #tpu.memory_space<hbm>>
        tpu.enqueue_indirect_dma source(%dma_start3A_186 : memref<10240x128xf32, #tpu.memory_space<hbm>>) target(%arg14 : memref<128x128xf32, #tpu.memory_space<vmem>>) offsets(%dma_start3A_183 : memref<128xi32, #tpu.memory_space<vmem>>) semaphore(%arg20 : memref<!tpu.dma_semaphore, #tpu.memory_space<semaphore_mem>>)
      } else {
      }
    }
    %scan3A_81 = arith.constant 13 : i32
    %dma_wait3A = arith.constant 0 : i32
    %dma_wait3A_82 = arith.constant 0 : i32
    %dma_wait3A_83 = tpu.memref_slice %arg8[%dma_wait3A, %dma_wait3A_82] : memref<106496x16xf32, #tpu.memory_space<hbm>> -> memref<128x16xf32, #tpu.memory_space<hbm>>
    %dma_wait3A_84 = arith.constant 0 : i32
    %dma_wait3A_85 = arith.constant 0 : i32
    %dma_wait3A_86 = tpu.memref_slice %arg8[%dma_wait3A_84, %dma_wait3A_85] : memref<106496x16xf32, #tpu.memory_space<hbm>> -> memref<128x16xf32, #tpu.memory_space<hbm>>
    tpu.wait_dma2 semaphore(%arg21 : memref<!tpu.dma_semaphore, #tpu.memory_space<semaphore_mem>>) src(%dma_wait3A_86 : memref<128x16xf32, #tpu.memory_space<hbm>>) dst(%arg15 : memref<128x16xf32, #tpu.memory_space<vmem>>)
    %dma_wait3A_87 = arith.constant 0 : i32
    %dma_wait3A_88 = arith.constant 0 : i32
    %dma_wait3A_89 = tpu.memref_slice %arg8[%dma_wait3A_87, %dma_wait3A_88] : memref<106496x16xf32, #tpu.memory_space<hbm>> -> memref<128x16xf32, #tpu.memory_space<hbm>>
    %dma_wait3A_90 = arith.constant 0 : i32
    %dma_wait3A_91 = arith.constant 0 : i32
    %dma_wait3A_92 = tpu.memref_slice %arg8[%dma_wait3A_90, %dma_wait3A_91] : memref<106496x16xf32, #tpu.memory_space<hbm>> -> memref<128x16xf32, #tpu.memory_space<hbm>>
    tpu.wait_dma2 semaphore(%arg22 : memref<!tpu.dma_semaphore, #tpu.memory_space<semaphore_mem>>) src(%dma_wait3A_92 : memref<128x16xf32, #tpu.memory_space<hbm>>) dst(%arg16 : memref<128x16xf32, #tpu.memory_space<vmem>>)
    return
  }
}

#map = affine_map<(d0, d1) -> (0, 0, 0)>
#map1 = affine_map<(d0, d1) -> (0, 0)>
module attributes {stable_mosaic.version = 14 : i64} {
  func.func @k(%arg0: i32, %arg1: i32, %arg2: memref<32x80x128xi32, #tpu.memory_space<hbm>>, %arg3: memref<2x10240xf32, #tpu.memory_space<hbm>>, %arg4: memref<80x128xi32, #tpu.memory_space<vmem>>, %arg5: memref<128xf32, #tpu.memory_space<vmem>>, %arg6: memref<640xf32, #tpu.memory_space<vmem>>, %arg7: memref<10240xf32, #tpu.memory_space<vmem_shared>>, %arg8: memref<!tpu.dma_semaphore, #tpu.memory_space<semaphore_mem>>) attributes {dimension_semantics = [#tpu.dimension_semantics<core_parallel>, #tpu.dimension_semantics<subcore_parallel>], iteration_bounds = array<i64: 2, 16>, scalar_prefetch = 0 : i64, scratch_operands = 5 : i64, tpu.core_type = #tpu.core_type<sc_vector_subcore>, window_params = [{transform_indices = #map}, {transform_indices = #map1}]} {
    %mul3A = arith.constant 16 : i32
    %mul3A_0 = arith.muli %arg0, %mul3A : i32
    %add3A = arith.addi %mul3A_0, %arg1 : i32
    %broadcast_in_dim3A = arith.constant 1.000000e+00 : f32
    %broadcast_in_dim3A_1 = vector.broadcast %broadcast_in_dim3A : f32 to vector<16xf32>
    %swap3A = arith.constant 0 : index
    %swap3A_2 = tpu.vector_load %arg5[%swap3A] {strides = array<i32>} : memref<128xf32, #tpu.memory_space<vmem>>, vector<16xf32>,
    %swap3A_3 = vector.shape_cast %swap3A_2 : vector<16xf32> to vector<16xf32>
    %swap3A_4 = vector.shape_cast %broadcast_in_dim3A_1 : vector<16xf32> to vector<16xf32>
    tpu.vector_store %arg5[%swap3A], %swap3A_4 {strides = array<i32>} : memref<128xf32, #tpu.memory_space<vmem>>, vector<16xf32>,
    %broadcast_in_dim3A_5 = arith.constant 1.000000e+00 : f32
    %broadcast_in_dim3A_6 = vector.broadcast %broadcast_in_dim3A_5 : f32 to vector<16xf32>
    %swap3A_7 = arith.constant 16 : index
    %swap3A_8 = tpu.vector_load %arg5[%swap3A_7] {strides = array<i32>} : memref<128xf32, #tpu.memory_space<vmem>>, vector<16xf32>,
    %swap3A_9 = vector.shape_cast %swap3A_8 : vector<16xf32> to vector<16xf32>
    %swap3A_10 = vector.shape_cast %broadcast_in_dim3A_6 : vector<16xf32> to vector<16xf32>
    tpu.vector_store %arg5[%swap3A_7], %swap3A_10 {strides = array<i32>} : memref<128xf32, #tpu.memory_space<vmem>>, vector<16xf32>,
    %broadcast_in_dim3A_11 = arith.constant 1.000000e+00 : f32
    %broadcast_in_dim3A_12 = vector.broadcast %broadcast_in_dim3A_11 : f32 to vector<16xf32>
    %swap3A_13 = arith.constant 32 : index
    %swap3A_14 = tpu.vector_load %arg5[%swap3A_13] {strides = array<i32>} : memref<128xf32, #tpu.memory_space<vmem>>, vector<16xf32>,
    %swap3A_15 = vector.shape_cast %swap3A_14 : vector<16xf32> to vector<16xf32>
    %swap3A_16 = vector.shape_cast %broadcast_in_dim3A_12 : vector<16xf32> to vector<16xf32>
    tpu.vector_store %arg5[%swap3A_13], %swap3A_16 {strides = array<i32>} : memref<128xf32, #tpu.memory_space<vmem>>, vector<16xf32>,
    %broadcast_in_dim3A_17 = arith.constant 1.000000e+00 : f32
    %broadcast_in_dim3A_18 = vector.broadcast %broadcast_in_dim3A_17 : f32 to vector<16xf32>
    %swap3A_19 = arith.constant 48 : index
    %swap3A_20 = tpu.vector_load %arg5[%swap3A_19] {strides = array<i32>} : memref<128xf32, #tpu.memory_space<vmem>>, vector<16xf32>,
    %swap3A_21 = vector.shape_cast %swap3A_20 : vector<16xf32> to vector<16xf32>
    %swap3A_22 = vector.shape_cast %broadcast_in_dim3A_18 : vector<16xf32> to vector<16xf32>
    tpu.vector_store %arg5[%swap3A_19], %swap3A_22 {strides = array<i32>} : memref<128xf32, #tpu.memory_space<vmem>>, vector<16xf32>,
    %broadcast_in_dim3A_23 = arith.constant 1.000000e+00 : f32
    %broadcast_in_dim3A_24 = vector.broadcast %broadcast_in_dim3A_23 : f32 to vector<16xf32>
    %swap3A_25 = arith.constant 64 : index
    %swap3A_26 = tpu.vector_load %arg5[%swap3A_25] {strides = array<i32>} : memref<128xf32, #tpu.memory_space<vmem>>, vector<16xf32>,
    %swap3A_27 = vector.shape_cast %swap3A_26 : vector<16xf32> to vector<16xf32>
    %swap3A_28 = vector.shape_cast %broadcast_in_dim3A_24 : vector<16xf32> to vector<16xf32>
    tpu.vector_store %arg5[%swap3A_25], %swap3A_28 {strides = array<i32>} : memref<128xf32, #tpu.memory_space<vmem>>, vector<16xf32>,
    %broadcast_in_dim3A_29 = arith.constant 1.000000e+00 : f32
    %broadcast_in_dim3A_30 = vector.broadcast %broadcast_in_dim3A_29 : f32 to vector<16xf32>
    %swap3A_31 = arith.constant 80 : index
    %swap3A_32 = tpu.vector_load %arg5[%swap3A_31] {strides = array<i32>} : memref<128xf32, #tpu.memory_space<vmem>>, vector<16xf32>,
    %swap3A_33 = vector.shape_cast %swap3A_32 : vector<16xf32> to vector<16xf32>
    %swap3A_34 = vector.shape_cast %broadcast_in_dim3A_30 : vector<16xf32> to vector<16xf32>
    tpu.vector_store %arg5[%swap3A_31], %swap3A_34 {strides = array<i32>} : memref<128xf32, #tpu.memory_space<vmem>>, vector<16xf32>,
    %broadcast_in_dim3A_35 = arith.constant 1.000000e+00 : f32
    %broadcast_in_dim3A_36 = vector.broadcast %broadcast_in_dim3A_35 : f32 to vector<16xf32>
    %swap3A_37 = arith.constant 96 : index
    %swap3A_38 = tpu.vector_load %arg5[%swap3A_37] {strides = array<i32>} : memref<128xf32, #tpu.memory_space<vmem>>, vector<16xf32>,
    %swap3A_39 = vector.shape_cast %swap3A_38 : vector<16xf32> to vector<16xf32>
    %swap3A_40 = vector.shape_cast %broadcast_in_dim3A_36 : vector<16xf32> to vector<16xf32>
    tpu.vector_store %arg5[%swap3A_37], %swap3A_40 {strides = array<i32>} : memref<128xf32, #tpu.memory_space<vmem>>, vector<16xf32>,
    %broadcast_in_dim3A_41 = arith.constant 1.000000e+00 : f32
    %broadcast_in_dim3A_42 = vector.broadcast %broadcast_in_dim3A_41 : f32 to vector<16xf32>
    %swap3A_43 = arith.constant 112 : index
    %swap3A_44 = tpu.vector_load %arg5[%swap3A_43] {strides = array<i32>} : memref<128xf32, #tpu.memory_space<vmem>>, vector<16xf32>,
    %swap3A_45 = vector.shape_cast %swap3A_44 : vector<16xf32> to vector<16xf32>
    %swap3A_46 = vector.shape_cast %broadcast_in_dim3A_42 : vector<16xf32> to vector<16xf32>
    tpu.vector_store %arg5[%swap3A_43], %swap3A_46 {strides = array<i32>} : memref<128xf32, #tpu.memory_space<vmem>>, vector<16xf32>,
    %broadcast_in_dim3A_47 = arith.constant 0.000000e+00 : f32
    %broadcast_in_dim3A_48 = vector.broadcast %broadcast_in_dim3A_47 : f32 to vector<16xf32>
    %swap3A_49 = arith.constant 0 : index
    %swap3A_50 = tpu.vector_load %arg6[%swap3A_49] {strides = array<i32>} : memref<640xf32, #tpu.memory_space<vmem>>, vector<16xf32>,
    %swap3A_51 = vector.shape_cast %swap3A_50 : vector<16xf32> to vector<16xf32>
    %swap3A_52 = vector.shape_cast %broadcast_in_dim3A_48 : vector<16xf32> to vector<16xf32>
    tpu.vector_store %arg6[%swap3A_49], %swap3A_52 {strides = array<i32>} : memref<640xf32, #tpu.memory_space<vmem>>, vector<16xf32>,
    %broadcast_in_dim3A_53 = arith.constant 0.000000e+00 : f32
    %broadcast_in_dim3A_54 = vector.broadcast %broadcast_in_dim3A_53 : f32 to vector<16xf32>
    %swap3A_55 = arith.constant 16 : index
    %swap3A_56 = tpu.vector_load %arg6[%swap3A_55] {strides = array<i32>} : memref<640xf32, #tpu.memory_space<vmem>>, vector<16xf32>,
    %swap3A_57 = vector.shape_cast %swap3A_56 : vector<16xf32> to vector<16xf32>
    %swap3A_58 = vector.shape_cast %broadcast_in_dim3A_54 : vector<16xf32> to vector<16xf32>
    tpu.vector_store %arg6[%swap3A_55], %swap3A_58 {strides = array<i32>} : memref<640xf32, #tpu.memory_space<vmem>>, vector<16xf32>,
    %broadcast_in_dim3A_59 = arith.constant 0.000000e+00 : f32
    %broadcast_in_dim3A_60 = vector.broadcast %broadcast_in_dim3A_59 : f32 to vector<16xf32>
    %swap3A_61 = arith.constant 32 : index
    %swap3A_62 = tpu.vector_load %arg6[%swap3A_61] {strides = array<i32>} : memref<640xf32, #tpu.memory_space<vmem>>, vector<16xf32>,
    %swap3A_63 = vector.shape_cast %swap3A_62 : vector<16xf32> to vector<16xf32>
    %swap3A_64 = vector.shape_cast %broadcast_in_dim3A_60 : vector<16xf32> to vector<16xf32>
    tpu.vector_store %arg6[%swap3A_61], %swap3A_64 {strides = array<i32>} : memref<640xf32, #tpu.memory_space<vmem>>, vector<16xf32>,
    %broadcast_in_dim3A_65 = arith.constant 0.000000e+00 : f32
    %broadcast_in_dim3A_66 = vector.broadcast %broadcast_in_dim3A_65 : f32 to vector<16xf32>
    %swap3A_67 = arith.constant 48 : index
    %swap3A_68 = tpu.vector_load %arg6[%swap3A_67] {strides = array<i32>} : memref<640xf32, #tpu.memory_space<vmem>>, vector<16xf32>,
    %swap3A_69 = vector.shape_cast %swap3A_68 : vector<16xf32> to vector<16xf32>
    %swap3A_70 = vector.shape_cast %broadcast_in_dim3A_66 : vector<16xf32> to vector<16xf32>
    tpu.vector_store %arg6[%swap3A_67], %swap3A_70 {strides = array<i32>} : memref<640xf32, #tpu.memory_space<vmem>>, vector<16xf32>,
    %broadcast_in_dim3A_71 = arith.constant 0.000000e+00 : f32
    %broadcast_in_dim3A_72 = vector.broadcast %broadcast_in_dim3A_71 : f32 to vector<16xf32>
    %swap3A_73 = arith.constant 64 : index
    %swap3A_74 = tpu.vector_load %arg6[%swap3A_73] {strides = array<i32>} : memref<640xf32, #tpu.memory_space<vmem>>, vector<16xf32>,
    %swap3A_75 = vector.shape_cast %swap3A_74 : vector<16xf32> to vector<16xf32>
    %swap3A_76 = vector.shape_cast %broadcast_in_dim3A_72 : vector<16xf32> to vector<16xf32>
    tpu.vector_store %arg6[%swap3A_73], %swap3A_76 {strides = array<i32>} : memref<640xf32, #tpu.memory_space<vmem>>, vector<16xf32>,
    %broadcast_in_dim3A_77 = arith.constant 0.000000e+00 : f32
    %broadcast_in_dim3A_78 = vector.broadcast %broadcast_in_dim3A_77 : f32 to vector<16xf32>
    %swap3A_79 = arith.constant 80 : index
    %swap3A_80 = tpu.vector_load %arg6[%swap3A_79] {strides = array<i32>} : memref<640xf32, #tpu.memory_space<vmem>>, vector<16xf32>,
    %swap3A_81 = vector.shape_cast %swap3A_80 : vector<16xf32> to vector<16xf32>
    %swap3A_82 = vector.shape_cast %broadcast_in_dim3A_78 : vector<16xf32> to vector<16xf32>
    tpu.vector_store %arg6[%swap3A_79], %swap3A_82 {strides = array<i32>} : memref<640xf32, #tpu.memory_space<vmem>>, vector<16xf32>,
    %broadcast_in_dim3A_83 = arith.constant 0.000000e+00 : f32
    %broadcast_in_dim3A_84 = vector.broadcast %broadcast_in_dim3A_83 : f32 to vector<16xf32>
    %swap3A_85 = arith.constant 96 : index
    %swap3A_86 = tpu.vector_load %arg6[%swap3A_85] {strides = array<i32>} : memref<640xf32, #tpu.memory_space<vmem>>, vector<16xf32>,
    %swap3A_87 = vector.shape_cast %swap3A_86 : vector<16xf32> to vector<16xf32>
    %swap3A_88 = vector.shape_cast %broadcast_in_dim3A_84 : vector<16xf32> to vector<16xf32>
    tpu.vector_store %arg6[%swap3A_85], %swap3A_88 {strides = array<i32>} : memref<640xf32, #tpu.memory_space<vmem>>, vector<16xf32>,
    %broadcast_in_dim3A_89 = arith.constant 0.000000e+00 : f32
    %broadcast_in_dim3A_90 = vector.broadcast %broadcast_in_dim3A_89 : f32 to vector<16xf32>
    %swap3A_91 = arith.constant 112 : index
    %swap3A_92 = tpu.vector_load %arg6[%swap3A_91] {strides = array<i32>} : memref<640xf32, #tpu.memory_space<vmem>>, vector<16xf32>,
    %swap3A_93 = vector.shape_cast %swap3A_92 : vector<16xf32> to vector<16xf32>
    %swap3A_94 = vector.shape_cast %broadcast_in_dim3A_90 : vector<16xf32> to vector<16xf32>
    tpu.vector_store %arg6[%swap3A_91], %swap3A_94 {strides = array<i32>} : memref<640xf32, #tpu.memory_space<vmem>>, vector<16xf32>,
    %broadcast_in_dim3A_95 = arith.constant 0.000000e+00 : f32
    %broadcast_in_dim3A_96 = vector.broadcast %broadcast_in_dim3A_95 : f32 to vector<16xf32>
    %swap3A_97 = arith.constant 128 : index
    %swap3A_98 = tpu.vector_load %arg6[%swap3A_97] {strides = array<i32>} : memref<640xf32, #tpu.memory_space<vmem>>, vector<16xf32>,
    %swap3A_99 = vector.shape_cast %swap3A_98 : vector<16xf32> to vector<16xf32>
    %swap3A_100 = vector.shape_cast %broadcast_in_dim3A_96 : vector<16xf32> to vector<16xf32>
    tpu.vector_store %arg6[%swap3A_97], %swap3A_100 {strides = array<i32>} : memref<640xf32, #tpu.memory_space<vmem>>, vector<16xf32>,
    %broadcast_in_dim3A_101 = arith.constant 0.000000e+00 : f32
    %broadcast_in_dim3A_102 = vector.broadcast %broadcast_in_dim3A_101 : f32 to vector<16xf32>
    %swap3A_103 = arith.constant 144 : index
    %swap3A_104 = tpu.vector_load %arg6[%swap3A_103] {strides = array<i32>} : memref<640xf32, #tpu.memory_space<vmem>>, vector<16xf32>,
    %swap3A_105 = vector.shape_cast %swap3A_104 : vector<16xf32> to vector<16xf32>
    %swap3A_106 = vector.shape_cast %broadcast_in_dim3A_102 : vector<16xf32> to vector<16xf32>
    tpu.vector_store %arg6[%swap3A_103], %swap3A_106 {strides = array<i32>} : memref<640xf32, #tpu.memory_space<vmem>>, vector<16xf32>,
    %broadcast_in_dim3A_107 = arith.constant 0.000000e+00 : f32
    %broadcast_in_dim3A_108 = vector.broadcast %broadcast_in_dim3A_107 : f32 to vector<16xf32>
    %swap3A_109 = arith.constant 160 : index
    %swap3A_110 = tpu.vector_load %arg6[%swap3A_109] {strides = array<i32>} : memref<640xf32, #tpu.memory_space<vmem>>, vector<16xf32>,
    %swap3A_111 = vector.shape_cast %swap3A_110 : vector<16xf32> to vector<16xf32>
    %swap3A_112 = vector.shape_cast %broadcast_in_dim3A_108 : vector<16xf32> to vector<16xf32>
    tpu.vector_store %arg6[%swap3A_109], %swap3A_112 {strides = array<i32>} : memref<640xf32, #tpu.memory_space<vmem>>, vector<16xf32>,
    %broadcast_in_dim3A_113 = arith.constant 0.000000e+00 : f32
    %broadcast_in_dim3A_114 = vector.broadcast %broadcast_in_dim3A_113 : f32 to vector<16xf32>
    %swap3A_115 = arith.constant 176 : index
    %swap3A_116 = tpu.vector_load %arg6[%swap3A_115] {strides = array<i32>} : memref<640xf32, #tpu.memory_space<vmem>>, vector<16xf32>,
    %swap3A_117 = vector.shape_cast %swap3A_116 : vector<16xf32> to vector<16xf32>
    %swap3A_118 = vector.shape_cast %broadcast_in_dim3A_114 : vector<16xf32> to vector<16xf32>
    tpu.vector_store %arg6[%swap3A_115], %swap3A_118 {strides = array<i32>} : memref<640xf32, #tpu.memory_space<vmem>>, vector<16xf32>,
    %broadcast_in_dim3A_119 = arith.constant 0.000000e+00 : f32
    %broadcast_in_dim3A_120 = vector.broadcast %broadcast_in_dim3A_119 : f32 to vector<16xf32>
    %swap3A_121 = arith.constant 192 : index
    %swap3A_122 = tpu.vector_load %arg6[%swap3A_121] {strides = array<i32>} : memref<640xf32, #tpu.memory_space<vmem>>, vector<16xf32>,
    %swap3A_123 = vector.shape_cast %swap3A_122 : vector<16xf32> to vector<16xf32>
    %swap3A_124 = vector.shape_cast %broadcast_in_dim3A_120 : vector<16xf32> to vector<16xf32>
    tpu.vector_store %arg6[%swap3A_121], %swap3A_124 {strides = array<i32>} : memref<640xf32, #tpu.memory_space<vmem>>, vector<16xf32>,
    %broadcast_in_dim3A_125 = arith.constant 0.000000e+00 : f32
    %broadcast_in_dim3A_126 = vector.broadcast %broadcast_in_dim3A_125 : f32 to vector<16xf32>
    %swap3A_127 = arith.constant 208 : index
    %swap3A_128 = tpu.vector_load %arg6[%swap3A_127] {strides = array<i32>} : memref<640xf32, #tpu.memory_space<vmem>>, vector<16xf32>,
    %swap3A_129 = vector.shape_cast %swap3A_128 : vector<16xf32> to vector<16xf32>
    %swap3A_130 = vector.shape_cast %broadcast_in_dim3A_126 : vector<16xf32> to vector<16xf32>
    tpu.vector_store %arg6[%swap3A_127], %swap3A_130 {strides = array<i32>} : memref<640xf32, #tpu.memory_space<vmem>>, vector<16xf32>,
    %broadcast_in_dim3A_131 = arith.constant 0.000000e+00 : f32
    %broadcast_in_dim3A_132 = vector.broadcast %broadcast_in_dim3A_131 : f32 to vector<16xf32>
    %swap3A_133 = arith.constant 224 : index
    %swap3A_134 = tpu.vector_load %arg6[%swap3A_133] {strides = array<i32>} : memref<640xf32, #tpu.memory_space<vmem>>, vector<16xf32>,
    %swap3A_135 = vector.shape_cast %swap3A_134 : vector<16xf32> to vector<16xf32>
    %swap3A_136 = vector.shape_cast %broadcast_in_dim3A_132 : vector<16xf32> to vector<16xf32>
    tpu.vector_store %arg6[%swap3A_133], %swap3A_136 {strides = array<i32>} : memref<640xf32, #tpu.memory_space<vmem>>, vector<16xf32>,
    %broadcast_in_dim3A_137 = arith.constant 0.000000e+00 : f32
    %broadcast_in_dim3A_138 = vector.broadcast %broadcast_in_dim3A_137 : f32 to vector<16xf32>
    %swap3A_139 = arith.constant 240 : index
    %swap3A_140 = tpu.vector_load %arg6[%swap3A_139] {strides = array<i32>} : memref<640xf32, #tpu.memory_space<vmem>>, vector<16xf32>,
    %swap3A_141 = vector.shape_cast %swap3A_140 : vector<16xf32> to vector<16xf32>
    %swap3A_142 = vector.shape_cast %broadcast_in_dim3A_138 : vector<16xf32> to vector<16xf32>
    tpu.vector_store %arg6[%swap3A_139], %swap3A_142 {strides = array<i32>} : memref<640xf32, #tpu.memory_space<vmem>>, vector<16xf32>,
    %broadcast_in_dim3A_143 = arith.constant 0.000000e+00 : f32
    %broadcast_in_dim3A_144 = vector.broadcast %broadcast_in_dim3A_143 : f32 to vector<16xf32>
    %swap3A_145 = arith.constant 256 : index
    %swap3A_146 = tpu.vector_load %arg6[%swap3A_145] {strides = array<i32>} : memref<640xf32, #tpu.memory_space<vmem>>, vector<16xf32>,
    %swap3A_147 = vector.shape_cast %swap3A_146 : vector<16xf32> to vector<16xf32>
    %swap3A_148 = vector.shape_cast %broadcast_in_dim3A_144 : vector<16xf32> to vector<16xf32>
    tpu.vector_store %arg6[%swap3A_145], %swap3A_148 {strides = array<i32>} : memref<640xf32, #tpu.memory_space<vmem>>, vector<16xf32>,
    %broadcast_in_dim3A_149 = arith.constant 0.000000e+00 : f32
    %broadcast_in_dim3A_150 = vector.broadcast %broadcast_in_dim3A_149 : f32 to vector<16xf32>
    %swap3A_151 = arith.constant 272 : index
    %swap3A_152 = tpu.vector_load %arg6[%swap3A_151] {strides = array<i32>} : memref<640xf32, #tpu.memory_space<vmem>>, vector<16xf32>,
    %swap3A_153 = vector.shape_cast %swap3A_152 : vector<16xf32> to vector<16xf32>
    %swap3A_154 = vector.shape_cast %broadcast_in_dim3A_150 : vector<16xf32> to vector<16xf32>
    tpu.vector_store %arg6[%swap3A_151], %swap3A_154 {strides = array<i32>} : memref<640xf32, #tpu.memory_space<vmem>>, vector<16xf32>,
    %broadcast_in_dim3A_155 = arith.constant 0.000000e+00 : f32
    %broadcast_in_dim3A_156 = vector.broadcast %broadcast_in_dim3A_155 : f32 to vector<16xf32>
    %swap3A_157 = arith.constant 288 : index
    %swap3A_158 = tpu.vector_load %arg6[%swap3A_157] {strides = array<i32>} : memref<640xf32, #tpu.memory_space<vmem>>, vector<16xf32>,
    %swap3A_159 = vector.shape_cast %swap3A_158 : vector<16xf32> to vector<16xf32>
    %swap3A_160 = vector.shape_cast %broadcast_in_dim3A_156 : vector<16xf32> to vector<16xf32>
    tpu.vector_store %arg6[%swap3A_157], %swap3A_160 {strides = array<i32>} : memref<640xf32, #tpu.memory_space<vmem>>, vector<16xf32>,
    %broadcast_in_dim3A_161 = arith.constant 0.000000e+00 : f32
    %broadcast_in_dim3A_162 = vector.broadcast %broadcast_in_dim3A_161 : f32 to vector<16xf32>
    %swap3A_163 = arith.constant 304 : index
    %swap3A_164 = tpu.vector_load %arg6[%swap3A_163] {strides = array<i32>} : memref<640xf32, #tpu.memory_space<vmem>>, vector<16xf32>,
    %swap3A_165 = vector.shape_cast %swap3A_164 : vector<16xf32> to vector<16xf32>
    %swap3A_166 = vector.shape_cast %broadcast_in_dim3A_162 : vector<16xf32> to vector<16xf32>
    tpu.vector_store %arg6[%swap3A_163], %swap3A_166 {strides = array<i32>} : memref<640xf32, #tpu.memory_space<vmem>>, vector<16xf32>,
    %broadcast_in_dim3A_167 = arith.constant 0.000000e+00 : f32
    %broadcast_in_dim3A_168 = vector.broadcast %broadcast_in_dim3A_167 : f32 to vector<16xf32>
    %swap3A_169 = arith.constant 320 : index
    %swap3A_170 = tpu.vector_load %arg6[%swap3A_169] {strides = array<i32>} : memref<640xf32, #tpu.memory_space<vmem>>, vector<16xf32>,
    %swap3A_171 = vector.shape_cast %swap3A_170 : vector<16xf32> to vector<16xf32>
    %swap3A_172 = vector.shape_cast %broadcast_in_dim3A_168 : vector<16xf32> to vector<16xf32>
    tpu.vector_store %arg6[%swap3A_169], %swap3A_172 {strides = array<i32>} : memref<640xf32, #tpu.memory_space<vmem>>, vector<16xf32>,
    %broadcast_in_dim3A_173 = arith.constant 0.000000e+00 : f32
    %broadcast_in_dim3A_174 = vector.broadcast %broadcast_in_dim3A_173 : f32 to vector<16xf32>
    %swap3A_175 = arith.constant 336 : index
    %swap3A_176 = tpu.vector_load %arg6[%swap3A_175] {strides = array<i32>} : memref<640xf32, #tpu.memory_space<vmem>>, vector<16xf32>,
    %swap3A_177 = vector.shape_cast %swap3A_176 : vector<16xf32> to vector<16xf32>
    %swap3A_178 = vector.shape_cast %broadcast_in_dim3A_174 : vector<16xf32> to vector<16xf32>
    tpu.vector_store %arg6[%swap3A_175], %swap3A_178 {strides = array<i32>} : memref<640xf32, #tpu.memory_space<vmem>>, vector<16xf32>,
    %broadcast_in_dim3A_179 = arith.constant 0.000000e+00 : f32
    %broadcast_in_dim3A_180 = vector.broadcast %broadcast_in_dim3A_179 : f32 to vector<16xf32>
    %swap3A_181 = arith.constant 352 : index
    %swap3A_182 = tpu.vector_load %arg6[%swap3A_181] {strides = array<i32>} : memref<640xf32, #tpu.memory_space<vmem>>, vector<16xf32>,
    %swap3A_183 = vector.shape_cast %swap3A_182 : vector<16xf32> to vector<16xf32>
    %swap3A_184 = vector.shape_cast %broadcast_in_dim3A_180 : vector<16xf32> to vector<16xf32>
    tpu.vector_store %arg6[%swap3A_181], %swap3A_184 {strides = array<i32>} : memref<640xf32, #tpu.memory_space<vmem>>, vector<16xf32>,
    %broadcast_in_dim3A_185 = arith.constant 0.000000e+00 : f32
    %broadcast_in_dim3A_186 = vector.broadcast %broadcast_in_dim3A_185 : f32 to vector<16xf32>
    %swap3A_187 = arith.constant 368 : index
    %swap3A_188 = tpu.vector_load %arg6[%swap3A_187] {strides = array<i32>} : memref<640xf32, #tpu.memory_space<vmem>>, vector<16xf32>,
    %swap3A_189 = vector.shape_cast %swap3A_188 : vector<16xf32> to vector<16xf32>
    %swap3A_190 = vector.shape_cast %broadcast_in_dim3A_186 : vector<16xf32> to vector<16xf32>
    tpu.vector_store %arg6[%swap3A_187], %swap3A_190 {strides = array<i32>} : memref<640xf32, #tpu.memory_space<vmem>>, vector<16xf32>,
    %broadcast_in_dim3A_191 = arith.constant 0.000000e+00 : f32
    %broadcast_in_dim3A_192 = vector.broadcast %broadcast_in_dim3A_191 : f32 to vector<16xf32>
    %swap3A_193 = arith.constant 384 : index
    %swap3A_194 = tpu.vector_load %arg6[%swap3A_193] {strides = array<i32>} : memref<640xf32, #tpu.memory_space<vmem>>, vector<16xf32>,
    %swap3A_195 = vector.shape_cast %swap3A_194 : vector<16xf32> to vector<16xf32>
    %swap3A_196 = vector.shape_cast %broadcast_in_dim3A_192 : vector<16xf32> to vector<16xf32>
    tpu.vector_store %arg6[%swap3A_193], %swap3A_196 {strides = array<i32>} : memref<640xf32, #tpu.memory_space<vmem>>, vector<16xf32>,
    %broadcast_in_dim3A_197 = arith.constant 0.000000e+00 : f32
    %broadcast_in_dim3A_198 = vector.broadcast %broadcast_in_dim3A_197 : f32 to vector<16xf32>
    %swap3A_199 = arith.constant 400 : index
    %swap3A_200 = tpu.vector_load %arg6[%swap3A_199] {strides = array<i32>} : memref<640xf32, #tpu.memory_space<vmem>>, vector<16xf32>,
    %swap3A_201 = vector.shape_cast %swap3A_200 : vector<16xf32> to vector<16xf32>
    %swap3A_202 = vector.shape_cast %broadcast_in_dim3A_198 : vector<16xf32> to vector<16xf32>
    tpu.vector_store %arg6[%swap3A_199], %swap3A_202 {strides = array<i32>} : memref<640xf32, #tpu.memory_space<vmem>>, vector<16xf32>,
    %broadcast_in_dim3A_203 = arith.constant 0.000000e+00 : f32
    %broadcast_in_dim3A_204 = vector.broadcast %broadcast_in_dim3A_203 : f32 to vector<16xf32>
    %swap3A_205 = arith.constant 416 : index
    %swap3A_206 = tpu.vector_load %arg6[%swap3A_205] {strides = array<i32>} : memref<640xf32, #tpu.memory_space<vmem>>, vector<16xf32>,
    %swap3A_207 = vector.shape_cast %swap3A_206 : vector<16xf32> to vector<16xf32>
    %swap3A_208 = vector.shape_cast %broadcast_in_dim3A_204 : vector<16xf32> to vector<16xf32>
    tpu.vector_store %arg6[%swap3A_205], %swap3A_208 {strides = array<i32>} : memref<640xf32, #tpu.memory_space<vmem>>, vector<16xf32>,
    %broadcast_in_dim3A_209 = arith.constant 0.000000e+00 : f32
    %broadcast_in_dim3A_210 = vector.broadcast %broadcast_in_dim3A_209 : f32 to vector<16xf32>
    %swap3A_211 = arith.constant 432 : index
    %swap3A_212 = tpu.vector_load %arg6[%swap3A_211] {strides = array<i32>} : memref<640xf32, #tpu.memory_space<vmem>>, vector<16xf32>,
    %swap3A_213 = vector.shape_cast %swap3A_212 : vector<16xf32> to vector<16xf32>
    %swap3A_214 = vector.shape_cast %broadcast_in_dim3A_210 : vector<16xf32> to vector<16xf32>
    tpu.vector_store %arg6[%swap3A_211], %swap3A_214 {strides = array<i32>} : memref<640xf32, #tpu.memory_space<vmem>>, vector<16xf32>,
    %broadcast_in_dim3A_215 = arith.constant 0.000000e+00 : f32
    %broadcast_in_dim3A_216 = vector.broadcast %broadcast_in_dim3A_215 : f32 to vector<16xf32>
    %swap3A_217 = arith.constant 448 : index
    %swap3A_218 = tpu.vector_load %arg6[%swap3A_217] {strides = array<i32>} : memref<640xf32, #tpu.memory_space<vmem>>, vector<16xf32>,
    %swap3A_219 = vector.shape_cast %swap3A_218 : vector<16xf32> to vector<16xf32>
    %swap3A_220 = vector.shape_cast %broadcast_in_dim3A_216 : vector<16xf32> to vector<16xf32>
    tpu.vector_store %arg6[%swap3A_217], %swap3A_220 {strides = array<i32>} : memref<640xf32, #tpu.memory_space<vmem>>, vector<16xf32>,
    %broadcast_in_dim3A_221 = arith.constant 0.000000e+00 : f32
    %broadcast_in_dim3A_222 = vector.broadcast %broadcast_in_dim3A_221 : f32 to vector<16xf32>
    %swap3A_223 = arith.constant 464 : index
    %swap3A_224 = tpu.vector_load %arg6[%swap3A_223] {strides = array<i32>} : memref<640xf32, #tpu.memory_space<vmem>>, vector<16xf32>,
    %swap3A_225 = vector.shape_cast %swap3A_224 : vector<16xf32> to vector<16xf32>
    %swap3A_226 = vector.shape_cast %broadcast_in_dim3A_222 : vector<16xf32> to vector<16xf32>
    tpu.vector_store %arg6[%swap3A_223], %swap3A_226 {strides = array<i32>} : memref<640xf32, #tpu.memory_space<vmem>>, vector<16xf32>,
    %broadcast_in_dim3A_227 = arith.constant 0.000000e+00 : f32
    %broadcast_in_dim3A_228 = vector.broadcast %broadcast_in_dim3A_227 : f32 to vector<16xf32>
    %swap3A_229 = arith.constant 480 : index
    %swap3A_230 = tpu.vector_load %arg6[%swap3A_229] {strides = array<i32>} : memref<640xf32, #tpu.memory_space<vmem>>, vector<16xf32>,
    %swap3A_231 = vector.shape_cast %swap3A_230 : vector<16xf32> to vector<16xf32>
    %swap3A_232 = vector.shape_cast %broadcast_in_dim3A_228 : vector<16xf32> to vector<16xf32>
    tpu.vector_store %arg6[%swap3A_229], %swap3A_232 {strides = array<i32>} : memref<640xf32, #tpu.memory_space<vmem>>, vector<16xf32>,
    %broadcast_in_dim3A_233 = arith.constant 0.000000e+00 : f32
    %broadcast_in_dim3A_234 = vector.broadcast %broadcast_in_dim3A_233 : f32 to vector<16xf32>
    %swap3A_235 = arith.constant 496 : index
    %swap3A_236 = tpu.vector_load %arg6[%swap3A_235] {strides = array<i32>} : memref<640xf32, #tpu.memory_space<vmem>>, vector<16xf32>,
    %swap3A_237 = vector.shape_cast %swap3A_236 : vector<16xf32> to vector<16xf32>
    %swap3A_238 = vector.shape_cast %broadcast_in_dim3A_234 : vector<16xf32> to vector<16xf32>
    tpu.vector_store %arg6[%swap3A_235], %swap3A_238 {strides = array<i32>} : memref<640xf32, #tpu.memory_space<vmem>>, vector<16xf32>,
    %broadcast_in_dim3A_239 = arith.constant 0.000000e+00 : f32
    %broadcast_in_dim3A_240 = vector.broadcast %broadcast_in_dim3A_239 : f32 to vector<16xf32>
    %swap3A_241 = arith.constant 512 : index
    %swap3A_242 = tpu.vector_load %arg6[%swap3A_241] {strides = array<i32>} : memref<640xf32, #tpu.memory_space<vmem>>, vector<16xf32>,
    %swap3A_243 = vector.shape_cast %swap3A_242 : vector<16xf32> to vector<16xf32>
    %swap3A_244 = vector.shape_cast %broadcast_in_dim3A_240 : vector<16xf32> to vector<16xf32>
    tpu.vector_store %arg6[%swap3A_241], %swap3A_244 {strides = array<i32>} : memref<640xf32, #tpu.memory_space<vmem>>, vector<16xf32>,
    %broadcast_in_dim3A_245 = arith.constant 0.000000e+00 : f32
    %broadcast_in_dim3A_246 = vector.broadcast %broadcast_in_dim3A_245 : f32 to vector<16xf32>
    %swap3A_247 = arith.constant 528 : index
    %swap3A_248 = tpu.vector_load %arg6[%swap3A_247] {strides = array<i32>} : memref<640xf32, #tpu.memory_space<vmem>>, vector<16xf32>,
    %swap3A_249 = vector.shape_cast %swap3A_248 : vector<16xf32> to vector<16xf32>
    %swap3A_250 = vector.shape_cast %broadcast_in_dim3A_246 : vector<16xf32> to vector<16xf32>
    tpu.vector_store %arg6[%swap3A_247], %swap3A_250 {strides = array<i32>} : memref<640xf32, #tpu.memory_space<vmem>>, vector<16xf32>,
    %broadcast_in_dim3A_251 = arith.constant 0.000000e+00 : f32
    %broadcast_in_dim3A_252 = vector.broadcast %broadcast_in_dim3A_251 : f32 to vector<16xf32>
    %swap3A_253 = arith.constant 544 : index
    %swap3A_254 = tpu.vector_load %arg6[%swap3A_253] {strides = array<i32>} : memref<640xf32, #tpu.memory_space<vmem>>, vector<16xf32>,
    %swap3A_255 = vector.shape_cast %swap3A_254 : vector<16xf32> to vector<16xf32>
    %swap3A_256 = vector.shape_cast %broadcast_in_dim3A_252 : vector<16xf32> to vector<16xf32>
    tpu.vector_store %arg6[%swap3A_253], %swap3A_256 {strides = array<i32>} : memref<640xf32, #tpu.memory_space<vmem>>, vector<16xf32>,
    %broadcast_in_dim3A_257 = arith.constant 0.000000e+00 : f32
    %broadcast_in_dim3A_258 = vector.broadcast %broadcast_in_dim3A_257 : f32 to vector<16xf32>
    %swap3A_259 = arith.constant 560 : index
    %swap3A_260 = tpu.vector_load %arg6[%swap3A_259] {strides = array<i32>} : memref<640xf32, #tpu.memory_space<vmem>>, vector<16xf32>,
    %swap3A_261 = vector.shape_cast %swap3A_260 : vector<16xf32> to vector<16xf32>
    %swap3A_262 = vector.shape_cast %broadcast_in_dim3A_258 : vector<16xf32> to vector<16xf32>
    tpu.vector_store %arg6[%swap3A_259], %swap3A_262 {strides = array<i32>} : memref<640xf32, #tpu.memory_space<vmem>>, vector<16xf32>,
    %broadcast_in_dim3A_263 = arith.constant 0.000000e+00 : f32
    %broadcast_in_dim3A_264 = vector.broadcast %broadcast_in_dim3A_263 : f32 to vector<16xf32>
    %swap3A_265 = arith.constant 576 : index
    %swap3A_266 = tpu.vector_load %arg6[%swap3A_265] {strides = array<i32>} : memref<640xf32, #tpu.memory_space<vmem>>, vector<16xf32>,
    %swap3A_267 = vector.shape_cast %swap3A_266 : vector<16xf32> to vector<16xf32>
    %swap3A_268 = vector.shape_cast %broadcast_in_dim3A_264 : vector<16xf32> to vector<16xf32>
    tpu.vector_store %arg6[%swap3A_265], %swap3A_268 {strides = array<i32>} : memref<640xf32, #tpu.memory_space<vmem>>, vector<16xf32>,
    %broadcast_in_dim3A_269 = arith.constant 0.000000e+00 : f32
    %broadcast_in_dim3A_270 = vector.broadcast %broadcast_in_dim3A_269 : f32 to vector<16xf32>
    %swap3A_271 = arith.constant 592 : index
    %swap3A_272 = tpu.vector_load %arg6[%swap3A_271] {strides = array<i32>} : memref<640xf32, #tpu.memory_space<vmem>>, vector<16xf32>,
    %swap3A_273 = vector.shape_cast %swap3A_272 : vector<16xf32> to vector<16xf32>
    %swap3A_274 = vector.shape_cast %broadcast_in_dim3A_270 : vector<16xf32> to vector<16xf32>
    tpu.vector_store %arg6[%swap3A_271], %swap3A_274 {strides = array<i32>} : memref<640xf32, #tpu.memory_space<vmem>>, vector<16xf32>,
    %broadcast_in_dim3A_275 = arith.constant 0.000000e+00 : f32
    %broadcast_in_dim3A_276 = vector.broadcast %broadcast_in_dim3A_275 : f32 to vector<16xf32>
    %swap3A_277 = arith.constant 608 : index
    %swap3A_278 = tpu.vector_load %arg6[%swap3A_277] {strides = array<i32>} : memref<640xf32, #tpu.memory_space<vmem>>, vector<16xf32>,
    %swap3A_279 = vector.shape_cast %swap3A_278 : vector<16xf32> to vector<16xf32>
    %swap3A_280 = vector.shape_cast %broadcast_in_dim3A_276 : vector<16xf32> to vector<16xf32>
    tpu.vector_store %arg6[%swap3A_277], %swap3A_280 {strides = array<i32>} : memref<640xf32, #tpu.memory_space<vmem>>, vector<16xf32>,
    %broadcast_in_dim3A_281 = arith.constant 0.000000e+00 : f32
    %broadcast_in_dim3A_282 = vector.broadcast %broadcast_in_dim3A_281 : f32 to vector<16xf32>
    %swap3A_283 = arith.constant 624 : index
    %swap3A_284 = tpu.vector_load %arg6[%swap3A_283] {strides = array<i32>} : memref<640xf32, #tpu.memory_space<vmem>>, vector<16xf32>,
    %swap3A_285 = vector.shape_cast %swap3A_284 : vector<16xf32> to vector<16xf32>
    %swap3A_286 = vector.shape_cast %broadcast_in_dim3A_282 : vector<16xf32> to vector<16xf32>
    tpu.vector_store %arg6[%swap3A_283], %swap3A_286 {strides = array<i32>} : memref<640xf32, #tpu.memory_space<vmem>>, vector<16xf32>,
    %mul3A_287 = arith.constant 640 : i32
    %mul3A_288 = arith.muli %arg1, %mul3A_287 : i32
    "tpu.region"() ({
      %run_scoped3A = tpu.sem_alloc : memref<!tpu.dma_semaphore, #tpu.memory_space<semaphore_mem>>
      %dma_start3A = tpu.memref_slice %arg7[%mul3A_288] : memref<10240xf32, #tpu.memory_space<vmem_shared>> -> memref<640xf32, #tpu.memory_space<vmem_shared>>
      %dma_start3A_295 = tpu.memref_slice %arg7[%mul3A_288] : memref<10240xf32, #tpu.memory_space<vmem_shared>> -> memref<640xf32, #tpu.memory_space<vmem_shared>>
      tpu.enqueue_dma source(%arg6 : memref<640xf32, #tpu.memory_space<vmem>>) target(%dma_start3A_295 : memref<640xf32, #tpu.memory_space<vmem_shared>>) target_semaphore(%run_scoped3A : memref<!tpu.dma_semaphore, #tpu.memory_space<semaphore_mem>>)
      %dma_wait3A = tpu.memref_slice %arg7[%mul3A_288] : memref<10240xf32, #tpu.memory_space<vmem_shared>> -> memref<640xf32, #tpu.memory_space<vmem_shared>>
      %dma_wait3A_296 = tpu.memref_slice %arg7[%mul3A_288] : memref<10240xf32, #tpu.memory_space<vmem_shared>> -> memref<640xf32, #tpu.memory_space<vmem_shared>>
      tpu.wait_dma2 semaphore(%run_scoped3A : memref<!tpu.dma_semaphore, #tpu.memory_space<semaphore_mem>>) src(%arg6 : memref<640xf32, #tpu.memory_space<vmem>>) dst(%dma_wait3A_296 : memref<640xf32, #tpu.memory_space<vmem_shared>>)
      tpu.yield
    }) : () -> ()
    "tpu.region"() ({
      %run_scoped3A = tpu.sem_alloc : memref<!tpu.dma_semaphore, #tpu.memory_space<semaphore_mem>>
      %dma_start3A = arith.constant 0 : i32
      %dma_start3A_295 = arith.constant 0 : i32
      %dma_start3A_296 = tpu.memref_slice %arg2[%add3A, %dma_start3A, %dma_start3A_295] : memref<32x80x128xi32, #tpu.memory_space<hbm>> -> memref<1x80x128xi32, #tpu.memory_space<hbm>>
      %dma_start3A_297 = tpu.memref_squeeze %dma_start3A_296 : memref<1x80x128xi32, #tpu.memory_space<hbm>> -> memref<80x128xi32, #tpu.memory_space<hbm>>
      %dma_start3A_298 = arith.constant 0 : i32
      %dma_start3A_299 = arith.constant 0 : i32
      %dma_start3A_300 = tpu.memref_slice %arg2[%add3A, %dma_start3A_298, %dma_start3A_299] : memref<32x80x128xi32, #tpu.memory_space<hbm>> -> memref<1x80x128xi32, #tpu.memory_space<hbm>>
      %dma_start3A_301 = tpu.memref_squeeze %dma_start3A_300 : memref<1x80x128xi32, #tpu.memory_space<hbm>> -> memref<80x128xi32, #tpu.memory_space<hbm>>
      tpu.enqueue_dma source(%dma_start3A_301 : memref<80x128xi32, #tpu.memory_space<hbm>>) target(%arg4 : memref<80x128xi32, #tpu.memory_space<vmem>>) target_semaphore(%run_scoped3A : memref<!tpu.dma_semaphore, #tpu.memory_space<semaphore_mem>>)
      %dma_wait3A = arith.constant 0 : i32
      %dma_wait3A_302 = arith.constant 0 : i32
      %dma_wait3A_303 = tpu.memref_slice %arg2[%add3A, %dma_wait3A, %dma_wait3A_302] : memref<32x80x128xi32, #tpu.memory_space<hbm>> -> memref<1x80x128xi32, #tpu.memory_space<hbm>>
      %dma_wait3A_304 = tpu.memref_squeeze %dma_wait3A_303 : memref<1x80x128xi32, #tpu.memory_space<hbm>> -> memref<80x128xi32, #tpu.memory_space<hbm>>
      %dma_wait3A_305 = arith.constant 0 : i32
      %dma_wait3A_306 = arith.constant 0 : i32
      %dma_wait3A_307 = tpu.memref_slice %arg2[%add3A, %dma_wait3A_305, %dma_wait3A_306] : memref<32x80x128xi32, #tpu.memory_space<hbm>> -> memref<1x80x128xi32, #tpu.memory_space<hbm>>
      %dma_wait3A_308 = tpu.memref_squeeze %dma_wait3A_307 : memref<1x80x128xi32, #tpu.memory_space<hbm>> -> memref<80x128xi32, #tpu.memory_space<hbm>>
      tpu.wait_dma2 semaphore(%run_scoped3A : memref<!tpu.dma_semaphore, #tpu.memory_space<semaphore_mem>>) src(%dma_wait3A_308 : memref<80x128xi32, #tpu.memory_space<hbm>>) dst(%arg4 : memref<80x128xi32, #tpu.memory_space<vmem>>)
      tpu.yield
    }) : () -> ()
    %barrier3A = arith.constant 0 : index
    tpu.barrier barrier_id(%barrier3A)
    %scan3A = arith.constant 0 : i32
    %scan3A_289 = arith.constant 0 : i32
    %scan3A_290 = arith.constant 80 : i32
    %scan3A_291 = arith.addi %scan3A_289, %scan3A_290 : i32
    %scan3A_292 = arith.constant 1 : i32
    scf.for %scan3A_295 = %scan3A_289 to %scan3A_291 step %scan3A_292  : i32 {
      "tpu.region"() ({
        %run_scoped3A = tpu.sem_alloc : memref<!tpu.dma_semaphore, #tpu.memory_space<semaphore_mem>>
        %dma_start3A = arith.constant 0 : i32
        %dma_start3A_296 = tpu.memref_slice %arg4[%scan3A_295, %dma_start3A] : memref<80x128xi32, #tpu.memory_space<vmem>> -> memref<1x128xi32, #tpu.memory_space<vmem>>
        %dma_start3A_297 = tpu.memref_squeeze %dma_start3A_296 : memref<1x128xi32, #tpu.memory_space<vmem>> -> memref<128xi32, #tpu.memory_space<vmem>>
        %dma_start3A_298 = arith.constant 0 : i32
        %dma_start3A_299 = tpu.memref_slice %arg7[%dma_start3A_298] : memref<10240xf32, #tpu.memory_space<vmem_shared>> -> memref<10240xf32, #tpu.memory_space<vmem_shared>>
        tpu.enqueue_indirect_dma source(%arg5 : memref<128xf32, #tpu.memory_space<vmem>>) target(%dma_start3A_299 : memref<10240xf32, #tpu.memory_space<vmem_shared>>) offsets(%dma_start3A_297 : memref<128xi32, #tpu.memory_space<vmem>>) semaphore(%run_scoped3A : memref<!tpu.dma_semaphore, #tpu.memory_space<semaphore_mem>>) {add = true}
        %dma_wait3A = arith.constant 0 : i32
        %dma_wait3A_300 = tpu.memref_slice %arg4[%scan3A_295, %dma_wait3A] : memref<80x128xi32, #tpu.memory_space<vmem>> -> memref<1x128xi32, #tpu.memory_space<vmem>>
        %dma_wait3A_301 = tpu.memref_squeeze %dma_wait3A_300 : memref<1x128xi32, #tpu.memory_space<vmem>> -> memref<128xi32, #tpu.memory_space<vmem>>
        %dma_wait3A_302 = arith.constant 0 : i32
        %dma_wait3A_303 = tpu.memref_slice %arg7[%dma_wait3A_302] : memref<10240xf32, #tpu.memory_space<vmem_shared>> -> memref<10240xf32, #tpu.memory_space<vmem_shared>>
        tpu.wait_indirect_dma semaphore(%run_scoped3A : memref<!tpu.dma_semaphore, #tpu.memory_space<semaphore_mem>>) src(%arg5 : memref<128xf32, #tpu.memory_space<vmem>>) dst(%dma_wait3A_303 : memref<10240xf32, #tpu.memory_space<vmem_shared>>)
        tpu.yield
      }) : () -> ()
    }
    %scan3A_293 = arith.constant 80 : i32
    %barrier3A_294 = arith.constant 0 : index
    tpu.barrier barrier_id(%barrier3A_294)
    "tpu.region"() ({
      %run_scoped3A = tpu.sem_alloc : memref<!tpu.dma_semaphore, #tpu.memory_space<semaphore_mem>>
      %dma_start3A = arith.constant 0 : i32
      %dma_start3A_295 = tpu.memref_slice %arg3[%arg0, %dma_start3A] : memref<2x10240xf32, #tpu.memory_space<hbm>> -> memref<1x10240xf32, #tpu.memory_space<hbm>>
      %dma_start3A_296 = tpu.memref_squeeze %dma_start3A_295 : memref<1x10240xf32, #tpu.memory_space<hbm>> -> memref<10240xf32, #tpu.memory_space<hbm>>
      %dma_start3A_297 = tpu.memref_slice %dma_start3A_296[%mul3A_288] : memref<10240xf32, #tpu.memory_space<hbm>> -> memref<640xf32, #tpu.memory_space<hbm>>
      %dma_start3A_298 = tpu.memref_slice %arg7[%mul3A_288] : memref<10240xf32, #tpu.memory_space<vmem_shared>> -> memref<640xf32, #tpu.memory_space<vmem_shared>>
      tpu.enqueue_dma source(%dma_start3A_298 : memref<640xf32, #tpu.memory_space<vmem_shared>>) target(%dma_start3A_297 : memref<640xf32, #tpu.memory_space<hbm>>) target_semaphore(%run_scoped3A : memref<!tpu.dma_semaphore, #tpu.memory_space<semaphore_mem>>)
      %dma_wait3A = arith.constant 0 : i32
      %dma_wait3A_299 = tpu.memref_slice %arg3[%arg0, %dma_wait3A] : memref<2x10240xf32, #tpu.memory_space<hbm>> -> memref<1x10240xf32, #tpu.memory_space<hbm>>
      %dma_wait3A_300 = tpu.memref_squeeze %dma_wait3A_299 : memref<1x10240xf32, #tpu.memory_space<hbm>> -> memref<10240xf32, #tpu.memory_space<hbm>>
      %dma_wait3A_301 = tpu.memref_slice %dma_wait3A_300[%mul3A_288] : memref<10240xf32, #tpu.memory_space<hbm>> -> memref<640xf32, #tpu.memory_space<hbm>>
      %dma_wait3A_302 = tpu.memref_slice %arg7[%mul3A_288] : memref<10240xf32, #tpu.memory_space<vmem_shared>> -> memref<640xf32, #tpu.memory_space<vmem_shared>>
      tpu.wait_dma2 semaphore(%run_scoped3A : memref<!tpu.dma_semaphore, #tpu.memory_space<semaphore_mem>>) src(%dma_wait3A_302 : memref<640xf32, #tpu.memory_space<vmem_shared>>) dst(%dma_wait3A_301 : memref<640xf32, #tpu.memory_space<hbm>>)
      tpu.yield
    }) : () -> ()
    return
  }
}

#map = affine_map<(d0, d1) -> (0, 0)>
#map1 = affine_map<(d0, d1) -> (0, 0, 0)>
module attributes {stable_mosaic.version = 14 : i64} {
  func.func @k(%arg0: i32, %arg1: i32, %arg2: memref<10240x128xf32, #tpu.memory_space<hbm>>, %arg3: memref<32x80x128xi32, #tpu.memory_space<hbm>>, %arg4: memref<32x80x128xi32, #tpu.memory_space<hbm>>, %arg5: memref<10240x128xf32, #tpu.memory_space<hbm>>, %arg6: memref<2x10240x128xf32, #tpu.memory_space<hbm>>, %arg7: memref<40x128xi32, #tpu.memory_space<vmem>>, %arg8: memref<40x128xi32, #tpu.memory_space<vmem>>, %arg9: memref<128x128xf32, #tpu.memory_space<vmem>>, %arg10: memref<128x128xf32, #tpu.memory_space<vmem>>, %arg11: memref<10240x128xf32, #tpu.memory_space<vmem_shared>>, %arg12: memref<!tpu.dma_semaphore, #tpu.memory_space<semaphore_mem>>, %arg13: memref<!tpu.dma_semaphore, #tpu.memory_space<semaphore_mem>>) attributes {dimension_semantics = [#tpu.dimension_semantics<core_parallel>, #tpu.dimension_semantics<subcore_parallel>], iteration_bounds = array<i64: 2, 16>, scalar_prefetch = 0 : i64, scratch_operands = 7 : i64, tpu.core_type = #tpu.core_type<sc_vector_subcore>, window_params = [{transform_indices = #map}, {transform_indices = #map1}, {transform_indices = #map1}, {transform_indices = #map}, {transform_indices = #map1}]} {
    %mul3A = arith.constant 16 : i32
    %mul3A_0 = arith.muli %arg0, %mul3A : i32
    %add3A = arith.addi %mul3A_0, %arg1 : i32
    %mul3A_1 = arith.constant 640 : i32
    %mul3A_2 = arith.muli %arg1, %mul3A_1 : i32
    %eq3A = arith.constant 0 : i32
    %eq3A_3 = arith.cmpi eq, %arg0, %eq3A : i32
    %convert_element_type3A = arith.extui %eq3A_3 : i1 to i32
    %cond3A = arith.constant 0 : i32
    %cond3A_4 = arith.cmpi ne, %convert_element_type3A, %cond3A : i32
    scf.if %cond3A_4 {
      "tpu.region"() ({
        %run_scoped3A = tpu.sem_alloc : memref<!tpu.dma_semaphore, #tpu.memory_space<semaphore_mem>>
        %dma_start3A_48 = arith.constant 0 : i32
        %dma_start3A_49 = tpu.memref_slice %arg11[%mul3A_2, %dma_start3A_48] : memref<10240x128xf32, #tpu.memory_space<vmem_shared>> -> memref<640x128xf32, #tpu.memory_space<vmem_shared>>
        %dma_start3A_50 = arith.constant 0 : i32
        %dma_start3A_51 = tpu.memref_slice %arg2[%mul3A_2, %dma_start3A_50] : memref<10240x128xf32, #tpu.memory_space<hbm>> -> memref<640x128xf32, #tpu.memory_space<hbm>>
        tpu.enqueue_dma source(%dma_start3A_51 : memref<640x128xf32, #tpu.memory_space<hbm>>) target(%dma_start3A_49 : memref<640x128xf32, #tpu.memory_space<vmem_shared>>) target_semaphore(%run_scoped3A : memref<!tpu.dma_semaphore, #tpu.memory_space<semaphore_mem>>)
        %dma_wait3A = arith.constant 0 : i32
        %dma_wait3A_52 = tpu.memref_slice %arg11[%mul3A_2, %dma_wait3A] : memref<10240x128xf32, #tpu.memory_space<vmem_shared>> -> memref<640x128xf32, #tpu.memory_space<vmem_shared>>
        %dma_wait3A_53 = arith.constant 0 : i32
        %dma_wait3A_54 = tpu.memref_slice %arg2[%mul3A_2, %dma_wait3A_53] : memref<10240x128xf32, #tpu.memory_space<hbm>> -> memref<640x128xf32, #tpu.memory_space<hbm>>
        tpu.wait_dma2 semaphore(%run_scoped3A : memref<!tpu.dma_semaphore, #tpu.memory_space<semaphore_mem>>) src(%dma_wait3A_54 : memref<640x128xf32, #tpu.memory_space<hbm>>) dst(%dma_wait3A_52 : memref<640x128xf32, #tpu.memory_space<vmem_shared>>)
        tpu.yield
      }) : () -> ()
    } else {
    }
    %ne3A = arith.constant 0 : i32
    %ne3A_5 = arith.cmpi ne, %arg0, %ne3A : i32
    %convert_element_type3A_6 = arith.extui %ne3A_5 : i1 to i32
    %cond3A_7 = arith.constant 0 : i32
    %cond3A_8 = arith.cmpi ne, %convert_element_type3A_6, %cond3A_7 : i32
    scf.if %cond3A_8 {
      "tpu.region"() ({
        %run_scoped3A = tpu.sem_alloc : memref<!tpu.dma_semaphore, #tpu.memory_space<semaphore_mem>>
        %dma_start3A_48 = arith.constant 0 : i32
        %dma_start3A_49 = tpu.memref_slice %arg11[%mul3A_2, %dma_start3A_48] : memref<10240x128xf32, #tpu.memory_space<vmem_shared>> -> memref<640x128xf32, #tpu.memory_space<vmem_shared>>
        %dma_start3A_50 = arith.constant 0 : i32
        %dma_start3A_51 = tpu.memref_slice %arg5[%mul3A_2, %dma_start3A_50] : memref<10240x128xf32, #tpu.memory_space<hbm>> -> memref<640x128xf32, #tpu.memory_space<hbm>>
        tpu.enqueue_dma source(%dma_start3A_51 : memref<640x128xf32, #tpu.memory_space<hbm>>) target(%dma_start3A_49 : memref<640x128xf32, #tpu.memory_space<vmem_shared>>) target_semaphore(%run_scoped3A : memref<!tpu.dma_semaphore, #tpu.memory_space<semaphore_mem>>)
        %dma_wait3A = arith.constant 0 : i32
        %dma_wait3A_52 = tpu.memref_slice %arg11[%mul3A_2, %dma_wait3A] : memref<10240x128xf32, #tpu.memory_space<vmem_shared>> -> memref<640x128xf32, #tpu.memory_space<vmem_shared>>
        %dma_wait3A_53 = arith.constant 0 : i32
        %dma_wait3A_54 = tpu.memref_slice %arg5[%mul3A_2, %dma_wait3A_53] : memref<10240x128xf32, #tpu.memory_space<hbm>> -> memref<640x128xf32, #tpu.memory_space<hbm>>
        tpu.wait_dma2 semaphore(%run_scoped3A : memref<!tpu.dma_semaphore, #tpu.memory_space<semaphore_mem>>) src(%dma_wait3A_54 : memref<640x128xf32, #tpu.memory_space<hbm>>) dst(%dma_wait3A_52 : memref<640x128xf32, #tpu.memory_space<vmem_shared>>)
        tpu.yield
      }) : () -> ()
    } else {
    }
    %barrier3A = arith.constant 0 : index
    tpu.barrier barrier_id(%barrier3A)
    "tpu.region"() ({
      %run_scoped3A = tpu.sem_alloc : memref<!tpu.dma_semaphore, #tpu.memory_space<semaphore_mem>>
      %dma_start3A_48 = arith.constant 0 : i32
      %dma_start3A_49 = arith.constant 0 : i32
      %dma_start3A_50 = tpu.memref_slice %arg3[%add3A, %dma_start3A_48, %dma_start3A_49] : memref<32x80x128xi32, #tpu.memory_space<hbm>> -> memref<1x80x128xi32, #tpu.memory_space<hbm>>
      %dma_start3A_51 = tpu.memref_squeeze %dma_start3A_50 : memref<1x80x128xi32, #tpu.memory_space<hbm>> -> memref<80x128xi32, #tpu.memory_space<hbm>>
      %dma_start3A_52 = arith.constant 0 : i32
      %dma_start3A_53 = arith.constant 0 : i32
      %dma_start3A_54 = tpu.memref_slice %dma_start3A_51[%dma_start3A_52, %dma_start3A_53] : memref<80x128xi32, #tpu.memory_space<hbm>> -> memref<40x128xi32, #tpu.memory_space<hbm>>
      %dma_start3A_55 = arith.constant 0 : i32
      %dma_start3A_56 = arith.constant 0 : i32
      %dma_start3A_57 = tpu.memref_slice %arg3[%add3A, %dma_start3A_55, %dma_start3A_56] : memref<32x80x128xi32, #tpu.memory_space<hbm>> -> memref<1x80x128xi32, #tpu.memory_space<hbm>>
      %dma_start3A_58 = tpu.memref_squeeze %dma_start3A_57 : memref<1x80x128xi32, #tpu.memory_space<hbm>> -> memref<80x128xi32, #tpu.memory_space<hbm>>
      %dma_start3A_59 = arith.constant 0 : i32
      %dma_start3A_60 = arith.constant 0 : i32
      %dma_start3A_61 = tpu.memref_slice %dma_start3A_58[%dma_start3A_59, %dma_start3A_60] : memref<80x128xi32, #tpu.memory_space<hbm>> -> memref<40x128xi32, #tpu.memory_space<hbm>>
      tpu.enqueue_dma source(%dma_start3A_61 : memref<40x128xi32, #tpu.memory_space<hbm>>) target(%arg7 : memref<40x128xi32, #tpu.memory_space<vmem>>) target_semaphore(%run_scoped3A : memref<!tpu.dma_semaphore, #tpu.memory_space<semaphore_mem>>)
      %dma_wait3A = arith.constant 0 : i32
      %dma_wait3A_62 = arith.constant 0 : i32
      %dma_wait3A_63 = tpu.memref_slice %arg3[%add3A, %dma_wait3A, %dma_wait3A_62] : memref<32x80x128xi32, #tpu.memory_space<hbm>> -> memref<1x80x128xi32, #tpu.memory_space<hbm>>
      %dma_wait3A_64 = tpu.memref_squeeze %dma_wait3A_63 : memref<1x80x128xi32, #tpu.memory_space<hbm>> -> memref<80x128xi32, #tpu.memory_space<hbm>>
      %dma_wait3A_65 = arith.constant 0 : i32
      %dma_wait3A_66 = arith.constant 0 : i32
      %dma_wait3A_67 = tpu.memref_slice %dma_wait3A_64[%dma_wait3A_65, %dma_wait3A_66] : memref<80x128xi32, #tpu.memory_space<hbm>> -> memref<40x128xi32, #tpu.memory_space<hbm>>
      %dma_wait3A_68 = arith.constant 0 : i32
      %dma_wait3A_69 = arith.constant 0 : i32
      %dma_wait3A_70 = tpu.memref_slice %arg3[%add3A, %dma_wait3A_68, %dma_wait3A_69] : memref<32x80x128xi32, #tpu.memory_space<hbm>> -> memref<1x80x128xi32, #tpu.memory_space<hbm>>
      %dma_wait3A_71 = tpu.memref_squeeze %dma_wait3A_70 : memref<1x80x128xi32, #tpu.memory_space<hbm>> -> memref<80x128xi32, #tpu.memory_space<hbm>>
      %dma_wait3A_72 = arith.constant 0 : i32
      %dma_wait3A_73 = arith.constant 0 : i32
      %dma_wait3A_74 = tpu.memref_slice %dma_wait3A_71[%dma_wait3A_72, %dma_wait3A_73] : memref<80x128xi32, #tpu.memory_space<hbm>> -> memref<40x128xi32, #tpu.memory_space<hbm>>
      tpu.wait_dma2 semaphore(%run_scoped3A : memref<!tpu.dma_semaphore, #tpu.memory_space<semaphore_mem>>) src(%dma_wait3A_74 : memref<40x128xi32, #tpu.memory_space<hbm>>) dst(%arg7 : memref<40x128xi32, #tpu.memory_space<vmem>>)
      tpu.yield
    }) : () -> ()
    "tpu.region"() ({
      %run_scoped3A = tpu.sem_alloc : memref<!tpu.dma_semaphore, #tpu.memory_space<semaphore_mem>>
      %dma_start3A_48 = arith.constant 0 : i32
      %dma_start3A_49 = arith.constant 0 : i32
      %dma_start3A_50 = tpu.memref_slice %arg4[%add3A, %dma_start3A_48, %dma_start3A_49] : memref<32x80x128xi32, #tpu.memory_space<hbm>> -> memref<1x80x128xi32, #tpu.memory_space<hbm>>
      %dma_start3A_51 = tpu.memref_squeeze %dma_start3A_50 : memref<1x80x128xi32, #tpu.memory_space<hbm>> -> memref<80x128xi32, #tpu.memory_space<hbm>>
      %dma_start3A_52 = arith.constant 0 : i32
      %dma_start3A_53 = arith.constant 0 : i32
      %dma_start3A_54 = tpu.memref_slice %dma_start3A_51[%dma_start3A_52, %dma_start3A_53] : memref<80x128xi32, #tpu.memory_space<hbm>> -> memref<40x128xi32, #tpu.memory_space<hbm>>
      %dma_start3A_55 = arith.constant 0 : i32
      %dma_start3A_56 = arith.constant 0 : i32
      %dma_start3A_57 = tpu.memref_slice %arg4[%add3A, %dma_start3A_55, %dma_start3A_56] : memref<32x80x128xi32, #tpu.memory_space<hbm>> -> memref<1x80x128xi32, #tpu.memory_space<hbm>>
      %dma_start3A_58 = tpu.memref_squeeze %dma_start3A_57 : memref<1x80x128xi32, #tpu.memory_space<hbm>> -> memref<80x128xi32, #tpu.memory_space<hbm>>
      %dma_start3A_59 = arith.constant 0 : i32
      %dma_start3A_60 = arith.constant 0 : i32
      %dma_start3A_61 = tpu.memref_slice %dma_start3A_58[%dma_start3A_59, %dma_start3A_60] : memref<80x128xi32, #tpu.memory_space<hbm>> -> memref<40x128xi32, #tpu.memory_space<hbm>>
      tpu.enqueue_dma source(%dma_start3A_61 : memref<40x128xi32, #tpu.memory_space<hbm>>) target(%arg8 : memref<40x128xi32, #tpu.memory_space<vmem>>) target_semaphore(%run_scoped3A : memref<!tpu.dma_semaphore, #tpu.memory_space<semaphore_mem>>)
      %dma_wait3A = arith.constant 0 : i32
      %dma_wait3A_62 = arith.constant 0 : i32
      %dma_wait3A_63 = tpu.memref_slice %arg4[%add3A, %dma_wait3A, %dma_wait3A_62] : memref<32x80x128xi32, #tpu.memory_space<hbm>> -> memref<1x80x128xi32, #tpu.memory_space<hbm>>
      %dma_wait3A_64 = tpu.memref_squeeze %dma_wait3A_63 : memref<1x80x128xi32, #tpu.memory_space<hbm>> -> memref<80x128xi32, #tpu.memory_space<hbm>>
      %dma_wait3A_65 = arith.constant 0 : i32
      %dma_wait3A_66 = arith.constant 0 : i32
      %dma_wait3A_67 = tpu.memref_slice %dma_wait3A_64[%dma_wait3A_65, %dma_wait3A_66] : memref<80x128xi32, #tpu.memory_space<hbm>> -> memref<40x128xi32, #tpu.memory_space<hbm>>
      %dma_wait3A_68 = arith.constant 0 : i32
      %dma_wait3A_69 = arith.constant 0 : i32
      %dma_wait3A_70 = tpu.memref_slice %arg4[%add3A, %dma_wait3A_68, %dma_wait3A_69] : memref<32x80x128xi32, #tpu.memory_space<hbm>> -> memref<1x80x128xi32, #tpu.memory_space<hbm>>
      %dma_wait3A_71 = tpu.memref_squeeze %dma_wait3A_70 : memref<1x80x128xi32, #tpu.memory_space<hbm>> -> memref<80x128xi32, #tpu.memory_space<hbm>>
      %dma_wait3A_72 = arith.constant 0 : i32
      %dma_wait3A_73 = arith.constant 0 : i32
      %dma_wait3A_74 = tpu.memref_slice %dma_wait3A_71[%dma_wait3A_72, %dma_wait3A_73] : memref<80x128xi32, #tpu.memory_space<hbm>> -> memref<40x128xi32, #tpu.memory_space<hbm>>
      tpu.wait_dma2 semaphore(%run_scoped3A : memref<!tpu.dma_semaphore, #tpu.memory_space<semaphore_mem>>) src(%dma_wait3A_74 : memref<40x128xi32, #tpu.memory_space<hbm>>) dst(%arg8 : memref<40x128xi32, #tpu.memory_space<vmem>>)
      tpu.yield
    }) : () -> ()
    %dma_start3A = arith.constant 0 : i32
    %dma_start3A_9 = arith.constant 0 : i32
    %dma_start3A_10 = tpu.memref_slice %arg7[%dma_start3A, %dma_start3A_9] : memref<40x128xi32, #tpu.memory_space<vmem>> -> memref<1x128xi32, #tpu.memory_space<vmem>>
    %dma_start3A_11 = tpu.memref_squeeze %dma_start3A_10 : memref<1x128xi32, #tpu.memory_space<vmem>> -> memref<128xi32, #tpu.memory_space<vmem>>
    %dma_start3A_12 = arith.constant 0 : i32
    %dma_start3A_13 = arith.constant 0 : i32
    %dma_start3A_14 = tpu.memref_slice %arg2[%dma_start3A_12, %dma_start3A_13] : memref<10240x128xf32, #tpu.memory_space<hbm>> -> memref<10240x128xf32, #tpu.memory_space<hbm>>
    tpu.enqueue_indirect_dma source(%dma_start3A_14 : memref<10240x128xf32, #tpu.memory_space<hbm>>) target(%arg9 : memref<128x128xf32, #tpu.memory_space<vmem>>) offsets(%dma_start3A_11 : memref<128xi32, #tpu.memory_space<vmem>>) semaphore(%arg12 : memref<!tpu.dma_semaphore, #tpu.memory_space<semaphore_mem>>)
    %dma_start3A_15 = arith.constant 1 : i32
    %dma_start3A_16 = arith.constant 0 : i32
    %dma_start3A_17 = tpu.memref_slice %arg7[%dma_start3A_15, %dma_start3A_16] : memref<40x128xi32, #tpu.memory_space<vmem>> -> memref<1x128xi32, #tpu.memory_space<vmem>>
    %dma_start3A_18 = tpu.memref_squeeze %dma_start3A_17 : memref<1x128xi32, #tpu.memory_space<vmem>> -> memref<128xi32, #tpu.memory_space<vmem>>
    %dma_start3A_19 = arith.constant 0 : i32
    %dma_start3A_20 = arith.constant 0 : i32
    %dma_start3A_21 = tpu.memref_slice %arg2[%dma_start3A_19, %dma_start3A_20] : memref<10240x128xf32, #tpu.memory_space<hbm>> -> memref<10240x128xf32, #tpu.memory_space<hbm>>
    tpu.enqueue_indirect_dma source(%dma_start3A_21 : memref<10240x128xf32, #tpu.memory_space<hbm>>) target(%arg10 : memref<128x128xf32, #tpu.memory_space<vmem>>) offsets(%dma_start3A_18 : memref<128xi32, #tpu.memory_space<vmem>>) semaphore(%arg13 : memref<!tpu.dma_semaphore, #tpu.memory_space<semaphore_mem>>)
    %scan3A = arith.constant 0 : i32
    %scan3A_22 = arith.constant 0 : i32
    %scan3A_23 = arith.constant 20 : i32
    %scan3A_24 = arith.addi %scan3A_22, %scan3A_23 : i32
    %scan3A_25 = arith.constant 1 : i32
    scf.for %scan3A_48 = %scan3A_22 to %scan3A_24 step %scan3A_25  : i32 {
      %mul3A_49 = arith.constant 2 : i32
      %mul3A_50 = arith.muli %scan3A_48, %mul3A_49 : i32
      %dma_wait3A = arith.constant 0 : i32
      %dma_wait3A_51 = arith.constant 0 : i32
      %dma_wait3A_52 = tpu.memref_slice %arg2[%dma_wait3A, %dma_wait3A_51] : memref<10240x128xf32, #tpu.memory_space<hbm>> -> memref<128x128xf32, #tpu.memory_space<hbm>>
      %dma_wait3A_53 = arith.constant 0 : i32
      %dma_wait3A_54 = arith.constant 0 : i32
      %dma_wait3A_55 = tpu.memref_slice %arg2[%dma_wait3A_53, %dma_wait3A_54] : memref<10240x128xf32, #tpu.memory_space<hbm>> -> memref<128x128xf32, #tpu.memory_space<hbm>>
      tpu.wait_dma2 semaphore(%arg12 : memref<!tpu.dma_semaphore, #tpu.memory_space<semaphore_mem>>) src(%dma_wait3A_55 : memref<128x128xf32, #tpu.memory_space<hbm>>) dst(%arg9 : memref<128x128xf32, #tpu.memory_space<vmem>>)
      %add3A_56 = arith.constant 0 : i32
      %add3A_57 = arith.addi %mul3A_50, %add3A_56 : i32
      "tpu.region"() ({
        %run_scoped3A = tpu.sem_alloc : memref<!tpu.dma_semaphore, #tpu.memory_space<semaphore_mem>>
        %dma_start3A_83 = arith.constant 0 : i32
        %dma_start3A_84 = tpu.memref_slice %arg8[%add3A_57, %dma_start3A_83] : memref<40x128xi32, #tpu.memory_space<vmem>> -> memref<1x128xi32, #tpu.memory_space<vmem>>
        %dma_start3A_85 = tpu.memref_squeeze %dma_start3A_84 : memref<1x128xi32, #tpu.memory_space<vmem>> -> memref<128xi32, #tpu.memory_space<vmem>>
        %dma_start3A_86 = arith.constant 0 : i32
        %dma_start3A_87 = arith.constant 0 : i32
        %dma_start3A_88 = tpu.memref_slice %arg11[%dma_start3A_86, %dma_start3A_87] : memref<10240x128xf32, #tpu.memory_space<vmem_shared>> -> memref<10240x128xf32, #tpu.memory_space<vmem_shared>>
        tpu.enqueue_indirect_dma source(%arg9 : memref<128x128xf32, #tpu.memory_space<vmem>>) target(%dma_start3A_88 : memref<10240x128xf32, #tpu.memory_space<vmem_shared>>) offsets(%dma_start3A_85 : memref<128xi32, #tpu.memory_space<vmem>>) semaphore(%run_scoped3A : memref<!tpu.dma_semaphore, #tpu.memory_space<semaphore_mem>>) {add = true}
        %dma_wait3A_89 = arith.constant 0 : i32
        %dma_wait3A_90 = tpu.memref_slice %arg8[%add3A_57, %dma_wait3A_89] : memref<40x128xi32, #tpu.memory_space<vmem>> -> memref<1x128xi32, #tpu.memory_space<vmem>>
        %dma_wait3A_91 = tpu.memref_squeeze %dma_wait3A_90 : memref<1x128xi32, #tpu.memory_space<vmem>> -> memref<128xi32, #tpu.memory_space<vmem>>
        %dma_wait3A_92 = arith.constant 0 : i32
        %dma_wait3A_93 = arith.constant 0 : i32
        %dma_wait3A_94 = tpu.memref_slice %arg11[%dma_wait3A_92, %dma_wait3A_93] : memref<10240x128xf32, #tpu.memory_space<vmem_shared>> -> memref<10240x128xf32, #tpu.memory_space<vmem_shared>>
        tpu.wait_indirect_dma semaphore(%run_scoped3A : memref<!tpu.dma_semaphore, #tpu.memory_space<semaphore_mem>>) src(%arg9 : memref<128x128xf32, #tpu.memory_space<vmem>>) dst(%dma_wait3A_94 : memref<10240x128xf32, #tpu.memory_space<vmem_shared>>)
        tpu.yield
      }) : () -> ()
      %add3A_58 = arith.constant 0 : i32
      %add3A_59 = arith.addi %mul3A_50, %add3A_58 : i32
      %add3A_60 = arith.constant 2 : i32
      %add3A_61 = arith.addi %add3A_59, %add3A_60 : i32
      %lt3A = arith.constant 40 : i32
      %lt3A_62 = arith.cmpi slt, %add3A_61, %lt3A : i32
      %convert_element_type3A_63 = arith.extui %lt3A_62 : i1 to i32
      %cond3A_64 = arith.constant 0 : i32
      %cond3A_65 = arith.cmpi ne, %convert_element_type3A_63, %cond3A_64 : i32
      scf.if %cond3A_65 {
        %add3A_83 = arith.constant 0 : i32
        %add3A_84 = arith.addi %mul3A_50, %add3A_83 : i32
        %add3A_85 = arith.constant 2 : i32
        %add3A_86 = arith.addi %add3A_84, %add3A_85 : i32
        %dma_start3A_87 = arith.constant 0 : i32
        %dma_start3A_88 = tpu.memref_slice %arg7[%add3A_86, %dma_start3A_87] : memref<40x128xi32, #tpu.memory_space<vmem>> -> memref<1x128xi32, #tpu.memory_space<vmem>>
        %dma_start3A_89 = tpu.memref_squeeze %dma_start3A_88 : memref<1x128xi32, #tpu.memory_space<vmem>> -> memref<128xi32, #tpu.memory_space<vmem>>
        %dma_start3A_90 = arith.constant 0 : i32
        %dma_start3A_91 = arith.constant 0 : i32
        %dma_start3A_92 = tpu.memref_slice %arg2[%dma_start3A_90, %dma_start3A_91] : memref<10240x128xf32, #tpu.memory_space<hbm>> -> memref<10240x128xf32, #tpu.memory_space<hbm>>
        tpu.enqueue_indirect_dma source(%dma_start3A_92 : memref<10240x128xf32, #tpu.memory_space<hbm>>) target(%arg9 : memref<128x128xf32, #tpu.memory_space<vmem>>) offsets(%dma_start3A_89 : memref<128xi32, #tpu.memory_space<vmem>>) semaphore(%arg12 : memref<!tpu.dma_semaphore, #tpu.memory_space<semaphore_mem>>)
      } else {
      }
      %dma_wait3A_66 = arith.constant 0 : i32
      %dma_wait3A_67 = arith.constant 0 : i32
      %dma_wait3A_68 = tpu.memref_slice %arg2[%dma_wait3A_66, %dma_wait3A_67] : memref<10240x128xf32, #tpu.memory_space<hbm>> -> memref<128x128xf32, #tpu.memory_space<hbm>>
      %dma_wait3A_69 = arith.constant 0 : i32
      %dma_wait3A_70 = arith.constant 0 : i32
      %dma_wait3A_71 = tpu.memref_slice %arg2[%dma_wait3A_69, %dma_wait3A_70] : memref<10240x128xf32, #tpu.memory_space<hbm>> -> memref<128x128xf32, #tpu.memory_space<hbm>>
      tpu.wait_dma2 semaphore(%arg13 : memref<!tpu.dma_semaphore, #tpu.memory_space<semaphore_mem>>) src(%dma_wait3A_71 : memref<128x128xf32, #tpu.memory_space<hbm>>) dst(%arg10 : memref<128x128xf32, #tpu.memory_space<vmem>>)
      %add3A_72 = arith.constant 1 : i32
      %add3A_73 = arith.addi %mul3A_50, %add3A_72 : i32
      "tpu.region"() ({
        %run_scoped3A = tpu.sem_alloc : memref<!tpu.dma_semaphore, #tpu.memory_space<semaphore_mem>>
        %dma_start3A_83 = arith.constant 0 : i32
        %dma_start3A_84 = tpu.memref_slice %arg8[%add3A_73, %dma_start3A_83] : memref<40x128xi32, #tpu.memory_space<vmem>> -> memref<1x128xi32, #tpu.memory_space<vmem>>
        %dma_start3A_85 = tpu.memref_squeeze %dma_start3A_84 : memref<1x128xi32, #tpu.memory_space<vmem>> -> memref<128xi32, #tpu.memory_space<vmem>>
        %dma_start3A_86 = arith.constant 0 : i32
        %dma_start3A_87 = arith.constant 0 : i32
        %dma_start3A_88 = tpu.memref_slice %arg11[%dma_start3A_86, %dma_start3A_87] : memref<10240x128xf32, #tpu.memory_space<vmem_shared>> -> memref<10240x128xf32, #tpu.memory_space<vmem_shared>>
        tpu.enqueue_indirect_dma source(%arg10 : memref<128x128xf32, #tpu.memory_space<vmem>>) target(%dma_start3A_88 : memref<10240x128xf32, #tpu.memory_space<vmem_shared>>) offsets(%dma_start3A_85 : memref<128xi32, #tpu.memory_space<vmem>>) semaphore(%run_scoped3A : memref<!tpu.dma_semaphore, #tpu.memory_space<semaphore_mem>>) {add = true}
        %dma_wait3A_89 = arith.constant 0 : i32
        %dma_wait3A_90 = tpu.memref_slice %arg8[%add3A_73, %dma_wait3A_89] : memref<40x128xi32, #tpu.memory_space<vmem>> -> memref<1x128xi32, #tpu.memory_space<vmem>>
        %dma_wait3A_91 = tpu.memref_squeeze %dma_wait3A_90 : memref<1x128xi32, #tpu.memory_space<vmem>> -> memref<128xi32, #tpu.memory_space<vmem>>
        %dma_wait3A_92 = arith.constant 0 : i32
        %dma_wait3A_93 = arith.constant 0 : i32
        %dma_wait3A_94 = tpu.memref_slice %arg11[%dma_wait3A_92, %dma_wait3A_93] : memref<10240x128xf32, #tpu.memory_space<vmem_shared>> -> memref<10240x128xf32, #tpu.memory_space<vmem_shared>>
        tpu.wait_indirect_dma semaphore(%run_scoped3A : memref<!tpu.dma_semaphore, #tpu.memory_space<semaphore_mem>>) src(%arg10 : memref<128x128xf32, #tpu.memory_space<vmem>>) dst(%dma_wait3A_94 : memref<10240x128xf32, #tpu.memory_space<vmem_shared>>)
        tpu.yield
      }) : () -> ()
      %add3A_74 = arith.constant 1 : i32
      %add3A_75 = arith.addi %mul3A_50, %add3A_74 : i32
      %add3A_76 = arith.constant 2 : i32
      %add3A_77 = arith.addi %add3A_75, %add3A_76 : i32
      %lt3A_78 = arith.constant 40 : i32
      %lt3A_79 = arith.cmpi slt, %add3A_77, %lt3A_78 : i32
      %convert_element_type3A_80 = arith.extui %lt3A_79 : i1 to i32
      %cond3A_81 = arith.constant 0 : i32
      %cond3A_82 = arith.cmpi ne, %convert_element_type3A_80, %cond3A_81 : i32
      scf.if %cond3A_82 {
        %add3A_83 = arith.constant 1 : i32
        %add3A_84 = arith.addi %mul3A_50, %add3A_83 : i32
        %add3A_85 = arith.constant 2 : i32
        %add3A_86 = arith.addi %add3A_84, %add3A_85 : i32
        %dma_start3A_87 = arith.constant 0 : i32
        %dma_start3A_88 = tpu.memref_slice %arg7[%add3A_86, %dma_start3A_87] : memref<40x128xi32, #tpu.memory_space<vmem>> -> memref<1x128xi32, #tpu.memory_space<vmem>>
        %dma_start3A_89 = tpu.memref_squeeze %dma_start3A_88 : memref<1x128xi32, #tpu.memory_space<vmem>> -> memref<128xi32, #tpu.memory_space<vmem>>
        %dma_start3A_90 = arith.constant 0 : i32
        %dma_start3A_91 = arith.constant 0 : i32
        %dma_start3A_92 = tpu.memref_slice %arg2[%dma_start3A_90, %dma_start3A_91] : memref<10240x128xf32, #tpu.memory_space<hbm>> -> memref<10240x128xf32, #tpu.memory_space<hbm>>
        tpu.enqueue_indirect_dma source(%dma_start3A_92 : memref<10240x128xf32, #tpu.memory_space<hbm>>) target(%arg10 : memref<128x128xf32, #tpu.memory_space<vmem>>) offsets(%dma_start3A_89 : memref<128xi32, #tpu.memory_space<vmem>>) semaphore(%arg13 : memref<!tpu.dma_semaphore, #tpu.memory_space<semaphore_mem>>)
      } else {
      }
    }
    %scan3A_26 = arith.constant 20 : i32
    "tpu.region"() ({
      %run_scoped3A = tpu.sem_alloc : memref<!tpu.dma_semaphore, #tpu.memory_space<semaphore_mem>>
      %dma_start3A_48 = arith.constant 0 : i32
      %dma_start3A_49 = arith.constant 0 : i32
      %dma_start3A_50 = tpu.memref_slice %arg3[%add3A, %dma_start3A_48, %dma_start3A_49] : memref<32x80x128xi32, #tpu.memory_space<hbm>> -> memref<1x80x128xi32, #tpu.memory_space<hbm>>
      %dma_start3A_51 = tpu.memref_squeeze %dma_start3A_50 : memref<1x80x128xi32, #tpu.memory_space<hbm>> -> memref<80x128xi32, #tpu.memory_space<hbm>>
      %dma_start3A_52 = arith.constant 40 : i32
      %dma_start3A_53 = arith.constant 0 : i32
      %dma_start3A_54 = tpu.memref_slice %dma_start3A_51[%dma_start3A_52, %dma_start3A_53] : memref<80x128xi32, #tpu.memory_space<hbm>> -> memref<40x128xi32, #tpu.memory_space<hbm>>
      %dma_start3A_55 = arith.constant 0 : i32
      %dma_start3A_56 = arith.constant 0 : i32
      %dma_start3A_57 = tpu.memref_slice %arg3[%add3A, %dma_start3A_55, %dma_start3A_56] : memref<32x80x128xi32, #tpu.memory_space<hbm>> -> memref<1x80x128xi32, #tpu.memory_space<hbm>>
      %dma_start3A_58 = tpu.memref_squeeze %dma_start3A_57 : memref<1x80x128xi32, #tpu.memory_space<hbm>> -> memref<80x128xi32, #tpu.memory_space<hbm>>
      %dma_start3A_59 = arith.constant 40 : i32
      %dma_start3A_60 = arith.constant 0 : i32
      %dma_start3A_61 = tpu.memref_slice %dma_start3A_58[%dma_start3A_59, %dma_start3A_60] : memref<80x128xi32, #tpu.memory_space<hbm>> -> memref<40x128xi32, #tpu.memory_space<hbm>>
      tpu.enqueue_dma source(%dma_start3A_61 : memref<40x128xi32, #tpu.memory_space<hbm>>) target(%arg7 : memref<40x128xi32, #tpu.memory_space<vmem>>) target_semaphore(%run_scoped3A : memref<!tpu.dma_semaphore, #tpu.memory_space<semaphore_mem>>)
      %dma_wait3A = arith.constant 0 : i32
      %dma_wait3A_62 = arith.constant 0 : i32
      %dma_wait3A_63 = tpu.memref_slice %arg3[%add3A, %dma_wait3A, %dma_wait3A_62] : memref<32x80x128xi32, #tpu.memory_space<hbm>> -> memref<1x80x128xi32, #tpu.memory_space<hbm>>
      %dma_wait3A_64 = tpu.memref_squeeze %dma_wait3A_63 : memref<1x80x128xi32, #tpu.memory_space<hbm>> -> memref<80x128xi32, #tpu.memory_space<hbm>>
      %dma_wait3A_65 = arith.constant 40 : i32
      %dma_wait3A_66 = arith.constant 0 : i32
      %dma_wait3A_67 = tpu.memref_slice %dma_wait3A_64[%dma_wait3A_65, %dma_wait3A_66] : memref<80x128xi32, #tpu.memory_space<hbm>> -> memref<40x128xi32, #tpu.memory_space<hbm>>
      %dma_wait3A_68 = arith.constant 0 : i32
      %dma_wait3A_69 = arith.constant 0 : i32
      %dma_wait3A_70 = tpu.memref_slice %arg3[%add3A, %dma_wait3A_68, %dma_wait3A_69] : memref<32x80x128xi32, #tpu.memory_space<hbm>> -> memref<1x80x128xi32, #tpu.memory_space<hbm>>
      %dma_wait3A_71 = tpu.memref_squeeze %dma_wait3A_70 : memref<1x80x128xi32, #tpu.memory_space<hbm>> -> memref<80x128xi32, #tpu.memory_space<hbm>>
      %dma_wait3A_72 = arith.constant 40 : i32
      %dma_wait3A_73 = arith.constant 0 : i32
      %dma_wait3A_74 = tpu.memref_slice %dma_wait3A_71[%dma_wait3A_72, %dma_wait3A_73] : memref<80x128xi32, #tpu.memory_space<hbm>> -> memref<40x128xi32, #tpu.memory_space<hbm>>
      tpu.wait_dma2 semaphore(%run_scoped3A : memref<!tpu.dma_semaphore, #tpu.memory_space<semaphore_mem>>) src(%dma_wait3A_74 : memref<40x128xi32, #tpu.memory_space<hbm>>) dst(%arg7 : memref<40x128xi32, #tpu.memory_space<vmem>>)
      tpu.yield
    }) : () -> ()
    "tpu.region"() ({
      %run_scoped3A = tpu.sem_alloc : memref<!tpu.dma_semaphore, #tpu.memory_space<semaphore_mem>>
      %dma_start3A_48 = arith.constant 0 : i32
      %dma_start3A_49 = arith.constant 0 : i32
      %dma_start3A_50 = tpu.memref_slice %arg4[%add3A, %dma_start3A_48, %dma_start3A_49] : memref<32x80x128xi32, #tpu.memory_space<hbm>> -> memref<1x80x128xi32, #tpu.memory_space<hbm>>
      %dma_start3A_51 = tpu.memref_squeeze %dma_start3A_50 : memref<1x80x128xi32, #tpu.memory_space<hbm>> -> memref<80x128xi32, #tpu.memory_space<hbm>>
      %dma_start3A_52 = arith.constant 40 : i32
      %dma_start3A_53 = arith.constant 0 : i32
      %dma_start3A_54 = tpu.memref_slice %dma_start3A_51[%dma_start3A_52, %dma_start3A_53] : memref<80x128xi32, #tpu.memory_space<hbm>> -> memref<40x128xi32, #tpu.memory_space<hbm>>
      %dma_start3A_55 = arith.constant 0 : i32
      %dma_start3A_56 = arith.constant 0 : i32
      %dma_start3A_57 = tpu.memref_slice %arg4[%add3A, %dma_start3A_55, %dma_start3A_56] : memref<32x80x128xi32, #tpu.memory_space<hbm>> -> memref<1x80x128xi32, #tpu.memory_space<hbm>>
      %dma_start3A_58 = tpu.memref_squeeze %dma_start3A_57 : memref<1x80x128xi32, #tpu.memory_space<hbm>> -> memref<80x128xi32, #tpu.memory_space<hbm>>
      %dma_start3A_59 = arith.constant 40 : i32
      %dma_start3A_60 = arith.constant 0 : i32
      %dma_start3A_61 = tpu.memref_slice %dma_start3A_58[%dma_start3A_59, %dma_start3A_60] : memref<80x128xi32, #tpu.memory_space<hbm>> -> memref<40x128xi32, #tpu.memory_space<hbm>>
      tpu.enqueue_dma source(%dma_start3A_61 : memref<40x128xi32, #tpu.memory_space<hbm>>) target(%arg8 : memref<40x128xi32, #tpu.memory_space<vmem>>) target_semaphore(%run_scoped3A : memref<!tpu.dma_semaphore, #tpu.memory_space<semaphore_mem>>)
      %dma_wait3A = arith.constant 0 : i32
      %dma_wait3A_62 = arith.constant 0 : i32
      %dma_wait3A_63 = tpu.memref_slice %arg4[%add3A, %dma_wait3A, %dma_wait3A_62] : memref<32x80x128xi32, #tpu.memory_space<hbm>> -> memref<1x80x128xi32, #tpu.memory_space<hbm>>
      %dma_wait3A_64 = tpu.memref_squeeze %dma_wait3A_63 : memref<1x80x128xi32, #tpu.memory_space<hbm>> -> memref<80x128xi32, #tpu.memory_space<hbm>>
      %dma_wait3A_65 = arith.constant 40 : i32
      %dma_wait3A_66 = arith.constant 0 : i32
      %dma_wait3A_67 = tpu.memref_slice %dma_wait3A_64[%dma_wait3A_65, %dma_wait3A_66] : memref<80x128xi32, #tpu.memory_space<hbm>> -> memref<40x128xi32, #tpu.memory_space<hbm>>
      %dma_wait3A_68 = arith.constant 0 : i32
      %dma_wait3A_69 = arith.constant 0 : i32
      %dma_wait3A_70 = tpu.memref_slice %arg4[%add3A, %dma_wait3A_68, %dma_wait3A_69] : memref<32x80x128xi32, #tpu.memory_space<hbm>> -> memref<1x80x128xi32, #tpu.memory_space<hbm>>
      %dma_wait3A_71 = tpu.memref_squeeze %dma_wait3A_70 : memref<1x80x128xi32, #tpu.memory_space<hbm>> -> memref<80x128xi32, #tpu.memory_space<hbm>>
      %dma_wait3A_72 = arith.constant 40 : i32
      %dma_wait3A_73 = arith.constant 0 : i32
      %dma_wait3A_74 = tpu.memref_slice %dma_wait3A_71[%dma_wait3A_72, %dma_wait3A_73] : memref<80x128xi32, #tpu.memory_space<hbm>> -> memref<40x128xi32, #tpu.memory_space<hbm>>
      tpu.wait_dma2 semaphore(%run_scoped3A : memref<!tpu.dma_semaphore, #tpu.memory_space<semaphore_mem>>) src(%dma_wait3A_74 : memref<40x128xi32, #tpu.memory_space<hbm>>) dst(%arg8 : memref<40x128xi32, #tpu.memory_space<vmem>>)
      tpu.yield
    }) : () -> ()
    %dma_start3A_27 = arith.constant 0 : i32
    %dma_start3A_28 = arith.constant 0 : i32
    %dma_start3A_29 = tpu.memref_slice %arg7[%dma_start3A_27, %dma_start3A_28] : memref<40x128xi32, #tpu.memory_space<vmem>> -> memref<1x128xi32, #tpu.memory_space<vmem>>
    %dma_start3A_30 = tpu.memref_squeeze %dma_start3A_29 : memref<1x128xi32, #tpu.memory_space<vmem>> -> memref<128xi32, #tpu.memory_space<vmem>>
    %dma_start3A_31 = arith.constant 0 : i32
    %dma_start3A_32 = arith.constant 0 : i32
    %dma_start3A_33 = tpu.memref_slice %arg2[%dma_start3A_31, %dma_start3A_32] : memref<10240x128xf32, #tpu.memory_space<hbm>> -> memref<10240x128xf32, #tpu.memory_space<hbm>>
    tpu.enqueue_indirect_dma source(%dma_start3A_33 : memref<10240x128xf32, #tpu.memory_space<hbm>>) target(%arg9 : memref<128x128xf32, #tpu.memory_space<vmem>>) offsets(%dma_start3A_30 : memref<128xi32, #tpu.memory_space<vmem>>) semaphore(%arg12 : memref<!tpu.dma_semaphore, #tpu.memory_space<semaphore_mem>>)
    %dma_start3A_34 = arith.constant 1 : i32
    %dma_start3A_35 = arith.constant 0 : i32
    %dma_start3A_36 = tpu.memref_slice %arg7[%dma_start3A_34, %dma_start3A_35] : memref<40x128xi32, #tpu.memory_space<vmem>> -> memref<1x128xi32, #tpu.memory_space<vmem>>
    %dma_start3A_37 = tpu.memref_squeeze %dma_start3A_36 : memref<1x128xi32, #tpu.memory_space<vmem>> -> memref<128xi32, #tpu.memory_space<vmem>>
    %dma_start3A_38 = arith.constant 0 : i32
    %dma_start3A_39 = arith.constant 0 : i32
    %dma_start3A_40 = tpu.memref_slice %arg2[%dma_start3A_38, %dma_start3A_39] : memref<10240x128xf32, #tpu.memory_space<hbm>> -> memref<10240x128xf32, #tpu.memory_space<hbm>>
    tpu.enqueue_indirect_dma source(%dma_start3A_40 : memref<10240x128xf32, #tpu.memory_space<hbm>>) target(%arg10 : memref<128x128xf32, #tpu.memory_space<vmem>>) offsets(%dma_start3A_37 : memref<128xi32, #tpu.memory_space<vmem>>) semaphore(%arg13 : memref<!tpu.dma_semaphore, #tpu.memory_space<semaphore_mem>>)
    %scan3A_41 = arith.constant 0 : i32
    %scan3A_42 = arith.constant 0 : i32
    %scan3A_43 = arith.constant 20 : i32
    %scan3A_44 = arith.addi %scan3A_42, %scan3A_43 : i32
    %scan3A_45 = arith.constant 1 : i32
    scf.for %scan3A_48 = %scan3A_42 to %scan3A_44 step %scan3A_45  : i32 {
      %mul3A_49 = arith.constant 2 : i32
      %mul3A_50 = arith.muli %scan3A_48, %mul3A_49 : i32
      %dma_wait3A = arith.constant 0 : i32
      %dma_wait3A_51 = arith.constant 0 : i32
      %dma_wait3A_52 = tpu.memref_slice %arg2[%dma_wait3A, %dma_wait3A_51] : memref<10240x128xf32, #tpu.memory_space<hbm>> -> memref<128x128xf32, #tpu.memory_space<hbm>>
      %dma_wait3A_53 = arith.constant 0 : i32
      %dma_wait3A_54 = arith.constant 0 : i32
      %dma_wait3A_55 = tpu.memref_slice %arg2[%dma_wait3A_53, %dma_wait3A_54] : memref<10240x128xf32, #tpu.memory_space<hbm>> -> memref<128x128xf32, #tpu.memory_space<hbm>>
      tpu.wait_dma2 semaphore(%arg12 : memref<!tpu.dma_semaphore, #tpu.memory_space<semaphore_mem>>) src(%dma_wait3A_55 : memref<128x128xf32, #tpu.memory_space<hbm>>) dst(%arg9 : memref<128x128xf32, #tpu.memory_space<vmem>>)
      %add3A_56 = arith.constant 0 : i32
      %add3A_57 = arith.addi %mul3A_50, %add3A_56 : i32
      "tpu.region"() ({
        %run_scoped3A = tpu.sem_alloc : memref<!tpu.dma_semaphore, #tpu.memory_space<semaphore_mem>>
        %dma_start3A_83 = arith.constant 0 : i32
        %dma_start3A_84 = tpu.memref_slice %arg8[%add3A_57, %dma_start3A_83] : memref<40x128xi32, #tpu.memory_space<vmem>> -> memref<1x128xi32, #tpu.memory_space<vmem>>
        %dma_start3A_85 = tpu.memref_squeeze %dma_start3A_84 : memref<1x128xi32, #tpu.memory_space<vmem>> -> memref<128xi32, #tpu.memory_space<vmem>>
        %dma_start3A_86 = arith.constant 0 : i32
        %dma_start3A_87 = arith.constant 0 : i32
        %dma_start3A_88 = tpu.memref_slice %arg11[%dma_start3A_86, %dma_start3A_87] : memref<10240x128xf32, #tpu.memory_space<vmem_shared>> -> memref<10240x128xf32, #tpu.memory_space<vmem_shared>>
        tpu.enqueue_indirect_dma source(%arg9 : memref<128x128xf32, #tpu.memory_space<vmem>>) target(%dma_start3A_88 : memref<10240x128xf32, #tpu.memory_space<vmem_shared>>) offsets(%dma_start3A_85 : memref<128xi32, #tpu.memory_space<vmem>>) semaphore(%run_scoped3A : memref<!tpu.dma_semaphore, #tpu.memory_space<semaphore_mem>>) {add = true}
        %dma_wait3A_89 = arith.constant 0 : i32
        %dma_wait3A_90 = tpu.memref_slice %arg8[%add3A_57, %dma_wait3A_89] : memref<40x128xi32, #tpu.memory_space<vmem>> -> memref<1x128xi32, #tpu.memory_space<vmem>>
        %dma_wait3A_91 = tpu.memref_squeeze %dma_wait3A_90 : memref<1x128xi32, #tpu.memory_space<vmem>> -> memref<128xi32, #tpu.memory_space<vmem>>
        %dma_wait3A_92 = arith.constant 0 : i32
        %dma_wait3A_93 = arith.constant 0 : i32
        %dma_wait3A_94 = tpu.memref_slice %arg11[%dma_wait3A_92, %dma_wait3A_93] : memref<10240x128xf32, #tpu.memory_space<vmem_shared>> -> memref<10240x128xf32, #tpu.memory_space<vmem_shared>>
        tpu.wait_indirect_dma semaphore(%run_scoped3A : memref<!tpu.dma_semaphore, #tpu.memory_space<semaphore_mem>>) src(%arg9 : memref<128x128xf32, #tpu.memory_space<vmem>>) dst(%dma_wait3A_94 : memref<10240x128xf32, #tpu.memory_space<vmem_shared>>)
        tpu.yield
      }) : () -> ()
      %add3A_58 = arith.constant 0 : i32
      %add3A_59 = arith.addi %mul3A_50, %add3A_58 : i32
      %add3A_60 = arith.constant 2 : i32
      %add3A_61 = arith.addi %add3A_59, %add3A_60 : i32
      %lt3A = arith.constant 40 : i32
      %lt3A_62 = arith.cmpi slt, %add3A_61, %lt3A : i32
      %convert_element_type3A_63 = arith.extui %lt3A_62 : i1 to i32
      %cond3A_64 = arith.constant 0 : i32
      %cond3A_65 = arith.cmpi ne, %convert_element_type3A_63, %cond3A_64 : i32
      scf.if %cond3A_65 {
        %add3A_83 = arith.constant 0 : i32
        %add3A_84 = arith.addi %mul3A_50, %add3A_83 : i32
        %add3A_85 = arith.constant 2 : i32
        %add3A_86 = arith.addi %add3A_84, %add3A_85 : i32
        %dma_start3A_87 = arith.constant 0 : i32
        %dma_start3A_88 = tpu.memref_slice %arg7[%add3A_86, %dma_start3A_87] : memref<40x128xi32, #tpu.memory_space<vmem>> -> memref<1x128xi32, #tpu.memory_space<vmem>>
        %dma_start3A_89 = tpu.memref_squeeze %dma_start3A_88 : memref<1x128xi32, #tpu.memory_space<vmem>> -> memref<128xi32, #tpu.memory_space<vmem>>
        %dma_start3A_90 = arith.constant 0 : i32
        %dma_start3A_91 = arith.constant 0 : i32
        %dma_start3A_92 = tpu.memref_slice %arg2[%dma_start3A_90, %dma_start3A_91] : memref<10240x128xf32, #tpu.memory_space<hbm>> -> memref<10240x128xf32, #tpu.memory_space<hbm>>
        tpu.enqueue_indirect_dma source(%dma_start3A_92 : memref<10240x128xf32, #tpu.memory_space<hbm>>) target(%arg9 : memref<128x128xf32, #tpu.memory_space<vmem>>) offsets(%dma_start3A_89 : memref<128xi32, #tpu.memory_space<vmem>>) semaphore(%arg12 : memref<!tpu.dma_semaphore, #tpu.memory_space<semaphore_mem>>)
      } else {
      }
      %dma_wait3A_66 = arith.constant 0 : i32
      %dma_wait3A_67 = arith.constant 0 : i32
      %dma_wait3A_68 = tpu.memref_slice %arg2[%dma_wait3A_66, %dma_wait3A_67] : memref<10240x128xf32, #tpu.memory_space<hbm>> -> memref<128x128xf32, #tpu.memory_space<hbm>>
      %dma_wait3A_69 = arith.constant 0 : i32
      %dma_wait3A_70 = arith.constant 0 : i32
      %dma_wait3A_71 = tpu.memref_slice %arg2[%dma_wait3A_69, %dma_wait3A_70] : memref<10240x128xf32, #tpu.memory_space<hbm>> -> memref<128x128xf32, #tpu.memory_space<hbm>>
      tpu.wait_dma2 semaphore(%arg13 : memref<!tpu.dma_semaphore, #tpu.memory_space<semaphore_mem>>) src(%dma_wait3A_71 : memref<128x128xf32, #tpu.memory_space<hbm>>) dst(%arg10 : memref<128x128xf32, #tpu.memory_space<vmem>>)
      %add3A_72 = arith.constant 1 : i32
      %add3A_73 = arith.addi %mul3A_50, %add3A_72 : i32
      "tpu.region"() ({
        %run_scoped3A = tpu.sem_alloc : memref<!tpu.dma_semaphore, #tpu.memory_space<semaphore_mem>>
        %dma_start3A_83 = arith.constant 0 : i32
        %dma_start3A_84 = tpu.memref_slice %arg8[%add3A_73, %dma_start3A_83] : memref<40x128xi32, #tpu.memory_space<vmem>> -> memref<1x128xi32, #tpu.memory_space<vmem>>
        %dma_start3A_85 = tpu.memref_squeeze %dma_start3A_84 : memref<1x128xi32, #tpu.memory_space<vmem>> -> memref<128xi32, #tpu.memory_space<vmem>>
        %dma_start3A_86 = arith.constant 0 : i32
        %dma_start3A_87 = arith.constant 0 : i32
        %dma_start3A_88 = tpu.memref_slice %arg11[%dma_start3A_86, %dma_start3A_87] : memref<10240x128xf32, #tpu.memory_space<vmem_shared>> -> memref<10240x128xf32, #tpu.memory_space<vmem_shared>>
        tpu.enqueue_indirect_dma source(%arg10 : memref<128x128xf32, #tpu.memory_space<vmem>>) target(%dma_start3A_88 : memref<10240x128xf32, #tpu.memory_space<vmem_shared>>) offsets(%dma_start3A_85 : memref<128xi32, #tpu.memory_space<vmem>>) semaphore(%run_scoped3A : memref<!tpu.dma_semaphore, #tpu.memory_space<semaphore_mem>>) {add = true}
        %dma_wait3A_89 = arith.constant 0 : i32
        %dma_wait3A_90 = tpu.memref_slice %arg8[%add3A_73, %dma_wait3A_89] : memref<40x128xi32, #tpu.memory_space<vmem>> -> memref<1x128xi32, #tpu.memory_space<vmem>>
        %dma_wait3A_91 = tpu.memref_squeeze %dma_wait3A_90 : memref<1x128xi32, #tpu.memory_space<vmem>> -> memref<128xi32, #tpu.memory_space<vmem>>
        %dma_wait3A_92 = arith.constant 0 : i32
        %dma_wait3A_93 = arith.constant 0 : i32
        %dma_wait3A_94 = tpu.memref_slice %arg11[%dma_wait3A_92, %dma_wait3A_93] : memref<10240x128xf32, #tpu.memory_space<vmem_shared>> -> memref<10240x128xf32, #tpu.memory_space<vmem_shared>>
        tpu.wait_indirect_dma semaphore(%run_scoped3A : memref<!tpu.dma_semaphore, #tpu.memory_space<semaphore_mem>>) src(%arg10 : memref<128x128xf32, #tpu.memory_space<vmem>>) dst(%dma_wait3A_94 : memref<10240x128xf32, #tpu.memory_space<vmem_shared>>)
        tpu.yield
      }) : () -> ()
      %add3A_74 = arith.constant 1 : i32
      %add3A_75 = arith.addi %mul3A_50, %add3A_74 : i32
      %add3A_76 = arith.constant 2 : i32
      %add3A_77 = arith.addi %add3A_75, %add3A_76 : i32
      %lt3A_78 = arith.constant 40 : i32
      %lt3A_79 = arith.cmpi slt, %add3A_77, %lt3A_78 : i32
      %convert_element_type3A_80 = arith.extui %lt3A_79 : i1 to i32
      %cond3A_81 = arith.constant 0 : i32
      %cond3A_82 = arith.cmpi ne, %convert_element_type3A_80, %cond3A_81 : i32
      scf.if %cond3A_82 {
        %add3A_83 = arith.constant 1 : i32
        %add3A_84 = arith.addi %mul3A_50, %add3A_83 : i32
        %add3A_85 = arith.constant 2 : i32
        %add3A_86 = arith.addi %add3A_84, %add3A_85 : i32
        %dma_start3A_87 = arith.constant 0 : i32
        %dma_start3A_88 = tpu.memref_slice %arg7[%add3A_86, %dma_start3A_87] : memref<40x128xi32, #tpu.memory_space<vmem>> -> memref<1x128xi32, #tpu.memory_space<vmem>>
        %dma_start3A_89 = tpu.memref_squeeze %dma_start3A_88 : memref<1x128xi32, #tpu.memory_space<vmem>> -> memref<128xi32, #tpu.memory_space<vmem>>
        %dma_start3A_90 = arith.constant 0 : i32
        %dma_start3A_91 = arith.constant 0 : i32
        %dma_start3A_92 = tpu.memref_slice %arg2[%dma_start3A_90, %dma_start3A_91] : memref<10240x128xf32, #tpu.memory_space<hbm>> -> memref<10240x128xf32, #tpu.memory_space<hbm>>
        tpu.enqueue_indirect_dma source(%dma_start3A_92 : memref<10240x128xf32, #tpu.memory_space<hbm>>) target(%arg10 : memref<128x128xf32, #tpu.memory_space<vmem>>) offsets(%dma_start3A_89 : memref<128xi32, #tpu.memory_space<vmem>>) semaphore(%arg13 : memref<!tpu.dma_semaphore, #tpu.memory_space<semaphore_mem>>)
      } else {
      }
    }
    %scan3A_46 = arith.constant 20 : i32
    %barrier3A_47 = arith.constant 0 : index
    tpu.barrier barrier_id(%barrier3A_47)
    "tpu.region"() ({
      %run_scoped3A = tpu.sem_alloc : memref<!tpu.dma_semaphore, #tpu.memory_space<semaphore_mem>>
      %dma_start3A_48 = arith.constant 0 : i32
      %dma_start3A_49 = arith.constant 0 : i32
      %dma_start3A_50 = tpu.memref_slice %arg6[%arg0, %dma_start3A_48, %dma_start3A_49] : memref<2x10240x128xf32, #tpu.memory_space<hbm>> -> memref<1x10240x128xf32, #tpu.memory_space<hbm>>
      %dma_start3A_51 = tpu.memref_squeeze %dma_start3A_50 : memref<1x10240x128xf32, #tpu.memory_space<hbm>> -> memref<10240x128xf32, #tpu.memory_space<hbm>>
      %dma_start3A_52 = arith.constant 0 : i32
      %dma_start3A_53 = tpu.memref_slice %dma_start3A_51[%mul3A_2, %dma_start3A_52] : memref<10240x128xf32, #tpu.memory_space<hbm>> -> memref<640x128xf32, #tpu.memory_space<hbm>>
      %dma_start3A_54 = arith.constant 0 : i32
      %dma_start3A_55 = tpu.memref_slice %arg11[%mul3A_2, %dma_start3A_54] : memref<10240x128xf32, #tpu.memory_space<vmem_shared>> -> memref<640x128xf32, #tpu.memory_space<vmem_shared>>
      tpu.enqueue_dma source(%dma_start3A_55 : memref<640x128xf32, #tpu.memory_space<vmem_shared>>) target(%dma_start3A_53 : memref<640x128xf32, #tpu.memory_space<hbm>>) target_semaphore(%run_scoped3A : memref<!tpu.dma_semaphore, #tpu.memory_space<semaphore_mem>>)
      %dma_wait3A = arith.constant 0 : i32
      %dma_wait3A_56 = arith.constant 0 : i32
      %dma_wait3A_57 = tpu.memref_slice %arg6[%arg0, %dma_wait3A, %dma_wait3A_56] : memref<2x10240x128xf32, #tpu.memory_space<hbm>> -> memref<1x10240x128xf32, #tpu.memory_space<hbm>>
      %dma_wait3A_58 = tpu.memref_squeeze %dma_wait3A_57 : memref<1x10240x128xf32, #tpu.memory_space<hbm>> -> memref<10240x128xf32, #tpu.memory_space<hbm>>
      %dma_wait3A_59 = arith.constant 0 : i32
      %dma_wait3A_60 = tpu.memref_slice %dma_wait3A_58[%mul3A_2, %dma_wait3A_59] : memref<10240x128xf32, #tpu.memory_space<hbm>> -> memref<640x128xf32, #tpu.memory_space<hbm>>
      %dma_wait3A_61 = arith.constant 0 : i32
      %dma_wait3A_62 = tpu.memref_slice %arg11[%mul3A_2, %dma_wait3A_61] : memref<10240x128xf32, #tpu.memory_space<vmem_shared>> -> memref<640x128xf32, #tpu.memory_space<vmem_shared>>
      tpu.wait_dma2 semaphore(%run_scoped3A : memref<!tpu.dma_semaphore, #tpu.memory_space<semaphore_mem>>) src(%dma_wait3A_62 : memref<640x128xf32, #tpu.memory_space<vmem_shared>>) dst(%dma_wait3A_60 : memref<640x128xf32, #tpu.memory_space<hbm>>)
      tpu.yield
    }) : () -> ()
    return
  }
}

module attributes {stable_mosaic.version = 14 : i64} {
  func.func @_k_stage1(%arg0: i32, %arg1: memref<1280x128xf32, #tpu.memory_space<vmem>>, %arg2: memref<128x128xf32, #tpu.memory_space<vmem>>, %arg3: memref<1280x1xf32, #tpu.memory_space<vmem>>, %arg4: memref<1280x1xf32, #tpu.memory_space<vmem>>, %arg5: memref<1280x128xf32, #tpu.memory_space<vmem>>) attributes {dimension_semantics = [#tpu.dimension_semantics<arbitrary>], iteration_bounds = array<i64: 8>, scalar_prefetch = 0 : i64, scratch_operands = 0 : i64, tpu.core_type = #tpu.core_type<tc>, window_params = [{transform_indices = @transform_0, window_bounds = array<i64: 1280, 128>}, {pipeline_mode = #tpu.pipeline_mode<synchronous>, transform_indices = @transform_1, window_bounds = array<i64: 128, 128>}, {transform_indices = @transform_2, window_bounds = array<i64: 1280, 1>}, {transform_indices = @transform_3, window_bounds = array<i64: 1280, 1>}, {transform_indices = @transform_4, window_bounds = array<i64: 1280, 128>}]} {
    %get3A = arith.constant 0 : index
    %get3A_0 = arith.constant 0 : index
    %get3A_1 = vector.load %arg3[%get3A, %get3A_0] : memref<1280x1xf32, #tpu.memory_space<vmem>>, vector<1280x1xf32>
    %get3A_2 = arith.constant 0 : index
    %get3A_3 = arith.constant 0 : index
    %get3A_4 = vector.load %arg4[%get3A_2, %get3A_3] : memref<1280x1xf32, #tpu.memory_space<vmem>>, vector<1280x1xf32>
    %add3A = arith.addf %get3A_1, %get3A_4 : vector<1280x1xf32>
    %add3A_5 = arith.constant 1.000000e+00 : f32
    %add3A_6 = vector.broadcast %add3A_5 : f32 to vector<1280x1xf32>
    %add3A_7 = arith.addf %add3A, %add3A_6 : vector<1280x1xf32>
    %rsqrt3A = math.rsqrt %add3A_7 : vector<1280x1xf32>
    %get3A_8 = arith.constant 0 : index
    %get3A_9 = arith.constant 0 : index
    %get3A_10 = vector.load %arg1[%get3A_8, %get3A_9] : memref<1280x128xf32, #tpu.memory_space<vmem>>, vector<1280x128xf32>
    %get3A_11 = arith.constant 0 : index
    %get3A_12 = arith.constant 0 : index
    %get3A_13 = vector.load %arg2[%get3A_11, %get3A_12] : memref<128x128xf32, #tpu.memory_space<vmem>>, vector<128x128xf32>
    %dot_general3A = arith.constant dense<0.000000e+00> : vector<1280x128xf32>
    %dot_general3A_14 = tpu.matmul %get3A_10, %get3A_13, %dot_general3A {dimension_numbers = #tpu.dot_dimension_numbers<[1], [0], [0], [1], [0, 0, 1, 1], [], []>, transpose_lhs_hint = false} : vector<1280x128xf32>, vector<128x128xf32>, vector<1280x128xf32> -> vector<1280x128xf32>
    %mul3A = vector.broadcast %rsqrt3A : vector<1280x1xf32> to vector<1280x128xf32>
    %mul3A_15 = arith.mulf %dot_general3A_14, %mul3A : vector<1280x128xf32>
    %swap3A = arith.constant 0 : index
    %swap3A_16 = arith.constant 0 : index
    %swap3A_17 = vector.load %arg5[%swap3A, %swap3A_16] : memref<1280x128xf32, #tpu.memory_space<vmem>>, vector<1280x128xf32>
    tpu.vector_store %arg5[%swap3A, %swap3A_16], %mul3A_15 {strides = array<i32>} : memref<1280x128xf32, #tpu.memory_space<vmem>>, vector<1280x128xf32>,
    return
  }
  func.func @transform_0(%arg0: i32) -> (i32, i32) {
    %c0_i32 = arith.constant 0 : i32
    %c0_i32_0 = arith.constant 0 : i32
    return %arg0, %c0_i32 : i32, i32
  }
  func.func @transform_1(%arg0: i32) -> (i32, i32) {
    %c0_i32 = arith.constant 0 : i32
    %c0_i32_0 = arith.constant 0 : i32
    %c0_i32_1 = arith.constant 0 : i32
    return %c0_i32, %c0_i32_0 : i32, i32
  }
  func.func @transform_2(%arg0: i32) -> (i32, i32) {
    %c0_i32 = arith.constant 0 : i32
    %c0_i32_0 = arith.constant 0 : i32
    return %arg0, %c0_i32 : i32, i32
  }
  func.func @transform_3(%arg0: i32) -> (i32, i32) {
    %c0_i32 = arith.constant 0 : i32
    %c0_i32_0 = arith.constant 0 : i32
    return %arg0, %c0_i32 : i32, i32
  }
  func.func @transform_4(%arg0: i32) -> (i32, i32) {
    %c0_i32 = arith.constant 0 : i32
    %c0_i32_0 = arith.constant 0 : i32
    return %arg0, %c0_i32 : i32, i32
  }
}

module attributes {stable_mosaic.version = 14 : i64} {
  func.func @_k_stage3(%arg0: i32, %arg1: memref<1280x128xf32, #tpu.memory_space<vmem>>, %arg2: memref<1280x128xf32, #tpu.memory_space<vmem>>, %arg3: memref<1280x1xf32, #tpu.memory_space<vmem>>, %arg4: memref<1280x1xf32, #tpu.memory_space<vmem>>, %arg5: memref<1x128xf32, #tpu.memory_space<vmem>>, %arg6: memref<128x128xf32, #tpu.memory_space<vmem>>, %arg7: memref<1280x128xf32, #tpu.memory_space<vmem>>) attributes {dimension_semantics = [#tpu.dimension_semantics<arbitrary>], iteration_bounds = array<i64: 8>, scalar_prefetch = 0 : i64, scratch_operands = 0 : i64, tpu.core_type = #tpu.core_type<tc>, window_params = [{transform_indices = @transform_0, window_bounds = array<i64: 1280, 128>}, {transform_indices = @transform_1, window_bounds = array<i64: 1280, 128>}, {transform_indices = @transform_2, window_bounds = array<i64: 1280, 1>}, {transform_indices = @transform_3, window_bounds = array<i64: 1280, 1>}, {pipeline_mode = #tpu.pipeline_mode<synchronous>, transform_indices = @transform_4, window_bounds = array<i64: 1, 128>}, {pipeline_mode = #tpu.pipeline_mode<synchronous>, transform_indices = @transform_5, window_bounds = array<i64: 128, 128>}, {transform_indices = @transform_6, window_bounds = array<i64: 1280, 128>}]} {
    %get3A = arith.constant 0 : index
    %get3A_0 = arith.constant 0 : index
    %get3A_1 = vector.load %arg3[%get3A, %get3A_0] : memref<1280x1xf32, #tpu.memory_space<vmem>>, vector<1280x1xf32>
    %get3A_2 = arith.constant 0 : index
    %get3A_3 = arith.constant 0 : index
    %get3A_4 = vector.load %arg4[%get3A_2, %get3A_3] : memref<1280x1xf32, #tpu.memory_space<vmem>>, vector<1280x1xf32>
    %add3A = arith.addf %get3A_1, %get3A_4 : vector<1280x1xf32>
    %add3A_5 = arith.constant 1.000000e+00 : f32
    %add3A_6 = vector.broadcast %add3A_5 : f32 to vector<1280x1xf32>
    %add3A_7 = arith.addf %add3A, %add3A_6 : vector<1280x1xf32>
    %rsqrt3A = math.rsqrt %add3A_7 : vector<1280x1xf32>
    %get3A_8 = arith.constant 0 : index
    %get3A_9 = arith.constant 0 : index
    %get3A_10 = vector.load %arg1[%get3A_8, %get3A_9] : memref<1280x128xf32, #tpu.memory_space<vmem>>, vector<1280x128xf32>
    %get3A_11 = arith.constant 0 : index
    %get3A_12 = arith.constant 0 : index
    %get3A_13 = vector.load %arg2[%get3A_11, %get3A_12] : memref<1280x128xf32, #tpu.memory_space<vmem>>, vector<1280x128xf32>
    %add3A_14 = arith.addf %get3A_10, %get3A_13 : vector<1280x128xf32>
    %mul3A = vector.broadcast %rsqrt3A : vector<1280x1xf32> to vector<1280x128xf32>
    %mul3A_15 = arith.mulf %add3A_14, %mul3A : vector<1280x128xf32>
    %get3A_16 = arith.constant 0 : index
    %get3A_17 = arith.constant 0 : index
    %get3A_18 = vector.load %arg5[%get3A_16, %get3A_17] : memref<1x128xf32, #tpu.memory_space<vmem>>, vector<1x128xf32>
    %add3A_19 = vector.broadcast %get3A_18 : vector<1x128xf32> to vector<1280x128xf32>
    %add3A_20 = arith.addf %mul3A_15, %add3A_19 : vector<1280x128xf32>
    %max3A = arith.constant 0.000000e+00 : f32
    %max3A_21 = vector.broadcast %max3A : f32 to vector<1280x128xf32>
    %max3A_22 = arith.maximumf %add3A_20, %max3A_21 : vector<1280x128xf32>
    %get3A_23 = arith.constant 0 : index
    %get3A_24 = arith.constant 0 : index
    %get3A_25 = vector.load %arg6[%get3A_23, %get3A_24] : memref<128x128xf32, #tpu.memory_space<vmem>>, vector<128x128xf32>
    %dot_general3A = arith.constant dense<0.000000e+00> : vector<1280x128xf32>
    %dot_general3A_26 = tpu.matmul %max3A_22, %get3A_25, %dot_general3A {dimension_numbers = #tpu.dot_dimension_numbers<[1], [0], [0], [1], [0, 0, 1, 1], [], []>, transpose_lhs_hint = false} : vector<1280x128xf32>, vector<128x128xf32>, vector<1280x128xf32> -> vector<1280x128xf32>
    %mul3A_27 = vector.broadcast %rsqrt3A : vector<1280x1xf32> to vector<1280x128xf32>
    %mul3A_28 = arith.mulf %dot_general3A_26, %mul3A_27 : vector<1280x128xf32>
    %swap3A = arith.constant 0 : index
    %swap3A_29 = arith.constant 0 : index
    %swap3A_30 = vector.load %arg7[%swap3A, %swap3A_29] : memref<1280x128xf32, #tpu.memory_space<vmem>>, vector<1280x128xf32>
    tpu.vector_store %arg7[%swap3A, %swap3A_29], %mul3A_28 {strides = array<i32>} : memref<1280x128xf32, #tpu.memory_space<vmem>>, vector<1280x128xf32>,
    return
  }
  func.func @transform_0(%arg0: i32) -> (i32, i32) {
    %c0_i32 = arith.constant 0 : i32
    %c0_i32_0 = arith.constant 0 : i32
    return %arg0, %c0_i32 : i32, i32
  }
  func.func @transform_1(%arg0: i32) -> (i32, i32) {
    %c0_i32 = arith.constant 0 : i32
    %c0_i32_0 = arith.constant 0 : i32
    return %arg0, %c0_i32 : i32, i32
  }
  func.func @transform_2(%arg0: i32) -> (i32, i32) {
    %c0_i32 = arith.constant 0 : i32
    %c0_i32_0 = arith.constant 0 : i32
    return %arg0, %c0_i32 : i32, i32
  }
  func.func @transform_3(%arg0: i32) -> (i32, i32) {
    %c0_i32 = arith.constant 0 : i32
    %c0_i32_0 = arith.constant 0 : i32
    return %arg0, %c0_i32 : i32, i32
  }
  func.func @transform_4(%arg0: i32) -> (i32, i32) {
    %c0_i32 = arith.constant 0 : i32
    %c0_i32_0 = arith.constant 0 : i32
    %c0_i32_1 = arith.constant 0 : i32
    return %c0_i32, %c0_i32_0 : i32, i32
  }
  func.func @transform_5(%arg0: i32) -> (i32, i32) {
    %c0_i32 = arith.constant 0 : i32
    %c0_i32_0 = arith.constant 0 : i32
    %c0_i32_1 = arith.constant 0 : i32
    return %c0_i32, %c0_i32_0 : i32, i32
  }
  func.func @transform_6(%arg0: i32) -> (i32, i32) {
    %c0_i32 = arith.constant 0 : i32
    %c0_i32_0 = arith.constant 0 : i32
    return %arg0, %c0_i32 : i32, i32
  }
}

module attributes {stable_mosaic.version = 14 : i64} {
  func.func @_k_stage5(%arg0: i32, %arg1: memref<1280x128xf32, #tpu.memory_space<vmem>>, %arg2: memref<1280x128xf32, #tpu.memory_space<vmem>>, %arg3: memref<1280x1xf32, #tpu.memory_space<vmem>>, %arg4: memref<1280x1xf32, #tpu.memory_space<vmem>>, %arg5: memref<1x128xf32, #tpu.memory_space<vmem>>, %arg6: memref<128x128xf32, #tpu.memory_space<vmem>>, %arg7: memref<128x128xf32, #tpu.memory_space<vmem>>, %arg8: memref<1280x128xf32, #tpu.memory_space<vmem>>, %arg9: memref<1280x128xf32, #tpu.memory_space<vmem>>) attributes {dimension_semantics = [#tpu.dimension_semantics<arbitrary>], iteration_bounds = array<i64: 8>, scalar_prefetch = 0 : i64, scratch_operands = 0 : i64, tpu.core_type = #tpu.core_type<tc>, window_params = [{transform_indices = @transform_0, window_bounds = array<i64: 1280, 128>}, {transform_indices = @transform_1, window_bounds = array<i64: 1280, 128>}, {transform_indices = @transform_2, window_bounds = array<i64: 1280, 1>}, {transform_indices = @transform_3, window_bounds = array<i64: 1280, 1>}, {pipeline_mode = #tpu.pipeline_mode<synchronous>, transform_indices = @transform_4, window_bounds = array<i64: 1, 128>}, {pipeline_mode = #tpu.pipeline_mode<synchronous>, transform_indices = @transform_5, window_bounds = array<i64: 128, 128>}, {pipeline_mode = #tpu.pipeline_mode<synchronous>, transform_indices = @transform_6, window_bounds = array<i64: 128, 128>}, {transform_indices = @transform_7, window_bounds = array<i64: 1280, 128>}, {transform_indices = @transform_8, window_bounds = array<i64: 1280, 128>}]} {
    %get3A = arith.constant 0 : index
    %get3A_0 = arith.constant 0 : index
    %get3A_1 = vector.load %arg3[%get3A, %get3A_0] : memref<1280x1xf32, #tpu.memory_space<vmem>>, vector<1280x1xf32>
    %get3A_2 = arith.constant 0 : index
    %get3A_3 = arith.constant 0 : index
    %get3A_4 = vector.load %arg4[%get3A_2, %get3A_3] : memref<1280x1xf32, #tpu.memory_space<vmem>>, vector<1280x1xf32>
    %add3A = arith.addf %get3A_1, %get3A_4 : vector<1280x1xf32>
    %add3A_5 = arith.constant 1.000000e+00 : f32
    %add3A_6 = vector.broadcast %add3A_5 : f32 to vector<1280x1xf32>
    %add3A_7 = arith.addf %add3A, %add3A_6 : vector<1280x1xf32>
    %rsqrt3A = math.rsqrt %add3A_7 : vector<1280x1xf32>
    %get3A_8 = arith.constant 0 : index
    %get3A_9 = arith.constant 0 : index
    %get3A_10 = vector.load %arg1[%get3A_8, %get3A_9] : memref<1280x128xf32, #tpu.memory_space<vmem>>, vector<1280x128xf32>
    %get3A_11 = arith.constant 0 : index
    %get3A_12 = arith.constant 0 : index
    %get3A_13 = vector.load %arg2[%get3A_11, %get3A_12] : memref<1280x128xf32, #tpu.memory_space<vmem>>, vector<1280x128xf32>
    %add3A_14 = arith.addf %get3A_10, %get3A_13 : vector<1280x128xf32>
    %mul3A = vector.broadcast %rsqrt3A : vector<1280x1xf32> to vector<1280x128xf32>
    %mul3A_15 = arith.mulf %add3A_14, %mul3A : vector<1280x128xf32>
    %get3A_16 = arith.constant 0 : index
    %get3A_17 = arith.constant 0 : index
    %get3A_18 = vector.load %arg5[%get3A_16, %get3A_17] : memref<1x128xf32, #tpu.memory_space<vmem>>, vector<1x128xf32>
    %add3A_19 = vector.broadcast %get3A_18 : vector<1x128xf32> to vector<1280x128xf32>
    %add3A_20 = arith.addf %mul3A_15, %add3A_19 : vector<1280x128xf32>
    %get3A_21 = arith.constant 0 : index
    %get3A_22 = arith.constant 0 : index
    %get3A_23 = vector.load %arg6[%get3A_21, %get3A_22] : memref<128x128xf32, #tpu.memory_space<vmem>>, vector<128x128xf32>
    %dot_general3A = arith.constant dense<0.000000e+00> : vector<1280x128xf32>
    %dot_general3A_24 = tpu.matmul %add3A_20, %get3A_23, %dot_general3A {dimension_numbers = #tpu.dot_dimension_numbers<[1], [0], [0], [1], [0, 0, 1, 1], [], []>, transpose_lhs_hint = false} : vector<1280x128xf32>, vector<128x128xf32>, vector<1280x128xf32> -> vector<1280x128xf32>
    %swap3A = arith.constant 0 : index
    %swap3A_25 = arith.constant 0 : index
    %swap3A_26 = vector.load %arg8[%swap3A, %swap3A_25] : memref<1280x128xf32, #tpu.memory_space<vmem>>, vector<1280x128xf32>
    tpu.vector_store %arg8[%swap3A, %swap3A_25], %dot_general3A_24 {strides = array<i32>} : memref<1280x128xf32, #tpu.memory_space<vmem>>, vector<1280x128xf32>,
    %get3A_27 = arith.constant 0 : index
    %get3A_28 = arith.constant 0 : index
    %get3A_29 = vector.load %arg7[%get3A_27, %get3A_28] : memref<128x128xf32, #tpu.memory_space<vmem>>, vector<128x128xf32>
    %dot_general3A_30 = arith.constant dense<0.000000e+00> : vector<1280x128xf32>
    %dot_general3A_31 = tpu.matmul %add3A_20, %get3A_29, %dot_general3A_30 {dimension_numbers = #tpu.dot_dimension_numbers<[1], [0], [0], [1], [0, 0, 1, 1], [], []>, transpose_lhs_hint = false} : vector<1280x128xf32>, vector<128x128xf32>, vector<1280x128xf32> -> vector<1280x128xf32>
    %swap3A_32 = arith.constant 0 : index
    %swap3A_33 = arith.constant 0 : index
    %swap3A_34 = vector.load %arg9[%swap3A_32, %swap3A_33] : memref<1280x128xf32, #tpu.memory_space<vmem>>, vector<1280x128xf32>
    tpu.vector_store %arg9[%swap3A_32, %swap3A_33], %dot_general3A_31 {strides = array<i32>} : memref<1280x128xf32, #tpu.memory_space<vmem>>, vector<1280x128xf32>,
    return
  }
  func.func @transform_0(%arg0: i32) -> (i32, i32) {
    %c0_i32 = arith.constant 0 : i32
    %c0_i32_0 = arith.constant 0 : i32
    return %arg0, %c0_i32 : i32, i32
  }
  func.func @transform_1(%arg0: i32) -> (i32, i32) {
    %c0_i32 = arith.constant 0 : i32
    %c0_i32_0 = arith.constant 0 : i32
    return %arg0, %c0_i32 : i32, i32
  }
  func.func @transform_2(%arg0: i32) -> (i32, i32) {
    %c0_i32 = arith.constant 0 : i32
    %c0_i32_0 = arith.constant 0 : i32
    return %arg0, %c0_i32 : i32, i32
  }
  func.func @transform_3(%arg0: i32) -> (i32, i32) {
    %c0_i32 = arith.constant 0 : i32
    %c0_i32_0 = arith.constant 0 : i32
    return %arg0, %c0_i32 : i32, i32
  }
  func.func @transform_4(%arg0: i32) -> (i32, i32) {
    %c0_i32 = arith.constant 0 : i32
    %c0_i32_0 = arith.constant 0 : i32
    %c0_i32_1 = arith.constant 0 : i32
    return %c0_i32, %c0_i32_0 : i32, i32
  }
  func.func @transform_5(%arg0: i32) -> (i32, i32) {
    %c0_i32 = arith.constant 0 : i32
    %c0_i32_0 = arith.constant 0 : i32
    %c0_i32_1 = arith.constant 0 : i32
    return %c0_i32, %c0_i32_0 : i32, i32
  }
  func.func @transform_6(%arg0: i32) -> (i32, i32) {
    %c0_i32 = arith.constant 0 : i32
    %c0_i32_0 = arith.constant 0 : i32
    %c0_i32_1 = arith.constant 0 : i32
    return %c0_i32, %c0_i32_0 : i32, i32
  }
  func.func @transform_7(%arg0: i32) -> (i32, i32) {
    %c0_i32 = arith.constant 0 : i32
    %c0_i32_0 = arith.constant 0 : i32
    return %arg0, %c0_i32 : i32, i32
  }
  func.func @transform_8(%arg0: i32) -> (i32, i32) {
    %c0_i32 = arith.constant 0 : i32
    %c0_i32_0 = arith.constant 0 : i32
    return %arg0, %c0_i32 : i32, i32
  }
}

module attributes {stable_mosaic.version = 14 : i64} {
  func.func @_k_stage7(%arg0: i32, %arg1: memref<2048x16xf32, #tpu.memory_space<vmem>>, %arg2: memref<1x1xf32, #tpu.memory_space<vmem>>, %arg3: memref<2048x1xf32, #tpu.memory_space<vmem>>) attributes {dimension_semantics = [#tpu.dimension_semantics<arbitrary>], iteration_bounds = array<i64: 52>, scalar_prefetch = 0 : i64, scratch_operands = 0 : i64, tpu.core_type = #tpu.core_type<tc>, window_params = [{transform_indices = @transform_0, window_bounds = array<i64: 2048, 16>}, {pipeline_mode = #tpu.pipeline_mode<synchronous>, transform_indices = @transform_1, window_bounds = array<i64: 1, 1>}, {transform_indices = @transform_2, window_bounds = array<i64: 2048, 1>}]} {
    %get3A = arith.constant 0 : index
    %get3A_0 = arith.constant 0 : index
    %get3A_1 = vector.load %arg1[%get3A, %get3A_0] : memref<2048x16xf32, #tpu.memory_space<vmem>>, vector<2048x16xf32>
    %reduce_sum3A = arith.constant dense<0.000000e+00> : vector<2048xf32>
    %reduce_sum3A_2 = vector.multi_reduction <add>, %get3A_1, %reduce_sum3A [1] : vector<2048x16xf32> to vector<2048xf32>
    %get3A_3 = arith.constant 0 : index
    %get3A_4 = arith.constant 0 : index
    %get3A_5 = vector.load %arg2[%get3A_3, %get3A_4] : memref<1x1xf32, #tpu.memory_space<vmem>>, vector<1x1xf32>
    %get3A_6 = vector.extract %get3A_5[0, 0] : f32 from vector<1x1xf32>
    %add3A = vector.broadcast %get3A_6 : f32 to vector<2048xf32>
    %add3A_7 = arith.addf %reduce_sum3A_2, %add3A : vector<2048xf32>
    %reshape3A = vector.shape_cast %add3A_7 : vector<2048xf32> to vector<2048x1xf32>
    %swap3A = arith.constant 0 : index
    %swap3A_8 = arith.constant 0 : index
    %swap3A_9 = vector.load %arg3[%swap3A, %swap3A_8] : memref<2048x1xf32, #tpu.memory_space<vmem>>, vector<2048x1xf32>
    tpu.vector_store %arg3[%swap3A, %swap3A_8], %reshape3A {strides = array<i32>} : memref<2048x1xf32, #tpu.memory_space<vmem>>, vector<2048x1xf32>,
    return
  }
  func.func @transform_0(%arg0: i32) -> (i32, i32) {
    %c0_i32 = arith.constant 0 : i32
    %c0_i32_0 = arith.constant 0 : i32
    return %arg0, %c0_i32 : i32, i32
  }
  func.func @transform_1(%arg0: i32) -> (i32, i32) {
    %c0_i32 = arith.constant 0 : i32
    %c0_i32_0 = arith.constant 0 : i32
    %c0_i32_1 = arith.constant 0 : i32
    return %c0_i32, %c0_i32_0 : i32, i32
  }
  func.func @transform_2(%arg0: i32) -> (i32, i32) {
    %c0_i32 = arith.constant 0 : i32
    %c0_i32_0 = arith.constant 0 : i32
    return %arg0, %c0_i32 : i32, i32
  }
}

</mosaic_0001>

<sc_bundles>
// kernel: kernel.10.cloned.1.call-start
scs
__scs_entry_jumppad:
0x0: {  	(pc) =	sbr.rel $0x88, $3  }
0x1: {  	(tag) =	ssettag $0x0;
	lr =	simm.s32 $0x1  }
0x2: {  	[smem:$0x3F96] =	sst lr;
	_ =	strace $0xD0000000  }
0x3: {  	_ = 	snop  }
0x4: {  	_ = 	snop  }
0x5: {  	_ = 	snop  }
0x6: {  	_ = 	snop  }
0x7: {  	_ = 	snop  }
__scs_overlays_trampoline_lowered:
0x8: {  	[smem:$0x3FA5] =	sst s0  }
0x9: {  	[smem:$0x3FA6] =	sst s1  }
0xa: {  	[smem:$0x3FA7] =	sst s2  }
0xb: {  	[smem:$0x3FA8] =	sst s3  }
0xc: {  	[smem:$0x3FA9] =	sst s4  }
0xd: {  	[smem:$0x3FAA] =	sst s5  }
0xe: {  	[smem:$0x3FAB] =	sst s6  }
0xf: {  	[smem:$0x3FAC] =	sst s7  }
0x10: {  	[smem:$0x3FAD] =	sst s8  }
0x11: {  	[smem:$0x3FAE] =	sst s9;
	s0 =	simm.s32 @!p0 $0x0  }
0x12: {  	s1 =	sld [smem:$0x3F94];
	s0 =	simm.s32 @p0 $0x1  }
0x13: {  	[smem:$0x3FAF] =	sst s0;
	s0 =	simm.s32 @!p1 $0x0  }
0x14: {  	s2 =	sld [smem:$0x3F93];
	s0 =	simm.s32 @p1 $0x1  }
0x15: {  	[smem:$0x3FB0] =	sst s0;
	s0 =	simm.s32 @!p2 $0x0  }
0x16: {  	s3 =	sld [smem:$0x3FDB];
	s0 =	simm.s32 @p2 $0x1  }
0x17: {  	s4 =	simm.s32 $0x1BF5;
	[smem:$0x3FB2] =	sst s0  }
0x18: {  	s0 =	sld [smem:$0x3F95];
	_ =	swait.ge [sflag:s4], $0x0  }
0x19: {  	s7 =	sld [smem:$0x3F96]  }
0x1a: {  	s8 =	sadd.s32 $0xFFFFE003, lr  }
0x1b: {  	s9 =	sadd.s32 $0xFFFFFEF7, lr;
	s5 =	simm.s32 $0xFFFFFFFF;
	p2 =	slt.u32 s8, $0xFFFFF086  }
0x1c: {  	p1 =	slt.u32 s9, $0xF7A;
	s5 =	simm.s32 @!p2 $0x0  }
0x1d: {  	s5 =	simm.s32 @p1 $0x1;
	p0 =	seq.s32 s7, s2  }
0x1e: {  	s7 =	smul.u32 @!p0 $0xF7A, s2;
	p2 =	seq.s32 @!p0 s5, $0x0  }
0x1f: {  	s9 =	smul.u32 $0xF7A, s1;
	s8 =	simm.s32 @!p0 $0x1BF5;
	p2 =	por !p2, p0  }
0x20: {  	[sflag:s8] =	ssyncset.s32 @!p0 $0xFFFFF086;
	s6 =	sadd.s32 @!p0 s3, s7;
	s7 =	simm.s32 @!p0 $0x108  }
0x21: {  	s3 =	sadd.s32 s3, s9;
	s6 =	sadd.s32 @!p0 $0x88, s6;
	s7 =	simm.s32 @p2 $0x1082  }
0x22: {  	[simem:s7], [sflag:s8] =	dma.local @!p0 [hbm:s6], $0xF7A  }
0x23: {  	s9 =	sor.u32 $0xD0000000, s2;
	s6 =	simm.s32 $0x108;
	_ =	swait.ge @!p0 [sflag:s8], $0x0  }
0x24: {  	s3 =	sadd.s32 $0x88, s3;
	s6 =	simm.s32 @!p1 $0x1082;
	[sflag:s4] =	ssyncset.s32 $0xFFFFF086  }
0x25: {  	[simem:s6], [sflag:s4] =	dma.local [hbm:s3], $0xF7A  }
0x26: {  	[smem:$0x3F96] =	sst s1;
	(tag) =	ssettag s2;
	_ =	strace s9  }
0x27: {  	s1 =	sld [smem:$0x3FA6]  }
0x28: {  	s2 =	sld [smem:$0x3FA7]  }
0x29: {  	s4 =	sld [smem:$0x3FA9]  }
0x2a: {  	p0 =	seq.s32 s5, $0x0;
	s5 =	sld [smem:$0x3FAA]  }
0x2b: {  	s6 =	sld [smem:$0x3FAB]  }
0x2c: {  	s7 =	sld [smem:$0x3FAC]  }
0x2d: {  	s3 =	simm.s32 $0x108;
	s8 =	sld [smem:$0x3FAD]  }
0x2e: {  	s3 =	simm.s32 @!p0 $0x1082;
	s9 =	sld [smem:$0x3FAE]  }
0x2f: {  	lr =	sadd.s32 s0, s3;
	s0 =	sld [smem:$0x3FA5]  }
0x30: {  	s3 =	sld [smem:$0x3FA8]  }
0x31: {  	[smem:$0x3FB1] =	sst s10  }
0x32: {  	s10 =	sld [smem:$0x3FAF];
	_ =	sdelay $0x3  }
0x33: {  	p0 =	seq.s32 s10, $0x1;
	s10 =	sld [smem:$0x3FB1];
	_ =	sdelay $0x3  }
0x34: {  	[smem:$0x3FB1] =	sst s10  }
0x35: {  	s10 =	sld [smem:$0x3FB0];
	_ =	sdelay $0x3  }
0x36: {  	p1 =	seq.s32 s10, $0x1;
	s10 =	sld [smem:$0x3FB1];
	_ =	sdelay $0x3  }
0x37: {  	[smem:$0x3FB1] =	sst s10  }
0x38: {  	s10 =	sld [smem:$0x3FB2]  }
0x39: {  	_ = 	snop;
	(pc) =	sbr.ind lr, $3  }
0x3a: {  	_ = 	snop  }
0x3b: {  	_ = 	snop  }
0x3c: {  	p2 =	seq.s32 s10, $0x1;
	s10 =	sld [smem:$0x3FB1]  }
0x3d: {  	_ =	shalt  }
0x3e: {  	_ =	shalt  }
0x3f: {  	_ =	shalt  }
0x40: {  	_ =	shalt  }
0x41: {  	_ =	shalt  }
0x42: {  	_ =	shalt  }
0x43: {  	_ =	shalt  }
0x44: {  	_ =	shalt  }
0x45: {  	_ =	shalt  }
0x46: {  	_ =	shalt  }
0x47: {  	_ =	shalt  }
0x48: {  	_ =	shalt  }
0x49: {  	_ =	shalt  }
0x4a: {  	_ =	shalt  }
0x4b: {  	_ =	shalt  }
0x4c: {  	_ =	shalt  }
0x4d: {  	_ =	shalt  }
0x4e: {  	_ =	shalt  }
0x4f: {  	_ =	shalt  }
0x50: {  	_ =	shalt  }
0x51: {  	_ =	shalt  }
0x52: {  	_ =	shalt  }
0x53: {  	_ =	shalt  }
0x54: {  	_ =	shalt  }
0x55: {  	_ =	shalt  }
0x56: {  	_ =	shalt  }
0x57: {  	_ =	shalt  }
0x58: {  	_ =	shalt  }
0x59: {  	_ =	shalt  }
0x5a: {  	_ =	shalt  }
0x5b: {  	_ =	shalt  }
0x5c: {  	_ =	shalt  }
0x5d: {  	_ =	shalt  }
0x5e: {  	_ =	shalt  }
0x5f: {  	_ =	shalt  }
0x60: {  	_ =	shalt  }
0x61: {  	_ =	shalt  }
0x62: {  	_ =	shalt  }
0x63: {  	_ =	shalt  }
0x64: {  	_ =	shalt  }
0x65: {  	_ =	shalt  }
0x66: {  	_ =	shalt  }
0x67: {  	_ =	shalt  }
0x68: {  	_ =	shalt  }
0x69: {  	_ =	shalt  }
0x6a: {  	_ =	shalt  }
0x6b: {  	_ =	shalt  }
0x6c: {  	_ =	shalt  }
0x6d: {  	_ =	shalt  }
0x6e: {  	_ =	shalt  }
0x6f: {  	_ =	shalt  }
0x70: {  	_ =	shalt  }
0x71: {  	_ =	shalt  }
0x72: {  	_ =	shalt  }
0x73: {  	_ =	shalt  }
0x74: {  	_ =	shalt  }
0x75: {  	_ =	shalt  }
0x76: {  	_ =	shalt  }
0x77: {  	_ =	shalt  }
0x78: {  	_ =	shalt  }
0x79: {  	_ =	shalt  }
0x7a: {  	_ =	shalt  }
0x7b: {  	_ =	shalt  }
0x7c: {  	_ =	shalt  }
0x7d: {  	_ =	shalt  }
0x7e: {  	_ =	shalt  }
0x7f: {  	_ =	shalt  }
0x80: {  	_ =	shalt  }
0x81: {  	_ =	shalt  }
0x82: {  	_ =	shalt  }
0x83: {  	_ =	shalt  }
0x84: {  	_ =	shalt  }
0x85: {  	_ =	shalt  }
0x86: {  	_ =	shalt  }
0x87: {  	_ =	shalt  }
.Lfunc_end0:
.L_simem_size_0:
called_computation_lowered:
.L_overlay_start_0:
0x88: {  	s2 =	sld [smem:$0x3FD9]  }
0x89: {  	s3 =	sld [smem:$0x3FFE];
	_ =	sdelay $0x1  }
0x8a: {  	s1 =	srdreg.scid  }
0x8b: {  	s0 =	sand.u32 $0x1, s1  }
0x8c: {  	s17 =	sshll.u32 s0, $0xA;
	s2 =	sadd.s32 s3, s2  }
0x8d: {  	s2 =	sadd.s32 s2, s17  }
0x8e: {  	[smem:$0x3FBD] =	sst s2  }
0x8f: {  	_ = 	snop  }
0x90: {  	s2 =	sld [smem:$0x3FD0];
	(tm) =	ssettm $0x1  }
0x91: {  	s18 =	sld [smem:$0x3FFB];
	_ =	sdelay $0x3  }
0x92: {  	_ =	strace s18  }
0x93: {  	s3 =	sld [smem:$0x3FFC];
	_ =	sdelay $0x3  }
0x94: {  	_ =	strace s3  }
0x95: {  	s3 =	sld [smem:$0x3FFD];
	_ =	sdelay $0x3  }
0x96: {  	_ =	strace s3  }
0x97: {  	_ =	strace $0x8FFFFFFF  }
0x98: {  	s19 =	sld [smem:$0x3FDB];
	_ =	sdelay $0x1  }
0x99: {  	s4 =	simm.s32 $_scs_section_size  }
0x9a: {  	s5 =	simm.s32 $_size__tile_overlayer_lowered;
	s6 =	simm.s32 $_tile_overlayer_lowered  }
0x9b: {  	s22 =	simm.s32 $0x1BFF;
	s21 =	sshll.u32 s6, $0x1;
	s3 =	sadd.s32 s4, s19  }
0x9c: {  	s7 =	simm.s32 $0x0;
	s20 =	sshll.u32 s5, $0x1;
	s5 =	sadd.s32 s21, s3  }
0x9d: {  	[timem:s7], [sflag:s22] =	dma.local [hbm:s5], s20  }
0x9e: {  	_ =	swait.ge [sflag:s22], s20  }
0x9f: {  	s4 =	ssub.s32 $0x0, s20;
	[sflag:s22] =	ssyncset.done $0x0  }
0xa0: {  	[sflag:s22] =	ssyncadd.s32 s4;
	_ =	sdelay $0x1  }
0xa1: {  	s23 =	simm.s32 $0x1B8B  }
0xa2: {  	_ =	swait.ge [sflag:s23], $0x1  }
0xa3: {  	[sflag:s23] =	ssyncset.done $0x0  }
0xa4: {  	s25 =	simm.s32 $0x1B8E;
	s24 =	sld [smem:$0x3FFE];
	[sflag:s23] =	ssyncadd.s32 $0xFFFFFFFF  }
0xa5: {  	s26 =	simm.s32 $execute0_lowered;
	[smem:$0x3FD2] =	sst s25  }
0xa6: {  	s5 =	sshll.u32 s26, $0x1;
	_ =	strace $0x80000046;
	[dreg:$0x1] =	wrdreg $0xFFFFFFFF  }
0xa7: {  	s28 =	simm.s32 $_size_execute0_lowered;
	s3 =	sadd.s32 s3, s5;
	[dreg:$0x0] =	wrdreg $0x0  }
0xa8: {  	s5 =	sshll.u32 s28, $0x1;
	[dreg:$0x2] =	wrdreg s3  }
0xa9: {  	[dreg:$0x3] =	wrdreg s5  }
0xaa: {  	[dreg:$0x4] =	wrdreg $0xC0  }
0xab: {  	_ =	task [dreg:s7], $0x5FFFF  }
0xac: {  	[dreg:$0x1] =	wrdreg $0xFFFFFFFF  }
0xad: {  	[dreg:$0x0] =	wrdreg $0x60  }
0xae: {  	[dreg:$0x2] =	wrdreg s24  }
0xaf: {  	[dreg:$0x3] =	wrdreg s2  }
0xb0: {  	[dreg:$0x4] =	wrdreg $0x2B000  }
0xb1: {  	[dreg:$0x5] =	wrdreg $0x9  }
0xb2: {  	_ =	task.clear_ibuf [dreg:s7], $0x6FFFF;
	_ =	strace $0x90000046  }
0xb3: {  	s29 =	simm.s32 $0x9;
	_ =	strace $0x80000048  }
0xb4: {  	_ =	swait.ge [sflag:s29], $0x1  }
0xb5: {  	[sflag:s29] =	ssyncadd.s32 $0xFFFFFFFF  }
0xb6: {  	_ =	strace $0x90000048  }
0xb7: {  	_ =	sfence  }
0xb8: {  	s30 =	sld [smem:$0x0];
	_ =	sdelay $0x2  }
0xb9: {  	s31 =	sshll.u32 s1, $0xD;
	s1 =	sshrl.u32 s1, $0x2  }
0xba: {  	s3 =	sand.u32 $0x4000, s31;
	s1 =	sadd.s32 s1, s30  }
0xbb: {  	s0 =	sor.u32 s3, s0;
	s1 =	sshll.u32 s1, $0x11  }
0xbc: {  	s0 =	sor.u32 s1, s0  }
0xbd: {  	s0 =	sadd.s32 $0x8F2B, s0  }
0xbe: {  	[sflag:s0] =	ssyncadd.remote.s32 $0x1  }
0xbf: {  	_ =	sfence.sel $0xFFFF  }
0xc0: {  	[dreg:$0x0] =	wrdreg $0xFFFFFFFF;
	(pc) =	sbr.abs _section_cstart, $3  }
0xc1: {  	[dreg:$0x1] =	wrdreg $0xFFFFFFFF  }
0xc2: {  	_ =	task.clear_ibuf [dreg:s7], $0x2FFFF;
	_ =	strace $0x9FFFFFFF  }
0xc3: {  	(tm) =	ssettm $0x7FFFFFFF  }
tec
execute0_lowered:
.L_overlay_start_1:
0x0: {  	(tag) =	ssettag $0x1  }
0x1: {  	s4 =	rddreg [dreg:$0x0]  }
0x2: {  	s6 =	rddreg [dreg:$0x1];
	s0 =	srdreg.scid  }
0x3: {  	s2 =	rddreg [dreg:$0x2];
	s1 =	stileid.u32  }
0x4: {  	s3 =	simm.s32 $0x0;
	s14 =	simm.s32 $0x20;
	s15 =	simm.s32 $0x10  }
0x5: {  	s5 =	sand.u32 $0x1, s0;
	s0 =	rddreg [dreg:$0x3];
	s9 =	smul.u32 $0xA00, s1  }
0x6: {  	s16 =	simm.s32 $0x0;
	[smem:$0x7FF] =	sst s3;
	s12 =	smul.u32 $0xA0, s1  }
0x7: {  	s13 =	sshll.u32 s1, $0x6;
	s7 =	sshll.u32 s5, $0x4;
	s5 =	ssub.s32 $0x2, s5  }
0x8: {  	_ =	strace $0x80000047;
	s8 =	sor.u32 s1, s7;
	s10 =	sshrl.u32 s5, $0x1  }
0x9: {  	s9 =	sshrl.u32 s9, $0x2;
	s11 =	sadd.s32 s6, s7;
	s7 =	simm.s32 $0x2880  }
0xa: {  	s8 =	smul.u32 $0x500, s8;
	s10 =	ssub.s32 s5, s10;
	s11 =	sadd.s32 s12, s11  }
0xb: {  	s12 =	sor.u32 $0x1C01, s13;
	s6 =	smax.u32 s10, $0x1;
	s10 =	simm.s32 $0x2800  }
0xc: {  	s8 =	sadd.s32 s8, s4;
	s4 =	sadd.s32 s9, s2;
	s9 =	simm.s32 $0x80  }
0xd: {  	v0 =	vimm.f32 $1.000000000e+00;
	v1 =	vimm.f32 $0.0e+00;
	s5 =	sadd.s32 $0x2200, s8;
	s8 =	simm.s32 $0x1;
	s13 =	sshrl.u32 s4, $0x3  }
.LBB2_1:
0xe: {  	[tilespmem:$0x2800] =	vst v0  }
0xf: {  	[tilespmem:$0x2810] =	vst v0  }
0x10: {  	[tilespmem:$0x2820] =	vst v0  }
0x11: {  	[tilespmem:$0x2830] =	vst v0  }
0x12: {  	[tilespmem:$0x2840] =	vst v0  }
0x13: {  	[tilespmem:$0x2850] =	vst v0  }
0x14: {  	[tilespmem:$0x2860] =	vst v0  }
0x15: {  	[tilespmem:$0x2870] =	vst v0  }
0x16: {  	[tilespmem:$0x2880] =	vst v1  }
0x17: {  	[tilespmem:$0x2890] =	vst v1  }
0x18: {  	[tilespmem:$0x28A0] =	vst v1  }
0x19: {  	[tilespmem:$0x28B0] =	vst v1  }
0x1a: {  	[tilespmem:$0x28C0] =	vst v1  }
0x1b: {  	[tilespmem:$0x28D0] =	vst v1  }
0x1c: {  	[tilespmem:$0x28E0] =	vst v1  }
0x1d: {  	[tilespmem:$0x28F0] =	vst v1  }
0x1e: {  	[tilespmem:$0x2900] =	vst v1  }
0x1f: {  	[tilespmem:$0x2910] =	vst v1  }
0x20: {  	[tilespmem:$0x2920] =	vst v1  }
0x21: {  	[tilespmem:$0x2930] =	vst v1  }
0x22: {  	[tilespmem:$0x2940] =	vst v1  }
0x23: {  	[tilespmem:$0x2950] =	vst v1  }
0x24: {  	[tilespmem:$0x2960] =	vst v1  }
0x25: {  	[tilespmem:$0x2970] =	vst v1  }
0x26: {  	[tilespmem:$0x2980] =	vst v1  }
0x27: {  	[tilespmem:$0x2990] =	vst v1  }
0x28: {  	[tilespmem:$0x29A0] =	vst v1  }
0x29: {  	[tilespmem:$0x29B0] =	vst v1  }
0x2a: {  	[tilespmem:$0x29C0] =	vst v1  }
0x2b: {  	[tilespmem:$0x29D0] =	vst v1  }
0x2c: {  	[tilespmem:$0x29E0] =	vst v1  }
0x2d: {  	[tilespmem:$0x29F0] =	vst v1  }
0x2e: {  	[tilespmem:$0x2A00] =	vst v1  }
0x2f: {  	[tilespmem:$0x2A10] =	vst v1  }
0x30: {  	[tilespmem:$0x2A20] =	vst v1  }
0x31: {  	[tilespmem:$0x2A30] =	vst v1  }
0x32: {  	[tilespmem:$0x2A40] =	vst v1  }
0x33: {  	[tilespmem:$0x2A50] =	vst v1  }
0x34: {  	[tilespmem:$0x2A60] =	vst v1  }
0x35: {  	[tilespmem:$0x2A70] =	vst v1  }
0x36: {  	[tilespmem:$0x2A80] =	vst v1  }
0x37: {  	[tilespmem:$0x2A90] =	vst v1  }
0x38: {  	[tilespmem:$0x2AA0] =	vst v1  }
0x39: {  	[tilespmem:$0x2AB0] =	vst v1  }
0x3a: {  	[tilespmem:$0x2AC0] =	vst v1  }
0x3b: {  	[tilespmem:$0x2AD0] =	vst v1  }
0x3c: {  	[tilespmem:$0x2AE0] =	vst v1  }
0x3d: {  	[tilespmem:$0x2AF0] =	vst v1  }
0x3e: {  	[spmem:s4] =	stream.linear.scatter [tilespmem:s7], [sflag:$0x1], $0x280, $0x38;
	[tilespmem:$0x2D80] =	vst v63  }
0x3f: {  	_ =	swait.ge [sflag:s8], $0x280  }
0x40: {  	[sflag:s8] =	ssyncset.done $0x0  }
0x41: {  	[sflag:s8] =	ssyncadd.s32 $0xFFFFFD80  }
0x42: {  	[tilespmem:s3], [sflag:$0x1] =	stream.linear.gather [hbm4b:s5+s3], $0x2800, $0x38;
	[tilespmem:$0x2D80] =	vst v63  }
0x43: {  	_ =	swait.ge [sflag:s8], $0x2800  }
0x44: {  	[sflag:s8] =	ssyncset.done $0x0  }
0x45: {  	[sflag:s8] =	ssyncadd.s32 $0xFFFFD800  }
0x46: {  	s17 =	simm.s32 $0x0;
	[bflag:$0x0] =	sbarrier.arrive $0xFFFF  }
0x47: {  	[spmem:s2] =	stream.indirect.scatter.add.f32 [tilespmem:s10], [sflag:$0x1], $0x1, s17, s9, $0xb8;
	[tilespmem:$0x2D80] =	vst v63  }
0x48: {  	_ =	swait.ge [sflag:s8], $0x80  }
0x49: {  	s17 =	simm.s32 $0x200;
	[sflag:s8] =	ssyncset.done $0x0  }
.LBB2_2:
0x4a: {  	s18 =	sshra.s32 s17, $0x2;
	[sflag:s8] =	ssyncadd.s32 $0xFFFFFF80;
	p0 =	sne.s32 s17, $0x9E00  }
0x4b: {  	[spmem:s2] =	stream.indirect.scatter.add.f32 [tilespmem:s10], [sflag:$0x1], $0x1, s18, s9, $0xb8;
	[tilespmem:$0x2D80] =	vst v63  }
.Ltmp0:
0x4c: {  	_ = 	snop;
	(pc) =	sbr.rel @p0 .LBB2_2-.Ltmp0, $4  }
0x4d: {  	_ = 	snop  }
0x4e: {  	s17 =	sadd.s32 $0x200, s17  }
0x4f: {  	_ =	swait.ge [sflag:s8], $0x80  }
0x50: {  	[sflag:s8] =	ssyncset.done $0x0  }
0x51: {  	s16 =	sadd.s32 $0x1, s16  }
0x52: {  	[sflag:s8] =	ssyncadd.s32 $0xFFFFFF80;
	p0 =	sne.s32 s16, s6  }
.Ltmp1:
0x53: {  	[bflag:$0x0] =	sbarrier.arrive $0xFFFF;
	(pc) =	sbr.rel @p0 .LBB2_1-.Ltmp1, $4  }
0x54: {  	[hbm:s11@s14], [sflag:s12] =	dma.strided [spmem:s13@s15], $0x50, s8, $0x10   }
0x55: {  	_ =	swait.ge [sflag:s8], $0x50  }
0x56: {  	[sflag:s8] =	ssyncset.done $0x0  }
0x57: {  	[sflag:s8] =	ssyncadd.s32 $0xFFFFFFB0  }
0x58: {  	_ =	sfence.sel $0x180000  }
0x59: {  	[bflag:$0x0] =	sbarrier.arrive $0xFFFF  }
0x5a: {  	p0 =	sne.s32 s1, $0x0;
	_ =	strace $0x90000047  }
0x5b: {  	s0 =	sadd.s32 @!p0 $0x100000, s0;
	[bflag:$0x2] =	sbarrier.arrive $0xFFFF  }
0x5c: {  	[sflag:s0] =	ssyncadd.tile.s32 @!p0 $0x1;
	_ =	shalt  }
.Lfunc_end2:
_tile_overlayer_lowered:
.L_overlay_start_2:
0x5d: {  	(tag) =	ssettag $0x2  }
0x5e: {  	s0 =	rddreg [dreg:$0x0];
	s2 =	stileid.u32  }
0x5f: {  	s1 =	rddreg [dreg:$0x1];
	p0 =	sne.s32 s2, $0x0  }
0x60: {  	s3 =	rddreg [dreg:$0x2];
	[bflag:$0x3] =	sbarrier.arrive $0xFFFF;
	s2 =	simm.s32 @!p0 $0x1C01  }
0x61: {  	[timem:s3], [sflag:s2] =	dma.local @!p0 [hbm:s0], s1  }
0x62: {  	s0 =	simm.s32 @!p0 $0x1  }
0x63: {  	_ =	swait.ge @!p0 [sflag:s0], s1  }
0x64: {  	s1 =	ssub.s32 @!p0 $0x0, s1;
	[sflag:s0] =	ssyncset.done @!p0 $0x0  }
0x65: {  	[sflag:s0] =	ssyncadd.s32 @!p0 s1  }
0x66: {  	[bflag:$0x3] =	sbarrier.arrive $0xFFFF  }
0x67: {  	_ =	shalt  }

// kernel: kernel.13.cloned.1.call-start
scs
__scs_entry_jumppad:
0x0: {  	(pc) =	sbr.rel $0x88, $3  }
0x1: {  	(tag) =	ssettag $0x0;
	lr =	simm.s32 $0x1  }
0x2: {  	[smem:$0x3F96] =	sst lr;
	_ =	strace $0xD0000000  }
0x3: {  	_ = 	snop  }
0x4: {  	_ = 	snop  }
0x5: {  	_ = 	snop  }
0x6: {  	_ = 	snop  }
0x7: {  	_ = 	snop  }
__scs_overlays_trampoline_lowered:
0x8: {  	[smem:$0x3FA5] =	sst s0  }
0x9: {  	[smem:$0x3FA6] =	sst s1  }
0xa: {  	[smem:$0x3FA7] =	sst s2  }
0xb: {  	[smem:$0x3FA8] =	sst s3  }
0xc: {  	[smem:$0x3FA9] =	sst s4  }
0xd: {  	[smem:$0x3FAA] =	sst s5  }
0xe: {  	[smem:$0x3FAB] =	sst s6  }
0xf: {  	[smem:$0x3FAC] =	sst s7  }
0x10: {  	[smem:$0x3FAD] =	sst s8  }
0x11: {  	[smem:$0x3FAE] =	sst s9;
	s0 =	simm.s32 @!p0 $0x0  }
0x12: {  	s1 =	sld [smem:$0x3F94];
	s0 =	simm.s32 @p0 $0x1  }
0x13: {  	[smem:$0x3FAF] =	sst s0;
	s0 =	simm.s32 @!p1 $0x0  }
0x14: {  	s2 =	sld [smem:$0x3F93];
	s0 =	simm.s32 @p1 $0x1  }
0x15: {  	[smem:$0x3FB0] =	sst s0;
	s0 =	simm.s32 @!p2 $0x0  }
0x16: {  	s3 =	sld [smem:$0x3FDB];
	s0 =	simm.s32 @p2 $0x1  }
0x17: {  	s4 =	simm.s32 $0x1BF5;
	[smem:$0x3FB2] =	sst s0  }
0x18: {  	s0 =	sld [smem:$0x3F95];
	_ =	swait.ge [sflag:s4], $0x0  }
0x19: {  	s7 =	sld [smem:$0x3F96]  }
0x1a: {  	s8 =	sadd.s32 $0xFFFFE003, lr  }
0x1b: {  	s9 =	sadd.s32 $0xFFFFFEF7, lr;
	s5 =	simm.s32 $0xFFFFFFFF;
	p2 =	slt.u32 s8, $0xFFFFF086  }
0x1c: {  	p1 =	slt.u32 s9, $0xF7A;
	s5 =	simm.s32 @!p2 $0x0  }
0x1d: {  	s5 =	simm.s32 @p1 $0x1;
	p0 =	seq.s32 s7, s2  }
0x1e: {  	s7 =	smul.u32 @!p0 $0xF7A, s2;
	p2 =	seq.s32 @!p0 s5, $0x0  }
0x1f: {  	s9 =	smul.u32 $0xF7A, s1;
	s8 =	simm.s32 @!p0 $0x1BF5;
	p2 =	por !p2, p0  }
0x20: {  	[sflag:s8] =	ssyncset.s32 @!p0 $0xFFFFF086;
	s6 =	sadd.s32 @!p0 s3, s7;
	s7 =	simm.s32 @!p0 $0x108  }
0x21: {  	s3 =	sadd.s32 s3, s9;
	s6 =	sadd.s32 @!p0 $0x88, s6;
	s7 =	simm.s32 @p2 $0x1082  }
0x22: {  	[simem:s7], [sflag:s8] =	dma.local @!p0 [hbm:s6], $0xF7A  }
0x23: {  	s9 =	sor.u32 $0xD0000000, s2;
	s6 =	simm.s32 $0x108;
	_ =	swait.ge @!p0 [sflag:s8], $0x0  }
0x24: {  	s3 =	sadd.s32 $0x88, s3;
	s6 =	simm.s32 @!p1 $0x1082;
	[sflag:s4] =	ssyncset.s32 $0xFFFFF086  }
0x25: {  	[simem:s6], [sflag:s4] =	dma.local [hbm:s3], $0xF7A  }
0x26: {  	[smem:$0x3F96] =	sst s1;
	(tag) =	ssettag s2;
	_ =	strace s9  }
0x27: {  	s1 =	sld [smem:$0x3FA6]  }
0x28: {  	s2 =	sld [smem:$0x3FA7]  }
0x29: {  	s4 =	sld [smem:$0x3FA9]  }
0x2a: {  	p0 =	seq.s32 s5, $0x0;
	s5 =	sld [smem:$0x3FAA]  }
0x2b: {  	s6 =	sld [smem:$0x3FAB]  }
0x2c: {  	s7 =	sld [smem:$0x3FAC]  }
0x2d: {  	s3 =	simm.s32 $0x108;
	s8 =	sld [smem:$0x3FAD]  }
0x2e: {  	s3 =	simm.s32 @!p0 $0x1082;
	s9 =	sld [smem:$0x3FAE]  }
0x2f: {  	lr =	sadd.s32 s0, s3;
	s0 =	sld [smem:$0x3FA5]  }
0x30: {  	s3 =	sld [smem:$0x3FA8]  }
0x31: {  	[smem:$0x3FB1] =	sst s10  }
0x32: {  	s10 =	sld [smem:$0x3FAF];
	_ =	sdelay $0x3  }
0x33: {  	p0 =	seq.s32 s10, $0x1;
	s10 =	sld [smem:$0x3FB1];
	_ =	sdelay $0x3  }
0x34: {  	[smem:$0x3FB1] =	sst s10  }
0x35: {  	s10 =	sld [smem:$0x3FB0];
	_ =	sdelay $0x3  }
0x36: {  	p1 =	seq.s32 s10, $0x1;
	s10 =	sld [smem:$0x3FB1];
	_ =	sdelay $0x3  }
0x37: {  	[smem:$0x3FB1] =	sst s10  }
0x38: {  	s10 =	sld [smem:$0x3FB2]  }
0x39: {  	_ = 	snop;
	(pc) =	sbr.ind lr, $3  }
0x3a: {  	_ = 	snop  }
0x3b: {  	_ = 	snop  }
0x3c: {  	p2 =	seq.s32 s10, $0x1;
	s10 =	sld [smem:$0x3FB1]  }
0x3d: {  	_ =	shalt  }
0x3e: {  	_ =	shalt  }
0x3f: {  	_ =	shalt  }
0x40: {  	_ =	shalt  }
0x41: {  	_ =	shalt  }
0x42: {  	_ =	shalt  }
0x43: {  	_ =	shalt  }
0x44: {  	_ =	shalt  }
0x45: {  	_ =	shalt  }
0x46: {  	_ =	shalt  }
0x47: {  	_ =	shalt  }
0x48: {  	_ =	shalt  }
0x49: {  	_ =	shalt  }
0x4a: {  	_ =	shalt  }
0x4b: {  	_ =	shalt  }
0x4c: {  	_ =	shalt  }
0x4d: {  	_ =	shalt  }
0x4e: {  	_ =	shalt  }
0x4f: {  	_ =	shalt  }
0x50: {  	_ =	shalt  }
0x51: {  	_ =	shalt  }
0x52: {  	_ =	shalt  }
0x53: {  	_ =	shalt  }
0x54: {  	_ =	shalt  }
0x55: {  	_ =	shalt  }
0x56: {  	_ =	shalt  }
0x57: {  	_ =	shalt  }
0x58: {  	_ =	shalt  }
0x59: {  	_ =	shalt  }
0x5a: {  	_ =	shalt  }
0x5b: {  	_ =	shalt  }
0x5c: {  	_ =	shalt  }
0x5d: {  	_ =	shalt  }
0x5e: {  	_ =	shalt  }
0x5f: {  	_ =	shalt  }
0x60: {  	_ =	shalt  }
0x61: {  	_ =	shalt  }
0x62: {  	_ =	shalt  }
0x63: {  	_ =	shalt  }
0x64: {  	_ =	shalt  }
0x65: {  	_ =	shalt  }
0x66: {  	_ =	shalt  }
0x67: {  	_ =	shalt  }
0x68: {  	_ =	shalt  }
0x69: {  	_ =	shalt  }
0x6a: {  	_ =	shalt  }
0x6b: {  	_ =	shalt  }
0x6c: {  	_ =	shalt  }
0x6d: {  	_ =	shalt  }
0x6e: {  	_ =	shalt  }
0x6f: {  	_ =	shalt  }
0x70: {  	_ =	shalt  }
0x71: {  	_ =	shalt  }
0x72: {  	_ =	shalt  }
0x73: {  	_ =	shalt  }
0x74: {  	_ =	shalt  }
0x75: {  	_ =	shalt  }
0x76: {  	_ =	shalt  }
0x77: {  	_ =	shalt  }
0x78: {  	_ =	shalt  }
0x79: {  	_ =	shalt  }
0x7a: {  	_ =	shalt  }
0x7b: {  	_ =	shalt  }
0x7c: {  	_ =	shalt  }
0x7d: {  	_ =	shalt  }
0x7e: {  	_ =	shalt  }
0x7f: {  	_ =	shalt  }
0x80: {  	_ =	shalt  }
0x81: {  	_ =	shalt  }
0x82: {  	_ =	shalt  }
0x83: {  	_ =	shalt  }
0x84: {  	_ =	shalt  }
0x85: {  	_ =	shalt  }
0x86: {  	_ =	shalt  }
0x87: {  	_ =	shalt  }
.Lfunc_end0:
.L_simem_size_0:
called_computation.1_lowered:
.L_overlay_start_0:
0x88: {  	s2 =	sld [smem:$0x3FD9]  }
0x89: {  	s3 =	sld [smem:$0x3FFE];
	_ =	sdelay $0x1  }
0x8a: {  	s1 =	srdreg.scid  }
0x8b: {  	s0 =	sand.u32 $0x1, s1  }
0x8c: {  	s16 =	sshll.u32 s0, $0xA;
	s2 =	sadd.s32 s3, s2  }
0x8d: {  	s2 =	sadd.s32 s2, s16  }
0x8e: {  	[smem:$0x3FBD] =	sst s2  }
0x8f: {  	_ = 	snop  }
0x90: {  	(tm) =	ssettm $0x1  }
0x91: {  	s17 =	sld [smem:$0x3FFB];
	_ =	sdelay $0x3  }
0x92: {  	_ =	strace s17  }
0x93: {  	s2 =	sld [smem:$0x3FFC];
	_ =	sdelay $0x3  }
0x94: {  	_ =	strace s2  }
0x95: {  	s2 =	sld [smem:$0x3FFD];
	_ =	sdelay $0x3  }
0x96: {  	_ =	strace s2  }
0x97: {  	_ =	strace $0x8FFFFFFF  }
0x98: {  	s18 =	sld [smem:$0x3FDB];
	_ =	sdelay $0x1  }
0x99: {  	s19 =	simm.s32 $_scs_section_size  }
0x9a: {  	s4 =	simm.s32 $_size__tile_overlayer_lowered;
	s5 =	simm.s32 $_tile_overlayer_lowered  }
0x9b: {  	s22 =	simm.s32 $0x1BFF;
	s21 =	sshll.u32 s5, $0x1;
	s2 =	sadd.s32 s19, s18  }
0x9c: {  	s6 =	simm.s32 $0x0;
	s20 =	sshll.u32 s4, $0x1;
	s4 =	sadd.s32 s21, s2  }
0x9d: {  	[timem:s6], [sflag:s22] =	dma.local [hbm:s4], s20  }
0x9e: {  	_ =	swait.ge [sflag:s22], s20  }
0x9f: {  	s3 =	ssub.s32 $0x0, s20;
	[sflag:s22] =	ssyncset.done $0x0  }
0xa0: {  	[sflag:s22] =	ssyncadd.s32 s3;
	_ =	sdelay $0x1  }
0xa1: {  	s23 =	simm.s32 $0x1B8B  }
0xa2: {  	_ =	swait.ge [sflag:s23], $0x1  }
0xa3: {  	[sflag:s23] =	ssyncset.done $0x0  }
0xa4: {  	s25 =	simm.s32 $0x1B8E;
	s24 =	sld [smem:$0x3FFE];
	[sflag:s23] =	ssyncadd.s32 $0xFFFFFFFF  }
0xa5: {  	s26 =	simm.s32 $execute0_lowered;
	[smem:$0x3FD2] =	sst s25  }
0xa6: {  	s4 =	sshll.u32 s26, $0x1;
	_ =	strace $0x80000049;
	[dreg:$0x1] =	wrdreg $0xFFFFFFFF  }
0xa7: {  	s28 =	simm.s32 $_size_execute0_lowered;
	s2 =	sadd.s32 s2, s4;
	[dreg:$0x0] =	wrdreg $0x0  }
0xa8: {  	s4 =	sshll.u32 s28, $0x1;
	[dreg:$0x2] =	wrdreg s2  }
0xa9: {  	[dreg:$0x3] =	wrdreg s4  }
0xaa: {  	[dreg:$0x4] =	wrdreg $0xC0  }
0xab: {  	_ =	task [dreg:s6], $0x5FFFF  }
0xac: {  	[dreg:$0x1] =	wrdreg $0xFFFFFFFF  }
0xad: {  	[dreg:$0x0] =	wrdreg $0x60  }
0xae: {  	[dreg:$0x2] =	wrdreg s24  }
0xaf: {  	[dreg:$0x3] =	wrdreg $0xA8000  }
0xb0: {  	[dreg:$0x4] =	wrdreg $0x9  }
0xb1: {  	_ =	task.clear_ibuf [dreg:s6], $0x5FFFF;
	_ =	strace $0x90000049  }
0xb2: {  	s29 =	simm.s32 $0x9;
	_ =	strace $0x8000004B  }
0xb3: {  	_ =	swait.ge [sflag:s29], $0x1  }
0xb4: {  	[sflag:s29] =	ssyncadd.s32 $0xFFFFFFFF  }
0xb5: {  	_ =	strace $0x9000004B  }
0xb6: {  	_ =	sfence  }
0xb7: {  	s30 =	sld [smem:$0x0];
	_ =	sdelay $0x2  }
0xb8: {  	s31 =	sshll.u32 s1, $0xD;
	s1 =	sshrl.u32 s1, $0x2  }
0xb9: {  	s3 =	sand.u32 $0x4000, s31;
	s1 =	sadd.s32 s1, s30  }
0xba: {  	s0 =	sor.u32 s3, s0;
	s1 =	sshll.u32 s1, $0x11  }
0xbb: {  	s0 =	sor.u32 s1, s0  }
0xbc: {  	s0 =	sadd.s32 $0x8F2B, s0  }
0xbd: {  	[sflag:s0] =	ssyncadd.remote.s32 $0x1  }
0xbe: {  	_ =	sfence.sel $0xFFFF  }
0xbf: {  	[dreg:$0x0] =	wrdreg $0xFFFFFFFF;
	(pc) =	sbr.abs _section_cstart, $3  }
0xc0: {  	[dreg:$0x1] =	wrdreg $0xFFFFFFFF  }
0xc1: {  	_ =	task.clear_ibuf [dreg:s6], $0x2FFFF;
	_ =	strace $0x9FFFFFFF  }
0xc2: {  	(tm) =	ssettm $0x7FFFFFFF  }
0xc3: {  	_ =	shalt  }
tec
execute0_lowered:
.L_overlay_start_1:
0x0: {  	(tag) =	ssettag $0x1  }
0x1: {  	s0 =	srdreg.scid;
	s5 =	rddreg [dreg:$0x0]  }
0x2: {  	s2 =	rddreg [dreg:$0x1];
	s1 =	stileid.u32;
	s3 =	simm.s32 $0x0  }
0x3: {  	s12 =	simm.s32 $0x1400;
	s13 =	simm.s32 $0x80;
	s14 =	simm.s32 $0x2800  }
0x4: {  	s15 =	simm.s32 $0x6800;
	s16 =	simm.s32 $0x1;
	s17 =	simm.s32 $0x2  }
0x5: {  	s18 =	simm.s32 $0x2700;
	s6 =	sand.u32 $0x1, s0;
	s0 =	rddreg [dreg:$0x2]  }
0x6: {  	s19 =	simm.s32 $0x2780;
	[smem:$0x7FF] =	sst s3;
	s10 =	smul.u32 $0x50000, s1  }
0x7: {  	s11 =	sadd.s32 $0x8E200, s5;
	s22 =	smul.u32 $0x2800, s1;
	s31 =	sshll.u32 s1, $0x6  }
0x8: {  	s4 =	sshll.u32 s6, $0x4;
	_ =	strace $0x8000004A;
	s8 =	smul.u32 $0x28000, s6  }
0x9: {  	s9 =	ssub.s32 $0x2, s6;
	p0 =	seq.s32 s6, $0x0;
	s4 =	sor.u32 s1, s4  }
0xa: {  	s29 =	sshrl.u32 s9, $0x1;
	s30 =	sshrl.u32 s10, $0x2;
	s7 =	smul.u32 $0x500, s4  }
0xb: {  	s4 =	sadd.s32 $0x66200, s5;
	s8 =	sadd.s32 s8, s5;
	s9 =	ssub.s32 s9, s29  }
0xc: {  	s10 =	sadd.s32 s30, s2;
	s23 =	sadd.s32 $0xB6200, s8;
	s11 =	smov.u32 @p0 s4  }
0xd: {  	s10 =	sshrl.u32 s10, $0x3;
	s7 =	sadd.s32 s7, s5;
	s8 =	sadd.s32 s11, s22  }
0xe: {  	s11 =	simm.s32 $0x3;
	s22 =	sadd.s32 s22, s23;
	s23 =	simm.s32 $0x0  }
0xf: {  	s5 =	sadd.s32 $0xC200, s7;
	s6 =	sadd.s32 $0x2200, s7;
	s7 =	smax.u32 s9, $0x1  }
0x10: {  	s9 =	sor.u32 $0x1C03, s31;
	s20 =	sadd.s32 $0x280, s5;
	s21 =	sadd.s32 $0x280, s6  }
.LBB2_1:
0x11: {  	[spmem:s10], [sflag:s9] =	dma.local [hbm:s8], $0x2800  }
0x12: {  	_ =	swait.ge [sflag:s11], $0x2800  }
0x13: {  	[sflag:s11] =	ssyncset.done $0x0  }
0x14: {  	[sflag:s11] =	ssyncadd.s32 $0xFFFFD800  }
0x15: {  	[bflag:$0x0] =	sbarrier.arrive $0xFFFF  }
0x16: {  	[tilespmem:s3], [sflag:$0x3] =	stream.linear.gather [hbm4b:s5+s3], $0x1400, $0x38;
	[tilespmem:$0x1E800] =	vst v63  }
0x17: {  	_ =	swait.ge [sflag:s11], $0x1400  }
0x18: {  	[sflag:s11] =	ssyncset.done $0x0  }
0x19: {  	[sflag:s11] =	ssyncadd.s32 $0xFFFFEC00  }
0x1a: {  	[tilespmem:s12], [sflag:$0x3] =	stream.linear.gather [hbm4b:s6+s3], $0x1400, $0x38;
	[tilespmem:$0x1E800] =	vst v63  }
0x1b: {  	_ =	swait.ge [sflag:s11], $0x1400  }
0x1c: {  	[sflag:s11] =	ssyncset.done $0x0  }
0x1d: {  	[sflag:s11] =	ssyncadd.s32 $0xFFFFEC00  }
0x1e: {  	[tilespmem:s14], [sflag:$0x1] =	stream.indirect.gather [hbm4b:s4+s13], $0x80, s3, s13, $0xb8;
	[tilespmem:$0x1E800] =	vst v63  }
0x1f: {  	_ = 	snop  }
0x20: {  	[tilespmem:s15], [sflag:$0x2] =	stream.indirect.gather [hbm4b:s4+s13], $0x80, s13, s13, $0xb8;
	[tilespmem:$0x1E800] =	vst v63  }
0x21: {  	_ =	swait.ge [sflag:s16], $0x4000  }
0x22: {  	[sflag:s16] =	ssyncset.done $0x0  }
0x23: {  	s24 =	simm.s32 $0x1400;
	[sflag:s16] =	ssyncadd.s32 $0xFFFFC000  }
0x24: {  	[spmem:s2] =	stream.indirect.scatter.add.f32 [tilespmem:s14], [sflag:$0x3], $0x80, s24, s13, $0xb8;
	[tilespmem:$0x1E800] =	vst v63  }
0x25: {  	_ =	swait.ge [sflag:s11], $0x4000  }
0x26: {  	[sflag:s11] =	ssyncset.done $0x0  }
0x27: {  	s30 =	simm.s32 $0x100;
	[sflag:s11] =	ssyncadd.s32 $0xFFFFC000  }
0x28: {  	[tilespmem:s14], [sflag:$0x1] =	stream.indirect.gather [hbm4b:s4+s13], $0x80, s30, s13, $0xb8;
	[tilespmem:$0x1E800] =	vst v63  }
0x29: {  	_ =	swait.ge [sflag:s17], $0x4000  }
0x2a: {  	[sflag:s17] =	ssyncset.done $0x0  }
0x2b: {  	s31 =	simm.s32 $0x1480;
	[sflag:s17] =	ssyncadd.s32 $0xFFFFC000  }
0x2c: {  	[spmem:s2] =	stream.indirect.scatter.add.f32 [tilespmem:s15], [sflag:$0x3], $0x80, s31, s13, $0xb8;
	[tilespmem:$0x1E800] =	vst v63  }
0x2d: {  	_ =	swait.ge [sflag:s11], $0x4000  }
0x2e: {  	[sflag:s11] =	ssyncset.done $0x0  }
0x2f: {  	s25 =	simm.s32 $0x180;
	s24 =	simm.s32 $0x400;
	[sflag:s11] =	ssyncadd.s32 $0xFFFFC000  }
.LBB2_2:
0x30: {  	[tilespmem:s15], [sflag:$0x2] =	stream.indirect.gather [hbm4b:s4+s13], $0x80, s25, s13, $0xb8;
	[tilespmem:$0x1E800] =	vst v63  }
0x31: {  	s25 =	smov.u32 s24  }
0x32: {  	p0 =	sne.s32 s24, $0x4800;
	s24 =	sadd.s32 $0x400, s24;
	_ =	swait.ge [sflag:s16], $0x4000  }
0x33: {  	s25 =	sshra.s32 s25, $0x2;
	[sflag:s16] =	ssyncset.done $0x0  }
0x34: {  	s26 =	sadd.s32 $0x1400, s25;
	[sflag:s16] =	ssyncadd.s32 $0xFFFFC000  }
0x35: {  	[spmem:s2] =	stream.indirect.scatter.add.f32 [tilespmem:s14], [sflag:$0x3], $0x80, s26, s13, $0xb8;
	[tilespmem:$0x1E800] =	vst v63  }
0x36: {  	_ =	swait.ge [sflag:s11], $0x4000  }
0x37: {  	[sflag:s11] =	ssyncset.done $0x0  }
0x38: {  	s26 =	sadd.s32 $0x100, s25;
	[sflag:s11] =	ssyncadd.s32 $0xFFFFC000  }
0x39: {  	[tilespmem:s14], [sflag:$0x1] =	stream.indirect.gather [hbm4b:s4+s13], $0x80, s26, s13, $0xb8;
	[tilespmem:$0x1E800] =	vst v63  }
0x3a: {  	_ =	swait.ge [sflag:s17], $0x4000  }
0x3b: {  	[sflag:s17] =	ssyncset.done $0x0  }
.Ltmp0:
0x3c: {  	s26 =	sadd.s32 $0x1480, s25;
	[sflag:s17] =	ssyncadd.s32 $0xFFFFC000;
	(pc) =	sbr.rel @p0 .LBB2_2-.Ltmp0, $4  }
0x3d: {  	[spmem:s2] =	stream.indirect.scatter.add.f32 [tilespmem:s15], [sflag:$0x3], $0x80, s26, s13, $0xb8;
	[tilespmem:$0x1E800] =	vst v63  }
0x3e: {  	_ =	swait.ge [sflag:s11], $0x4000  }
0x3f: {  	[sflag:s11] =	ssyncset.done $0x0  }
0x40: {  	s25 =	sadd.s32 $0x180, s25;
	[sflag:s11] =	ssyncadd.s32 $0xFFFFC000  }
0x41: {  	[tilespmem:s15], [sflag:$0x2] =	stream.indirect.gather [hbm4b:s4+s13], $0x80, s25, s13, $0xb8;
	[tilespmem:$0x1E800] =	vst v63  }
0x42: {  	_ =	swait.ge [sflag:s16], $0x4000  }
0x43: {  	[sflag:s16] =	ssyncset.done $0x0  }
0x44: {  	[sflag:s16] =	ssyncadd.s32 $0xFFFFC000  }
0x45: {  	[spmem:s2] =	stream.indirect.scatter.add.f32 [tilespmem:s14], [sflag:$0x3], $0x80, s18, s13, $0xb8;
	[tilespmem:$0x1E800] =	vst v63  }
0x46: {  	_ =	swait.ge [sflag:s11], $0x4000  }
0x47: {  	[sflag:s11] =	ssyncset.done $0x0  }
0x48: {  	[sflag:s11] =	ssyncadd.s32 $0xFFFFC000  }
0x49: {  	_ =	swait.ge [sflag:s17], $0x4000  }
0x4a: {  	[sflag:s17] =	ssyncset.done $0x0  }
0x4b: {  	[sflag:s17] =	ssyncadd.s32 $0xFFFFC000  }
0x4c: {  	[spmem:s2] =	stream.indirect.scatter.add.f32 [tilespmem:s15], [sflag:$0x3], $0x80, s19, s13, $0xb8;
	[tilespmem:$0x1E800] =	vst v63  }
0x4d: {  	_ =	swait.ge [sflag:s11], $0x4000  }
0x4e: {  	[sflag:s11] =	ssyncset.done $0x0  }
0x4f: {  	s24 =	simm.s32 $0x0;
	[sflag:s11] =	ssyncadd.s32 $0xFFFFC000  }
0x50: {  	[tilespmem:s24], [sflag:$0x3] =	stream.linear.gather [hbm4b:s20+s24], $0x1400, $0x38;
	[tilespmem:$0x1E800] =	vst v63  }
0x51: {  	_ =	swait.ge [sflag:s11], $0x1400  }
0x52: {  	[sflag:s11] =	ssyncset.done $0x0  }
0x53: {  	[sflag:s11] =	ssyncadd.s32 $0xFFFFEC00  }
0x54: {  	[tilespmem:s12], [sflag:$0x3] =	stream.linear.gather [hbm4b:s21+s24], $0x1400, $0x38;
	[tilespmem:$0x1E800] =	vst v63  }
0x55: {  	_ =	swait.ge [sflag:s11], $0x1400  }
0x56: {  	[sflag:s11] =	ssyncset.done $0x0  }
0x57: {  	[sflag:s11] =	ssyncadd.s32 $0xFFFFEC00  }
0x58: {  	[tilespmem:s14], [sflag:$0x1] =	stream.indirect.gather [hbm4b:s4+s13], $0x80, s24, s13, $0xb8;
	[tilespmem:$0x1E800] =	vst v63  }
0x59: {  	_ = 	snop  }
0x5a: {  	[tilespmem:s15], [sflag:$0x2] =	stream.indirect.gather [hbm4b:s4+s13], $0x80, s13, s13, $0xb8;
	[tilespmem:$0x1E800] =	vst v63  }
0x5b: {  	_ =	swait.ge [sflag:s16], $0x4000  }
0x5c: {  	[sflag:s16] =	ssyncset.done $0x0  }
0x5d: {  	s29 =	simm.s32 $0x1400;
	[sflag:s16] =	ssyncadd.s32 $0xFFFFC000  }
0x5e: {  	[spmem:s2] =	stream.indirect.scatter.add.f32 [tilespmem:s14], [sflag:$0x3], $0x80, s29, s13, $0xb8;
	[tilespmem:$0x1E800] =	vst v63  }
0x5f: {  	_ =	swait.ge [sflag:s11], $0x4000  }
0x60: {  	[sflag:s11] =	ssyncset.done $0x0  }
0x61: {  	s30 =	simm.s32 $0x100;
	[sflag:s11] =	ssyncadd.s32 $0xFFFFC000  }
0x62: {  	[tilespmem:s14], [sflag:$0x1] =	stream.indirect.gather [hbm4b:s4+s13], $0x80, s30, s13, $0xb8;
	[tilespmem:$0x1E800] =	vst v63  }
0x63: {  	_ =	swait.ge [sflag:s17], $0x4000  }
0x64: {  	[sflag:s17] =	ssyncset.done $0x0  }
0x65: {  	s31 =	simm.s32 $0x1480;
	[sflag:s17] =	ssyncadd.s32 $0xFFFFC000  }
0x66: {  	[spmem:s2] =	stream.indirect.scatter.add.f32 [tilespmem:s15], [sflag:$0x3], $0x80, s31, s13, $0xb8;
	[tilespmem:$0x1E800] =	vst v63  }
0x67: {  	_ =	swait.ge [sflag:s11], $0x4000  }
0x68: {  	[sflag:s11] =	ssyncset.done $0x0  }
0x69: {  	s25 =	simm.s32 $0x180;
	s24 =	simm.s32 $0x400;
	[sflag:s11] =	ssyncadd.s32 $0xFFFFC000  }
.LBB2_4:
0x6a: {  	[tilespmem:s15], [sflag:$0x2] =	stream.indirect.gather [hbm4b:s4+s13], $0x80, s25, s13, $0xb8;
	[tilespmem:$0x1E800] =	vst v63  }
0x6b: {  	s25 =	smov.u32 s24  }
0x6c: {  	p0 =	sne.s32 s24, $0x4800;
	s24 =	sadd.s32 $0x400, s24;
	_ =	swait.ge [sflag:s16], $0x4000  }
0x6d: {  	s25 =	sshra.s32 s25, $0x2;
	[sflag:s16] =	ssyncset.done $0x0  }
0x6e: {  	s26 =	sadd.s32 $0x1400, s25;
	[sflag:s16] =	ssyncadd.s32 $0xFFFFC000  }
0x6f: {  	[spmem:s2] =	stream.indirect.scatter.add.f32 [tilespmem:s14], [sflag:$0x3], $0x80, s26, s13, $0xb8;
	[tilespmem:$0x1E800] =	vst v63  }
0x70: {  	_ =	swait.ge [sflag:s11], $0x4000  }
0x71: {  	[sflag:s11] =	ssyncset.done $0x0  }
0x72: {  	s26 =	sadd.s32 $0x100, s25;
	[sflag:s11] =	ssyncadd.s32 $0xFFFFC000  }
0x73: {  	[tilespmem:s14], [sflag:$0x1] =	stream.indirect.gather [hbm4b:s4+s13], $0x80, s26, s13, $0xb8;
	[tilespmem:$0x1E800] =	vst v63  }
0x74: {  	_ =	swait.ge [sflag:s17], $0x4000  }
0x75: {  	[sflag:s17] =	ssyncset.done $0x0  }
.Ltmp1:
0x76: {  	s26 =	sadd.s32 $0x1480, s25;
	[sflag:s17] =	ssyncadd.s32 $0xFFFFC000;
	(pc) =	sbr.rel @p0 .LBB2_4-.Ltmp1, $4  }
0x77: {  	[spmem:s2] =	stream.indirect.scatter.add.f32 [tilespmem:s15], [sflag:$0x3], $0x80, s26, s13, $0xb8;
	[tilespmem:$0x1E800] =	vst v63  }
0x78: {  	_ =	swait.ge [sflag:s11], $0x4000  }
0x79: {  	[sflag:s11] =	ssyncset.done $0x0  }
0x7a: {  	s25 =	sadd.s32 $0x180, s25;
	[sflag:s11] =	ssyncadd.s32 $0xFFFFC000  }
0x7b: {  	[tilespmem:s15], [sflag:$0x2] =	stream.indirect.gather [hbm4b:s4+s13], $0x80, s25, s13, $0xb8;
	[tilespmem:$0x1E800] =	vst v63  }
0x7c: {  	_ =	swait.ge [sflag:s16], $0x4000  }
0x7d: {  	[sflag:s16] =	ssyncset.done $0x0  }
0x7e: {  	[sflag:s16] =	ssyncadd.s32 $0xFFFFC000  }
0x7f: {  	[spmem:s2] =	stream.indirect.scatter.add.f32 [tilespmem:s14], [sflag:$0x3], $0x80, s18, s13, $0xb8;
	[tilespmem:$0x1E800] =	vst v63  }
0x80: {  	_ =	swait.ge [sflag:s11], $0x4000  }
0x81: {  	[sflag:s11] =	ssyncset.done $0x0  }
0x82: {  	[sflag:s11] =	ssyncadd.s32 $0xFFFFC000  }
0x83: {  	_ =	swait.ge [sflag:s17], $0x4000  }
0x84: {  	[sflag:s17] =	ssyncset.done $0x0  }
0x85: {  	[sflag:s17] =	ssyncadd.s32 $0xFFFFC000  }
0x86: {  	[spmem:s2] =	stream.indirect.scatter.add.f32 [tilespmem:s15], [sflag:$0x3], $0x80, s19, s13, $0xb8;
	[tilespmem:$0x1E800] =	vst v63  }
0x87: {  	_ =	swait.ge [sflag:s11], $0x4000  }
0x88: {  	s23 =	sadd.s32 $0x1, s23;
	[sflag:s11] =	ssyncset.done $0x0  }
0x89: {  	p0 =	sne.s32 s23, s7;
	[sflag:s11] =	ssyncadd.s32 $0xFFFFC000  }
.Ltmp2:
0x8a: {  	[bflag:$0x0] =	sbarrier.arrive $0xFFFF;
	(pc) =	sbr.rel @p0 .LBB2_1-.Ltmp2, $4  }
0x8b: {  	[hbm:s22], [sflag:s9] =	dma.local [spmem:s10], $0x2800  }
0x8c: {  	_ =	swait.ge [sflag:s11], $0x2800  }
0x8d: {  	[sflag:s11] =	ssyncset.done $0x0  }
0x8e: {  	[sflag:s11] =	ssyncadd.s32 $0xFFFFD800  }
0x8f: {  	_ =	sfence.sel $0x180000  }
0x90: {  	[bflag:$0x0] =	sbarrier.arrive $0xFFFF  }
0x91: {  	p0 =	sne.s32 s1, $0x0;
	_ =	strace $0x9000004A  }
0x92: {  	s0 =	sadd.s32 @!p0 $0x100000, s0;
	[bflag:$0x2] =	sbarrier.arrive $0xFFFF  }
0x93: {  	[sflag:s0] =	ssyncadd.tile.s32 @!p0 $0x1;
	_ =	shalt  }
.Lfunc_end2:
_tile_overlayer_lowered:
.L_overlay_start_2:
0x94: {  	(tag) =	ssettag $0x2  }
0x95: {  	s0 =	rddreg [dreg:$0x0];
	s2 =	stileid.u32  }
0x96: {  	s1 =	rddreg [dreg:$0x1];
	p0 =	sne.s32 s2, $0x0  }
0x97: {  	s3 =	rddreg [dreg:$0x2];
	[bflag:$0x3] =	sbarrier.arrive $0xFFFF;
	s2 =	simm.s32 @!p0 $0x1C03  }
0x98: {  	[timem:s3], [sflag:s2] =	dma.local @!p0 [hbm:s0], s1  }
0x99: {  	s0 =	simm.s32 @!p0 $0x3  }
0x9a: {  	_ =	swait.ge @!p0 [sflag:s0], s1  }
0x9b: {  	s1 =	ssub.s32 @!p0 $0x0, s1;
	[sflag:s0] =	ssyncset.done @!p0 $0x0  }
0x9c: {  	[sflag:s0] =	ssyncadd.s32 @!p0 s1  }
0x9d: {  	[bflag:$0x3] =	sbarrier.arrive $0xFFFF  }
0x9e: {  	_ =	shalt  }

// kernel: kernel.16.cloned.1.call-start
scs
__scs_entry_jumppad:
0x0: {  	(pc) =	sbr.rel $0x88, $3  }
0x1: {  	(tag) =	ssettag $0x0;
	lr =	simm.s32 $0x1  }
0x2: {  	[smem:$0x3F96] =	sst lr;
	_ =	strace $0xD0000000  }
0x3: {  	_ = 	snop  }
0x4: {  	_ = 	snop  }
0x5: {  	_ = 	snop  }
0x6: {  	_ = 	snop  }
0x7: {  	_ = 	snop  }
__scs_overlays_trampoline_lowered:
0x8: {  	[smem:$0x3FA5] =	sst s0  }
0x9: {  	[smem:$0x3FA6] =	sst s1  }
0xa: {  	[smem:$0x3FA7] =	sst s2  }
0xb: {  	[smem:$0x3FA8] =	sst s3  }
0xc: {  	[smem:$0x3FA9] =	sst s4  }
0xd: {  	[smem:$0x3FAA] =	sst s5  }
0xe: {  	[smem:$0x3FAB] =	sst s6  }
0xf: {  	[smem:$0x3FAC] =	sst s7  }
0x10: {  	[smem:$0x3FAD] =	sst s8  }
0x11: {  	[smem:$0x3FAE] =	sst s9;
	s0 =	simm.s32 @!p0 $0x0  }
0x12: {  	s1 =	sld [smem:$0x3F94];
	s0 =	simm.s32 @p0 $0x1  }
0x13: {  	[smem:$0x3FAF] =	sst s0;
	s0 =	simm.s32 @!p1 $0x0  }
0x14: {  	s2 =	sld [smem:$0x3F93];
	s0 =	simm.s32 @p1 $0x1  }
0x15: {  	[smem:$0x3FB0] =	sst s0;
	s0 =	simm.s32 @!p2 $0x0  }
0x16: {  	s3 =	sld [smem:$0x3FDB];
	s0 =	simm.s32 @p2 $0x1  }
0x17: {  	s4 =	simm.s32 $0x1BF5;
	[smem:$0x3FB2] =	sst s0  }
0x18: {  	s0 =	sld [smem:$0x3F95];
	_ =	swait.ge [sflag:s4], $0x0  }
0x19: {  	s7 =	sld [smem:$0x3F96]  }
0x1a: {  	s8 =	sadd.s32 $0xFFFFE003, lr  }
0x1b: {  	s9 =	sadd.s32 $0xFFFFFEF7, lr;
	s5 =	simm.s32 $0xFFFFFFFF;
	p2 =	slt.u32 s8, $0xFFFFF086  }
0x1c: {  	p1 =	slt.u32 s9, $0xF7A;
	s5 =	simm.s32 @!p2 $0x0  }
0x1d: {  	s5 =	simm.s32 @p1 $0x1;
	p0 =	seq.s32 s7, s2  }
0x1e: {  	s7 =	smul.u32 @!p0 $0xF7A, s2;
	p2 =	seq.s32 @!p0 s5, $0x0  }
0x1f: {  	s9 =	smul.u32 $0xF7A, s1;
	s8 =	simm.s32 @!p0 $0x1BF5;
	p2 =	por !p2, p0  }
0x20: {  	[sflag:s8] =	ssyncset.s32 @!p0 $0xFFFFF086;
	s6 =	sadd.s32 @!p0 s3, s7;
	s7 =	simm.s32 @!p0 $0x108  }
0x21: {  	s3 =	sadd.s32 s3, s9;
	s6 =	sadd.s32 @!p0 $0x88, s6;
	s7 =	simm.s32 @p2 $0x1082  }
0x22: {  	[simem:s7], [sflag:s8] =	dma.local @!p0 [hbm:s6], $0xF7A  }
0x23: {  	s9 =	sor.u32 $0xD0000000, s2;
	s6 =	simm.s32 $0x108;
	_ =	swait.ge @!p0 [sflag:s8], $0x0  }
0x24: {  	s3 =	sadd.s32 $0x88, s3;
	s6 =	simm.s32 @!p1 $0x1082;
	[sflag:s4] =	ssyncset.s32 $0xFFFFF086  }
0x25: {  	[simem:s6], [sflag:s4] =	dma.local [hbm:s3], $0xF7A  }
0x26: {  	[smem:$0x3F96] =	sst s1;
	(tag) =	ssettag s2;
	_ =	strace s9  }
0x27: {  	s1 =	sld [smem:$0x3FA6]  }
0x28: {  	s2 =	sld [smem:$0x3FA7]  }
0x29: {  	s4 =	sld [smem:$0x3FA9]  }
0x2a: {  	p0 =	seq.s32 s5, $0x0;
	s5 =	sld [smem:$0x3FAA]  }
0x2b: {  	s6 =	sld [smem:$0x3FAB]  }
0x2c: {  	s7 =	sld [smem:$0x3FAC]  }
0x2d: {  	s3 =	simm.s32 $0x108;
	s8 =	sld [smem:$0x3FAD]  }
0x2e: {  	s3 =	simm.s32 @!p0 $0x1082;
	s9 =	sld [smem:$0x3FAE]  }
0x2f: {  	lr =	sadd.s32 s0, s3;
	s0 =	sld [smem:$0x3FA5]  }
0x30: {  	s3 =	sld [smem:$0x3FA8]  }
0x31: {  	[smem:$0x3FB1] =	sst s10  }
0x32: {  	s10 =	sld [smem:$0x3FAF];
	_ =	sdelay $0x3  }
0x33: {  	p0 =	seq.s32 s10, $0x1;
	s10 =	sld [smem:$0x3FB1];
	_ =	sdelay $0x3  }
0x34: {  	[smem:$0x3FB1] =	sst s10  }
0x35: {  	s10 =	sld [smem:$0x3FB0];
	_ =	sdelay $0x3  }
0x36: {  	p1 =	seq.s32 s10, $0x1;
	s10 =	sld [smem:$0x3FB1];
	_ =	sdelay $0x3  }
0x37: {  	[smem:$0x3FB1] =	sst s10  }
0x38: {  	s10 =	sld [smem:$0x3FB2]  }
0x39: {  	_ = 	snop;
	(pc) =	sbr.ind lr, $3  }
0x3a: {  	_ = 	snop  }
0x3b: {  	_ = 	snop  }
0x3c: {  	p2 =	seq.s32 s10, $0x1;
	s10 =	sld [smem:$0x3FB1]  }
0x3d: {  	_ =	shalt  }
0x3e: {  	_ =	shalt  }
0x3f: {  	_ =	shalt  }
0x40: {  	_ =	shalt  }
0x41: {  	_ =	shalt  }
0x42: {  	_ =	shalt  }
0x43: {  	_ =	shalt  }
0x44: {  	_ =	shalt  }
0x45: {  	_ =	shalt  }
0x46: {  	_ =	shalt  }
0x47: {  	_ =	shalt  }
0x48: {  	_ =	shalt  }
0x49: {  	_ =	shalt  }
0x4a: {  	_ =	shalt  }
0x4b: {  	_ =	shalt  }
0x4c: {  	_ =	shalt  }
0x4d: {  	_ =	shalt  }
0x4e: {  	_ =	shalt  }
0x4f: {  	_ =	shalt  }
0x50: {  	_ =	shalt  }
0x51: {  	_ =	shalt  }
0x52: {  	_ =	shalt  }
0x53: {  	_ =	shalt  }
0x54: {  	_ =	shalt  }
0x55: {  	_ =	shalt  }
0x56: {  	_ =	shalt  }
0x57: {  	_ =	shalt  }
0x58: {  	_ =	shalt  }
0x59: {  	_ =	shalt  }
0x5a: {  	_ =	shalt  }
0x5b: {  	_ =	shalt  }
0x5c: {  	_ =	shalt  }
0x5d: {  	_ =	shalt  }
0x5e: {  	_ =	shalt  }
0x5f: {  	_ =	shalt  }
0x60: {  	_ =	shalt  }
0x61: {  	_ =	shalt  }
0x62: {  	_ =	shalt  }
0x63: {  	_ =	shalt  }
0x64: {  	_ =	shalt  }
0x65: {  	_ =	shalt  }
0x66: {  	_ =	shalt  }
0x67: {  	_ =	shalt  }
0x68: {  	_ =	shalt  }
0x69: {  	_ =	shalt  }
0x6a: {  	_ =	shalt  }
0x6b: {  	_ =	shalt  }
0x6c: {  	_ =	shalt  }
0x6d: {  	_ =	shalt  }
0x6e: {  	_ =	shalt  }
0x6f: {  	_ =	shalt  }
0x70: {  	_ =	shalt  }
0x71: {  	_ =	shalt  }
0x72: {  	_ =	shalt  }
0x73: {  	_ =	shalt  }
0x74: {  	_ =	shalt  }
0x75: {  	_ =	shalt  }
0x76: {  	_ =	shalt  }
0x77: {  	_ =	shalt  }
0x78: {  	_ =	shalt  }
0x79: {  	_ =	shalt  }
0x7a: {  	_ =	shalt  }
0x7b: {  	_ =	shalt  }
0x7c: {  	_ =	shalt  }
0x7d: {  	_ =	shalt  }
0x7e: {  	_ =	shalt  }
0x7f: {  	_ =	shalt  }
0x80: {  	_ =	shalt  }
0x81: {  	_ =	shalt  }
0x82: {  	_ =	shalt  }
0x83: {  	_ =	shalt  }
0x84: {  	_ =	shalt  }
0x85: {  	_ =	shalt  }
0x86: {  	_ =	shalt  }
0x87: {  	_ =	shalt  }
.Lfunc_end0:
.L_simem_size_0:
called_computation.2_lowered:
.L_overlay_start_0:
0x88: {  	s2 =	sld [smem:$0x3FD9]  }
0x89: {  	s3 =	sld [smem:$0x3FFE];
	_ =	sdelay $0x1  }
0x8a: {  	s1 =	srdreg.scid  }
0x8b: {  	s0 =	sand.u32 $0x1, s1  }
0x8c: {  	s16 =	sshll.u32 s0, $0xA;
	s2 =	sadd.s32 s3, s2  }
0x8d: {  	s2 =	sadd.s32 s2, s16  }
0x8e: {  	[smem:$0x3FBD] =	sst s2  }
0x8f: {  	_ = 	snop  }
0x90: {  	(tm) =	ssettm $0x1  }
0x91: {  	s17 =	sld [smem:$0x3FFB];
	_ =	sdelay $0x3  }
0x92: {  	_ =	strace s17  }
0x93: {  	s2 =	sld [smem:$0x3FFC];
	_ =	sdelay $0x3  }
0x94: {  	_ =	strace s2  }
0x95: {  	s2 =	sld [smem:$0x3FFD];
	_ =	sdelay $0x3  }
0x96: {  	_ =	strace s2  }
0x97: {  	_ =	strace $0x8FFFFFFF  }
0x98: {  	s18 =	sld [smem:$0x3FDB];
	_ =	sdelay $0x1  }
0x99: {  	s19 =	simm.s32 $_scs_section_size  }
0x9a: {  	s4 =	simm.s32 $_size__tile_overlayer_lowered;
	s5 =	simm.s32 $_tile_overlayer_lowered  }
0x9b: {  	s22 =	simm.s32 $0x1BFF;
	s21 =	sshll.u32 s5, $0x1;
	s2 =	sadd.s32 s19, s18  }
0x9c: {  	s6 =	simm.s32 $0x0;
	s20 =	sshll.u32 s4, $0x1;
	s4 =	sadd.s32 s21, s2  }
0x9d: {  	[timem:s6], [sflag:s22] =	dma.local [hbm:s4], s20  }
0x9e: {  	_ =	swait.ge [sflag:s22], s20  }
0x9f: {  	s3 =	ssub.s32 $0x0, s20;
	[sflag:s22] =	ssyncset.done $0x0  }
0xa0: {  	[sflag:s22] =	ssyncadd.s32 s3;
	_ =	sdelay $0x1  }
0xa1: {  	s23 =	simm.s32 $0x1B8B  }
0xa2: {  	_ =	swait.ge [sflag:s23], $0x1  }
0xa3: {  	[sflag:s23] =	ssyncset.done $0x0  }
0xa4: {  	s25 =	simm.s32 $0x1B8E;
	s24 =	sld [smem:$0x3FFE];
	[sflag:s23] =	ssyncadd.s32 $0xFFFFFFFF  }
0xa5: {  	s26 =	simm.s32 $execute0_lowered;
	[smem:$0x3FD2] =	sst s25  }
0xa6: {  	s4 =	sshll.u32 s26, $0x1;
	_ =	strace $0x8000004C;
	[dreg:$0x1] =	wrdreg $0xFFFFFFFF  }
0xa7: {  	s28 =	simm.s32 $_size_execute0_lowered;
	s2 =	sadd.s32 s2, s4;
	[dreg:$0x0] =	wrdreg $0x0  }
0xa8: {  	s4 =	sshll.u32 s28, $0x1;
	[dreg:$0x2] =	wrdreg s2  }
0xa9: {  	[dreg:$0x3] =	wrdreg s4  }
0xaa: {  	[dreg:$0x4] =	wrdreg $0xC0  }
0xab: {  	_ =	task [dreg:s6], $0x5FFFF  }
0xac: {  	[dreg:$0x1] =	wrdreg $0xFFFFFFFF  }
0xad: {  	[dreg:$0x0] =	wrdreg $0x60  }
0xae: {  	[dreg:$0x2] =	wrdreg s24  }
0xaf: {  	[dreg:$0x3] =	wrdreg $0xA8000  }
0xb0: {  	[dreg:$0x4] =	wrdreg $0x9  }
0xb1: {  	_ =	task.clear_ibuf [dreg:s6], $0x5FFFF;
	_ =	strace $0x9000004C  }
0xb2: {  	s29 =	simm.s32 $0x9;
	_ =	strace $0x8000004E  }
0xb3: {  	_ =	swait.ge [sflag:s29], $0x1  }
0xb4: {  	[sflag:s29] =	ssyncadd.s32 $0xFFFFFFFF  }
0xb5: {  	_ =	strace $0x9000004E  }
0xb6: {  	_ =	sfence  }
0xb7: {  	s30 =	sld [smem:$0x0];
	_ =	sdelay $0x2  }
0xb8: {  	s31 =	sshll.u32 s1, $0xD;
	s1 =	sshrl.u32 s1, $0x2  }
0xb9: {  	s3 =	sand.u32 $0x4000, s31;
	s1 =	sadd.s32 s1, s30  }
0xba: {  	s0 =	sor.u32 s3, s0;
	s1 =	sshll.u32 s1, $0x11  }
0xbb: {  	s0 =	sor.u32 s1, s0  }
0xbc: {  	s0 =	sadd.s32 $0x8F2B, s0  }
0xbd: {  	[sflag:s0] =	ssyncadd.remote.s32 $0x1  }
0xbe: {  	_ =	sfence.sel $0xFFFF  }
0xbf: {  	[dreg:$0x0] =	wrdreg $0xFFFFFFFF;
	(pc) =	sbr.abs _section_cstart, $3  }
0xc0: {  	[dreg:$0x1] =	wrdreg $0xFFFFFFFF  }
0xc1: {  	_ =	task.clear_ibuf [dreg:s6], $0x2FFFF;
	_ =	strace $0x9FFFFFFF  }
0xc2: {  	(tm) =	ssettm $0x7FFFFFFF  }
0xc3: {  	_ =	shalt  }
tec
execute0_lowered:
.L_overlay_start_1:
0x0: {  	(tag) =	ssettag $0x1  }
0x1: {  	s0 =	srdreg.scid;
	s5 =	rddreg [dreg:$0x0]  }
0x2: {  	s2 =	rddreg [dreg:$0x1];
	s1 =	stileid.u32;
	s3 =	simm.s32 $0x0  }
0x3: {  	s12 =	simm.s32 $0x1400;
	s13 =	simm.s32 $0x80;
	s14 =	simm.s32 $0x2800  }
0x4: {  	s15 =	simm.s32 $0x6800;
	s16 =	simm.s32 $0x1;
	s17 =	simm.s32 $0x2  }
0x5: {  	s18 =	simm.s32 $0x2700;
	s6 =	sand.u32 $0x1, s0;
	s0 =	rddreg [dreg:$0x2]  }
0x6: {  	s19 =	simm.s32 $0x2780;
	[smem:$0x7FF] =	sst s3;
	s10 =	smul.u32 $0x50000, s1  }
0x7: {  	s11 =	sadd.s32 $0x8E200, s5;
	s22 =	smul.u32 $0x2800, s1;
	s31 =	sshll.u32 s1, $0x6  }
0x8: {  	s4 =	sshll.u32 s6, $0x4;
	_ =	strace $0x8000004D;
	s8 =	smul.u32 $0x28000, s6  }
0x9: {  	s9 =	ssub.s32 $0x2, s6;
	p0 =	seq.s32 s6, $0x0;
	s4 =	sor.u32 s1, s4  }
0xa: {  	s29 =	sshrl.u32 s9, $0x1;
	s30 =	sshrl.u32 s10, $0x2;
	s7 =	smul.u32 $0x500, s4  }
0xb: {  	s4 =	sadd.s32 $0x66200, s5;
	s8 =	sadd.s32 s8, s5;
	s9 =	ssub.s32 s9, s29  }
0xc: {  	s10 =	sadd.s32 s30, s2;
	s23 =	sadd.s32 $0xB6200, s8;
	s11 =	smov.u32 @p0 s4  }
0xd: {  	s10 =	sshrl.u32 s10, $0x3;
	s7 =	sadd.s32 s7, s5;
	s8 =	sadd.s32 s11, s22  }
0xe: {  	s11 =	simm.s32 $0x3;
	s22 =	sadd.s32 s22, s23;
	s23 =	simm.s32 $0x0  }
0xf: {  	s5 =	sadd.s32 $0xC200, s7;
	s6 =	sadd.s32 $0x2200, s7;
	s7 =	smax.u32 s9, $0x1  }
0x10: {  	s9 =	sor.u32 $0x1C03, s31;
	s20 =	sadd.s32 $0x280, s5;
	s21 =	sadd.s32 $0x280, s6  }
.LBB2_1:
0x11: {  	[spmem:s10], [sflag:s9] =	dma.local [hbm:s8], $0x2800  }
0x12: {  	_ =	swait.ge [sflag:s11], $0x2800  }
0x13: {  	[sflag:s11] =	ssyncset.done $0x0  }
0x14: {  	[sflag:s11] =	ssyncadd.s32 $0xFFFFD800  }
0x15: {  	[bflag:$0x0] =	sbarrier.arrive $0xFFFF  }
0x16: {  	[tilespmem:s3], [sflag:$0x3] =	stream.linear.gather [hbm4b:s5+s3], $0x1400, $0x38;
	[tilespmem:$0x1E800] =	vst v63  }
0x17: {  	_ =	swait.ge [sflag:s11], $0x1400  }
0x18: {  	[sflag:s11] =	ssyncset.done $0x0  }
0x19: {  	[sflag:s11] =	ssyncadd.s32 $0xFFFFEC00  }
0x1a: {  	[tilespmem:s12], [sflag:$0x3] =	stream.linear.gather [hbm4b:s6+s3], $0x1400, $0x38;
	[tilespmem:$0x1E800] =	vst v63  }
0x1b: {  	_ =	swait.ge [sflag:s11], $0x1400  }
0x1c: {  	[sflag:s11] =	ssyncset.done $0x0  }
0x1d: {  	[sflag:s11] =	ssyncadd.s32 $0xFFFFEC00  }
0x1e: {  	[tilespmem:s14], [sflag:$0x1] =	stream.indirect.gather [hbm4b:s4+s13], $0x80, s3, s13, $0xb8;
	[tilespmem:$0x1E800] =	vst v63  }
0x1f: {  	_ = 	snop  }
0x20: {  	[tilespmem:s15], [sflag:$0x2] =	stream.indirect.gather [hbm4b:s4+s13], $0x80, s13, s13, $0xb8;
	[tilespmem:$0x1E800] =	vst v63  }
0x21: {  	_ =	swait.ge [sflag:s16], $0x4000  }
0x22: {  	[sflag:s16] =	ssyncset.done $0x0  }
0x23: {  	s24 =	simm.s32 $0x1400;
	[sflag:s16] =	ssyncadd.s32 $0xFFFFC000  }
0x24: {  	[spmem:s2] =	stream.indirect.scatter.add.f32 [tilespmem:s14], [sflag:$0x3], $0x80, s24, s13, $0xb8;
	[tilespmem:$0x1E800] =	vst v63  }
0x25: {  	_ =	swait.ge [sflag:s11], $0x4000  }
0x26: {  	[sflag:s11] =	ssyncset.done $0x0  }
0x27: {  	s30 =	simm.s32 $0x100;
	[sflag:s11] =	ssyncadd.s32 $0xFFFFC000  }
0x28: {  	[tilespmem:s14], [sflag:$0x1] =	stream.indirect.gather [hbm4b:s4+s13], $0x80, s30, s13, $0xb8;
	[tilespmem:$0x1E800] =	vst v63  }
0x29: {  	_ =	swait.ge [sflag:s17], $0x4000  }
0x2a: {  	[sflag:s17] =	ssyncset.done $0x0  }
0x2b: {  	s31 =	simm.s32 $0x1480;
	[sflag:s17] =	ssyncadd.s32 $0xFFFFC000  }
0x2c: {  	[spmem:s2] =	stream.indirect.scatter.add.f32 [tilespmem:s15], [sflag:$0x3], $0x80, s31, s13, $0xb8;
	[tilespmem:$0x1E800] =	vst v63  }
0x2d: {  	_ =	swait.ge [sflag:s11], $0x4000  }
0x2e: {  	[sflag:s11] =	ssyncset.done $0x0  }
0x2f: {  	s25 =	simm.s32 $0x180;
	s24 =	simm.s32 $0x400;
	[sflag:s11] =	ssyncadd.s32 $0xFFFFC000  }
.LBB2_2:
0x30: {  	[tilespmem:s15], [sflag:$0x2] =	stream.indirect.gather [hbm4b:s4+s13], $0x80, s25, s13, $0xb8;
	[tilespmem:$0x1E800] =	vst v63  }
0x31: {  	s25 =	smov.u32 s24  }
0x32: {  	p0 =	sne.s32 s24, $0x4800;
	s24 =	sadd.s32 $0x400, s24;
	_ =	swait.ge [sflag:s16], $0x4000  }
0x33: {  	s25 =	sshra.s32 s25, $0x2;
	[sflag:s16] =	ssyncset.done $0x0  }
0x34: {  	s26 =	sadd.s32 $0x1400, s25;
	[sflag:s16] =	ssyncadd.s32 $0xFFFFC000  }
0x35: {  	[spmem:s2] =	stream.indirect.scatter.add.f32 [tilespmem:s14], [sflag:$0x3], $0x80, s26, s13, $0xb8;
	[tilespmem:$0x1E800] =	vst v63  }
0x36: {  	_ =	swait.ge [sflag:s11], $0x4000  }
0x37: {  	[sflag:s11] =	ssyncset.done $0x0  }
0x38: {  	s26 =	sadd.s32 $0x100, s25;
	[sflag:s11] =	ssyncadd.s32 $0xFFFFC000  }
0x39: {  	[tilespmem:s14], [sflag:$0x1] =	stream.indirect.gather [hbm4b:s4+s13], $0x80, s26, s13, $0xb8;
	[tilespmem:$0x1E800] =	vst v63  }
0x3a: {  	_ =	swait.ge [sflag:s17], $0x4000  }
0x3b: {  	[sflag:s17] =	ssyncset.done $0x0  }
.Ltmp0:
0x3c: {  	s26 =	sadd.s32 $0x1480, s25;
	[sflag:s17] =	ssyncadd.s32 $0xFFFFC000;
	(pc) =	sbr.rel @p0 .LBB2_2-.Ltmp0, $4  }
0x3d: {  	[spmem:s2] =	stream.indirect.scatter.add.f32 [tilespmem:s15], [sflag:$0x3], $0x80, s26, s13, $0xb8;
	[tilespmem:$0x1E800] =	vst v63  }
0x3e: {  	_ =	swait.ge [sflag:s11], $0x4000  }
0x3f: {  	[sflag:s11] =	ssyncset.done $0x0  }
0x40: {  	s25 =	sadd.s32 $0x180, s25;
	[sflag:s11] =	ssyncadd.s32 $0xFFFFC000  }
0x41: {  	[tilespmem:s15], [sflag:$0x2] =	stream.indirect.gather [hbm4b:s4+s13], $0x80, s25, s13, $0xb8;
	[tilespmem:$0x1E800] =	vst v63  }
0x42: {  	_ =	swait.ge [sflag:s16], $0x4000  }
0x43: {  	[sflag:s16] =	ssyncset.done $0x0  }
0x44: {  	[sflag:s16] =	ssyncadd.s32 $0xFFFFC000  }
0x45: {  	[spmem:s2] =	stream.indirect.scatter.add.f32 [tilespmem:s14], [sflag:$0x3], $0x80, s18, s13, $0xb8;
	[tilespmem:$0x1E800] =	vst v63  }
0x46: {  	_ =	swait.ge [sflag:s11], $0x4000  }
0x47: {  	[sflag:s11] =	ssyncset.done $0x0  }
0x48: {  	[sflag:s11] =	ssyncadd.s32 $0xFFFFC000  }
0x49: {  	_ =	swait.ge [sflag:s17], $0x4000  }
0x4a: {  	[sflag:s17] =	ssyncset.done $0x0  }
0x4b: {  	[sflag:s17] =	ssyncadd.s32 $0xFFFFC000  }
0x4c: {  	[spmem:s2] =	stream.indirect.scatter.add.f32 [tilespmem:s15], [sflag:$0x3], $0x80, s19, s13, $0xb8;
	[tilespmem:$0x1E800] =	vst v63  }
0x4d: {  	_ =	swait.ge [sflag:s11], $0x4000  }
0x4e: {  	[sflag:s11] =	ssyncset.done $0x0  }
0x4f: {  	s24 =	simm.s32 $0x0;
	[sflag:s11] =	ssyncadd.s32 $0xFFFFC000  }
0x50: {  	[tilespmem:s24], [sflag:$0x3] =	stream.linear.gather [hbm4b:s20+s24], $0x1400, $0x38;
	[tilespmem:$0x1E800] =	vst v63  }
0x51: {  	_ =	swait.ge [sflag:s11], $0x1400  }
0x52: {  	[sflag:s11] =	ssyncset.done $0x0  }
0x53: {  	[sflag:s11] =	ssyncadd.s32 $0xFFFFEC00  }
0x54: {  	[tilespmem:s12], [sflag:$0x3] =	stream.linear.gather [hbm4b:s21+s24], $0x1400, $0x38;
	[tilespmem:$0x1E800] =	vst v63  }
0x55: {  	_ =	swait.ge [sflag:s11], $0x1400  }
0x56: {  	[sflag:s11] =	ssyncset.done $0x0  }
0x57: {  	[sflag:s11] =	ssyncadd.s32 $0xFFFFEC00  }
0x58: {  	[tilespmem:s14], [sflag:$0x1] =	stream.indirect.gather [hbm4b:s4+s13], $0x80, s24, s13, $0xb8;
	[tilespmem:$0x1E800] =	vst v63  }
0x59: {  	_ = 	snop  }
0x5a: {  	[tilespmem:s15], [sflag:$0x2] =	stream.indirect.gather [hbm4b:s4+s13], $0x80, s13, s13, $0xb8;
	[tilespmem:$0x1E800] =	vst v63  }
0x5b: {  	_ =	swait.ge [sflag:s16], $0x4000  }
0x5c: {  	[sflag:s16] =	ssyncset.done $0x0  }
0x5d: {  	s29 =	simm.s32 $0x1400;
	[sflag:s16] =	ssyncadd.s32 $0xFFFFC000  }
0x5e: {  	[spmem:s2] =	stream.indirect.scatter.add.f32 [tilespmem:s14], [sflag:$0x3], $0x80, s29, s13, $0xb8;
	[tilespmem:$0x1E800] =	vst v63  }
0x5f: {  	_ =	swait.ge [sflag:s11], $0x4000  }
0x60: {  	[sflag:s11] =	ssyncset.done $0x0  }
0x61: {  	s30 =	simm.s32 $0x100;
	[sflag:s11] =	ssyncadd.s32 $0xFFFFC000  }
0x62: {  	[tilespmem:s14], [sflag:$0x1] =	stream.indirect.gather [hbm4b:s4+s13], $0x80, s30, s13, $0xb8;
	[tilespmem:$0x1E800] =	vst v63  }
0x63: {  	_ =	swait.ge [sflag:s17], $0x4000  }
0x64: {  	[sflag:s17] =	ssyncset.done $0x0  }
0x65: {  	s31 =	simm.s32 $0x1480;
	[sflag:s17] =	ssyncadd.s32 $0xFFFFC000  }
0x66: {  	[spmem:s2] =	stream.indirect.scatter.add.f32 [tilespmem:s15], [sflag:$0x3], $0x80, s31, s13, $0xb8;
	[tilespmem:$0x1E800] =	vst v63  }
0x67: {  	_ =	swait.ge [sflag:s11], $0x4000  }
0x68: {  	[sflag:s11] =	ssyncset.done $0x0  }
0x69: {  	s25 =	simm.s32 $0x180;
	s24 =	simm.s32 $0x400;
	[sflag:s11] =	ssyncadd.s32 $0xFFFFC000  }
.LBB2_4:
0x6a: {  	[tilespmem:s15], [sflag:$0x2] =	stream.indirect.gather [hbm4b:s4+s13], $0x80, s25, s13, $0xb8;
	[tilespmem:$0x1E800] =	vst v63  }
0x6b: {  	s25 =	smov.u32 s24  }
0x6c: {  	p0 =	sne.s32 s24, $0x4800;
	s24 =	sadd.s32 $0x400, s24;
	_ =	swait.ge [sflag:s16], $0x4000  }
0x6d: {  	s25 =	sshra.s32 s25, $0x2;
	[sflag:s16] =	ssyncset.done $0x0  }
0x6e: {  	s26 =	sadd.s32 $0x1400, s25;
	[sflag:s16] =	ssyncadd.s32 $0xFFFFC000  }
0x6f: {  	[spmem:s2] =	stream.indirect.scatter.add.f32 [tilespmem:s14], [sflag:$0x3], $0x80, s26, s13, $0xb8;
	[tilespmem:$0x1E800] =	vst v63  }
0x70: {  	_ =	swait.ge [sflag:s11], $0x4000  }
0x71: {  	[sflag:s11] =	ssyncset.done $0x0  }
0x72: {  	s26 =	sadd.s32 $0x100, s25;
	[sflag:s11] =	ssyncadd.s32 $0xFFFFC000  }
0x73: {  	[tilespmem:s14], [sflag:$0x1] =	stream.indirect.gather [hbm4b:s4+s13], $0x80, s26, s13, $0xb8;
	[tilespmem:$0x1E800] =	vst v63  }
0x74: {  	_ =	swait.ge [sflag:s17], $0x4000  }
0x75: {  	[sflag:s17] =	ssyncset.done $0x0  }
.Ltmp1:
0x76: {  	s26 =	sadd.s32 $0x1480, s25;
	[sflag:s17] =	ssyncadd.s32 $0xFFFFC000;
	(pc) =	sbr.rel @p0 .LBB2_4-.Ltmp1, $4  }
0x77: {  	[spmem:s2] =	stream.indirect.scatter.add.f32 [tilespmem:s15], [sflag:$0x3], $0x80, s26, s13, $0xb8;
	[tilespmem:$0x1E800] =	vst v63  }
0x78: {  	_ =	swait.ge [sflag:s11], $0x4000  }
0x79: {  	[sflag:s11] =	ssyncset.done $0x0  }
0x7a: {  	s25 =	sadd.s32 $0x180, s25;
	[sflag:s11] =	ssyncadd.s32 $0xFFFFC000  }
0x7b: {  	[tilespmem:s15], [sflag:$0x2] =	stream.indirect.gather [hbm4b:s4+s13], $0x80, s25, s13, $0xb8;
	[tilespmem:$0x1E800] =	vst v63  }
0x7c: {  	_ =	swait.ge [sflag:s16], $0x4000  }
0x7d: {  	[sflag:s16] =	ssyncset.done $0x0  }
0x7e: {  	[sflag:s16] =	ssyncadd.s32 $0xFFFFC000  }
0x7f: {  	[spmem:s2] =	stream.indirect.scatter.add.f32 [tilespmem:s14], [sflag:$0x3], $0x80, s18, s13, $0xb8;
	[tilespmem:$0x1E800] =	vst v63  }
0x80: {  	_ =	swait.ge [sflag:s11], $0x4000  }
0x81: {  	[sflag:s11] =	ssyncset.done $0x0  }
0x82: {  	[sflag:s11] =	ssyncadd.s32 $0xFFFFC000  }
0x83: {  	_ =	swait.ge [sflag:s17], $0x4000  }
0x84: {  	[sflag:s17] =	ssyncset.done $0x0  }
0x85: {  	[sflag:s17] =	ssyncadd.s32 $0xFFFFC000  }
0x86: {  	[spmem:s2] =	stream.indirect.scatter.add.f32 [tilespmem:s15], [sflag:$0x3], $0x80, s19, s13, $0xb8;
	[tilespmem:$0x1E800] =	vst v63  }
0x87: {  	_ =	swait.ge [sflag:s11], $0x4000  }
0x88: {  	s23 =	sadd.s32 $0x1, s23;
	[sflag:s11] =	ssyncset.done $0x0  }
0x89: {  	p0 =	sne.s32 s23, s7;
	[sflag:s11] =	ssyncadd.s32 $0xFFFFC000  }
.Ltmp2:
0x8a: {  	[bflag:$0x0] =	sbarrier.arrive $0xFFFF;
	(pc) =	sbr.rel @p0 .LBB2_1-.Ltmp2, $4  }
0x8b: {  	[hbm:s22], [sflag:s9] =	dma.local [spmem:s10], $0x2800  }
0x8c: {  	_ =	swait.ge [sflag:s11], $0x2800  }
0x8d: {  	[sflag:s11] =	ssyncset.done $0x0  }
0x8e: {  	[sflag:s11] =	ssyncadd.s32 $0xFFFFD800  }
0x8f: {  	_ =	sfence.sel $0x180000  }
0x90: {  	[bflag:$0x0] =	sbarrier.arrive $0xFFFF  }
0x91: {  	p0 =	sne.s32 s1, $0x0;
	_ =	strace $0x9000004D  }
0x92: {  	s0 =	sadd.s32 @!p0 $0x100000, s0;
	[bflag:$0x2] =	sbarrier.arrive $0xFFFF  }
0x93: {  	[sflag:s0] =	ssyncadd.tile.s32 @!p0 $0x1;
	_ =	shalt  }
.Lfunc_end2:
_tile_overlayer_lowered:
.L_overlay_start_2:
0x94: {  	(tag) =	ssettag $0x2  }
0x95: {  	s0 =	rddreg [dreg:$0x0];
	s2 =	stileid.u32  }
0x96: {  	s1 =	rddreg [dreg:$0x1];
	p0 =	sne.s32 s2, $0x0  }
0x97: {  	s3 =	rddreg [dreg:$0x2];
	[bflag:$0x3] =	sbarrier.arrive $0xFFFF;
	s2 =	simm.s32 @!p0 $0x1C03  }
0x98: {  	[timem:s3], [sflag:s2] =	dma.local @!p0 [hbm:s0], s1  }
0x99: {  	s0 =	simm.s32 @!p0 $0x3  }
0x9a: {  	_ =	swait.ge @!p0 [sflag:s0], s1  }
0x9b: {  	s1 =	ssub.s32 @!p0 $0x0, s1;
	[sflag:s0] =	ssyncset.done @!p0 $0x0  }
0x9c: {  	[sflag:s0] =	ssyncadd.s32 @!p0 s1  }
0x9d: {  	[bflag:$0x3] =	sbarrier.arrive $0xFFFF  }
0x9e: {  	_ =	shalt  }

// kernel: kernel.19.cloned.1.call-start
scs
__scs_entry_jumppad:
0x0: {  	(pc) =	sbr.rel $0x88, $3  }
0x1: {  	(tag) =	ssettag $0x0;
	lr =	simm.s32 $0x1  }
0x2: {  	[smem:$0x3F96] =	sst lr;
	_ =	strace $0xD0000000  }
0x3: {  	_ = 	snop  }
0x4: {  	_ = 	snop  }
0x5: {  	_ = 	snop  }
0x6: {  	_ = 	snop  }
0x7: {  	_ = 	snop  }
__scs_overlays_trampoline_lowered:
0x8: {  	[smem:$0x3FA5] =	sst s0  }
0x9: {  	[smem:$0x3FA6] =	sst s1  }
0xa: {  	[smem:$0x3FA7] =	sst s2  }
0xb: {  	[smem:$0x3FA8] =	sst s3  }
0xc: {  	[smem:$0x3FA9] =	sst s4  }
0xd: {  	[smem:$0x3FAA] =	sst s5  }
0xe: {  	[smem:$0x3FAB] =	sst s6  }
0xf: {  	[smem:$0x3FAC] =	sst s7  }
0x10: {  	[smem:$0x3FAD] =	sst s8  }
0x11: {  	[smem:$0x3FAE] =	sst s9;
	s0 =	simm.s32 @!p0 $0x0  }
0x12: {  	s1 =	sld [smem:$0x3F94];
	s0 =	simm.s32 @p0 $0x1  }
0x13: {  	[smem:$0x3FAF] =	sst s0;
	s0 =	simm.s32 @!p1 $0x0  }
0x14: {  	s2 =	sld [smem:$0x3F93];
	s0 =	simm.s32 @p1 $0x1  }
0x15: {  	[smem:$0x3FB0] =	sst s0;
	s0 =	simm.s32 @!p2 $0x0  }
0x16: {  	s3 =	sld [smem:$0x3FDB];
	s0 =	simm.s32 @p2 $0x1  }
0x17: {  	s4 =	simm.s32 $0x1BF5;
	[smem:$0x3FB2] =	sst s0  }
0x18: {  	s0 =	sld [smem:$0x3F95];
	_ =	swait.ge [sflag:s4], $0x0  }
0x19: {  	s7 =	sld [smem:$0x3F96]  }
0x1a: {  	s8 =	sadd.s32 $0xFFFFE003, lr  }
0x1b: {  	s9 =	sadd.s32 $0xFFFFFEF7, lr;
	s5 =	simm.s32 $0xFFFFFFFF;
	p2 =	slt.u32 s8, $0xFFFFF086  }
0x1c: {  	p1 =	slt.u32 s9, $0xF7A;
	s5 =	simm.s32 @!p2 $0x0  }
0x1d: {  	s5 =	simm.s32 @p1 $0x1;
	p0 =	seq.s32 s7, s2  }
0x1e: {  	s7 =	smul.u32 @!p0 $0xF7A, s2;
	p2 =	seq.s32 @!p0 s5, $0x0  }
0x1f: {  	s9 =	smul.u32 $0xF7A, s1;
	s8 =	simm.s32 @!p0 $0x1BF5;
	p2 =	por !p2, p0  }
0x20: {  	[sflag:s8] =	ssyncset.s32 @!p0 $0xFFFFF086;
	s6 =	sadd.s32 @!p0 s3, s7;
	s7 =	simm.s32 @!p0 $0x108  }
0x21: {  	s3 =	sadd.s32 s3, s9;
	s6 =	sadd.s32 @!p0 $0x88, s6;
	s7 =	simm.s32 @p2 $0x1082  }
0x22: {  	[simem:s7], [sflag:s8] =	dma.local @!p0 [hbm:s6], $0xF7A  }
0x23: {  	s9 =	sor.u32 $0xD0000000, s2;
	s6 =	simm.s32 $0x108;
	_ =	swait.ge @!p0 [sflag:s8], $0x0  }
0x24: {  	s3 =	sadd.s32 $0x88, s3;
	s6 =	simm.s32 @!p1 $0x1082;
	[sflag:s4] =	ssyncset.s32 $0xFFFFF086  }
0x25: {  	[simem:s6], [sflag:s4] =	dma.local [hbm:s3], $0xF7A  }
0x26: {  	[smem:$0x3F96] =	sst s1;
	(tag) =	ssettag s2;
	_ =	strace s9  }
0x27: {  	s1 =	sld [smem:$0x3FA6]  }
0x28: {  	s2 =	sld [smem:$0x3FA7]  }
0x29: {  	s4 =	sld [smem:$0x3FA9]  }
0x2a: {  	p0 =	seq.s32 s5, $0x0;
	s5 =	sld [smem:$0x3FAA]  }
0x2b: {  	s6 =	sld [smem:$0x3FAB]  }
0x2c: {  	s7 =	sld [smem:$0x3FAC]  }
0x2d: {  	s3 =	simm.s32 $0x108;
	s8 =	sld [smem:$0x3FAD]  }
0x2e: {  	s3 =	simm.s32 @!p0 $0x1082;
	s9 =	sld [smem:$0x3FAE]  }
0x2f: {  	lr =	sadd.s32 s0, s3;
	s0 =	sld [smem:$0x3FA5]  }
0x30: {  	s3 =	sld [smem:$0x3FA8]  }
0x31: {  	[smem:$0x3FB1] =	sst s10  }
0x32: {  	s10 =	sld [smem:$0x3FAF];
	_ =	sdelay $0x3  }
0x33: {  	p0 =	seq.s32 s10, $0x1;
	s10 =	sld [smem:$0x3FB1];
	_ =	sdelay $0x3  }
0x34: {  	[smem:$0x3FB1] =	sst s10  }
0x35: {  	s10 =	sld [smem:$0x3FB0];
	_ =	sdelay $0x3  }
0x36: {  	p1 =	seq.s32 s10, $0x1;
	s10 =	sld [smem:$0x3FB1];
	_ =	sdelay $0x3  }
0x37: {  	[smem:$0x3FB1] =	sst s10  }
0x38: {  	s10 =	sld [smem:$0x3FB2]  }
0x39: {  	_ = 	snop;
	(pc) =	sbr.ind lr, $3  }
0x3a: {  	_ = 	snop  }
0x3b: {  	_ = 	snop  }
0x3c: {  	p2 =	seq.s32 s10, $0x1;
	s10 =	sld [smem:$0x3FB1]  }
0x3d: {  	_ =	shalt  }
0x3e: {  	_ =	shalt  }
0x3f: {  	_ =	shalt  }
0x40: {  	_ =	shalt  }
0x41: {  	_ =	shalt  }
0x42: {  	_ =	shalt  }
0x43: {  	_ =	shalt  }
0x44: {  	_ =	shalt  }
0x45: {  	_ =	shalt  }
0x46: {  	_ =	shalt  }
0x47: {  	_ =	shalt  }
0x48: {  	_ =	shalt  }
0x49: {  	_ =	shalt  }
0x4a: {  	_ =	shalt  }
0x4b: {  	_ =	shalt  }
0x4c: {  	_ =	shalt  }
0x4d: {  	_ =	shalt  }
0x4e: {  	_ =	shalt  }
0x4f: {  	_ =	shalt  }
0x50: {  	_ =	shalt  }
0x51: {  	_ =	shalt  }
0x52: {  	_ =	shalt  }
0x53: {  	_ =	shalt  }
0x54: {  	_ =	shalt  }
0x55: {  	_ =	shalt  }
0x56: {  	_ =	shalt  }
0x57: {  	_ =	shalt  }
0x58: {  	_ =	shalt  }
0x59: {  	_ =	shalt  }
0x5a: {  	_ =	shalt  }
0x5b: {  	_ =	shalt  }
0x5c: {  	_ =	shalt  }
0x5d: {  	_ =	shalt  }
0x5e: {  	_ =	shalt  }
0x5f: {  	_ =	shalt  }
0x60: {  	_ =	shalt  }
0x61: {  	_ =	shalt  }
0x62: {  	_ =	shalt  }
0x63: {  	_ =	shalt  }
0x64: {  	_ =	shalt  }
0x65: {  	_ =	shalt  }
0x66: {  	_ =	shalt  }
0x67: {  	_ =	shalt  }
0x68: {  	_ =	shalt  }
0x69: {  	_ =	shalt  }
0x6a: {  	_ =	shalt  }
0x6b: {  	_ =	shalt  }
0x6c: {  	_ =	shalt  }
0x6d: {  	_ =	shalt  }
0x6e: {  	_ =	shalt  }
0x6f: {  	_ =	shalt  }
0x70: {  	_ =	shalt  }
0x71: {  	_ =	shalt  }
0x72: {  	_ =	shalt  }
0x73: {  	_ =	shalt  }
0x74: {  	_ =	shalt  }
0x75: {  	_ =	shalt  }
0x76: {  	_ =	shalt  }
0x77: {  	_ =	shalt  }
0x78: {  	_ =	shalt  }
0x79: {  	_ =	shalt  }
0x7a: {  	_ =	shalt  }
0x7b: {  	_ =	shalt  }
0x7c: {  	_ =	shalt  }
0x7d: {  	_ =	shalt  }
0x7e: {  	_ =	shalt  }
0x7f: {  	_ =	shalt  }
0x80: {  	_ =	shalt  }
0x81: {  	_ =	shalt  }
0x82: {  	_ =	shalt  }
0x83: {  	_ =	shalt  }
0x84: {  	_ =	shalt  }
0x85: {  	_ =	shalt  }
0x86: {  	_ =	shalt  }
0x87: {  	_ =	shalt  }
.Lfunc_end0:
.L_simem_size_0:
called_computation.3_lowered:
.L_overlay_start_0:
0x88: {  	s2 =	sld [smem:$0x3FD9]  }
0x89: {  	s3 =	sld [smem:$0x3FFE];
	_ =	sdelay $0x1  }
0x8a: {  	s1 =	srdreg.scid  }
0x8b: {  	s0 =	sand.u32 $0x1, s1  }
0x8c: {  	s17 =	sshll.u32 s0, $0xA;
	s2 =	sadd.s32 s3, s2  }
0x8d: {  	s2 =	sadd.s32 s2, s17  }
0x8e: {  	[smem:$0x3FBD] =	sst s2  }
0x8f: {  	_ = 	snop  }
0x90: {  	s2 =	sld [smem:$0x3FC1]  }
0x91: {  	s18 =	sld [smem:$0x3FC0];
	(tm) =	ssettm $0x1  }
0x92: {  	s4 =	sld [smem:$0x3FFB];
	_ =	sdelay $0x3  }
0x93: {  	_ =	strace s4  }
0x94: {  	s4 =	sld [smem:$0x3FFC];
	_ =	sdelay $0x3  }
0x95: {  	_ =	strace s4  }
0x96: {  	s4 =	sld [smem:$0x3FFD];
	_ =	sdelay $0x3  }
0x97: {  	_ =	strace s4  }
0x98: {  	_ =	strace $0x8FFFFFFF  }
0x99: {  	s19 =	sld [smem:$0x3FDB];
	_ =	sdelay $0x1  }
0x9a: {  	s5 =	simm.s32 $_scs_section_size  }
0x9b: {  	s6 =	simm.s32 $_size__tile_overlayer_lowered;
	s7 =	simm.s32 $_tile_overlayer_lowered  }
0x9c: {  	s22 =	simm.s32 $0x1BFF;
	s21 =	sshll.u32 s7, $0x1;
	s4 =	sadd.s32 s5, s19  }
0x9d: {  	s8 =	simm.s32 $0x0;
	s20 =	sshll.u32 s6, $0x1;
	s6 =	sadd.s32 s21, s4  }
0x9e: {  	[timem:s8], [sflag:s22] =	dma.local [hbm:s6], s20  }
0x9f: {  	_ =	swait.ge [sflag:s22], s20  }
0xa0: {  	s5 =	ssub.s32 $0x0, s20;
	[sflag:s22] =	ssyncset.done $0x0  }
0xa1: {  	[sflag:s22] =	ssyncadd.s32 s5;
	_ =	sdelay $0x1  }
0xa2: {  	s23 =	simm.s32 $0x1B8B  }
0xa3: {  	_ =	swait.ge [sflag:s23], $0x1  }
0xa4: {  	[sflag:s23] =	ssyncset.done $0x0  }
0xa5: {  	s25 =	simm.s32 $0x1B8E;
	s24 =	sld [smem:$0x3FFE];
	[sflag:s23] =	ssyncadd.s32 $0xFFFFFFFF  }
0xa6: {  	s26 =	simm.s32 $execute0_lowered;
	[smem:$0x3FD2] =	sst s25  }
0xa7: {  	s6 =	sshll.u32 s26, $0x1;
	_ =	strace $0x8000004F;
	[dreg:$0x1] =	wrdreg $0xFFFFFFFF  }
0xa8: {  	s28 =	simm.s32 $_size_execute0_lowered;
	s4 =	sadd.s32 s4, s6;
	[dreg:$0x0] =	wrdreg $0x0  }
0xa9: {  	s6 =	sshll.u32 s28, $0x1;
	[dreg:$0x2] =	wrdreg s4  }
0xaa: {  	[dreg:$0x3] =	wrdreg s6  }
0xab: {  	[dreg:$0x4] =	wrdreg $0xC0  }
0xac: {  	_ =	task [dreg:s8], $0x5FFFF  }
0xad: {  	[dreg:$0x1] =	wrdreg $0xFFFFFFFF  }
0xae: {  	[dreg:$0x0] =	wrdreg $0x60  }
0xaf: {  	[dreg:$0x2] =	wrdreg s24  }
0xb0: {  	[dreg:$0x3] =	wrdreg s2  }
0xb1: {  	[dreg:$0x4] =	wrdreg s18  }
0xb2: {  	[dreg:$0x5] =	wrdreg $0x9  }
0xb3: {  	_ =	task.clear_ibuf [dreg:s8], $0x6FFFF;
	_ =	strace $0x9000004F  }
0xb4: {  	s29 =	simm.s32 $0x9;
	_ =	strace $0x80000051  }
0xb5: {  	_ =	swait.ge [sflag:s29], $0x1  }
0xb6: {  	[sflag:s29] =	ssyncadd.s32 $0xFFFFFFFF  }
0xb7: {  	_ =	strace $0x90000051  }
0xb8: {  	_ =	sfence  }
0xb9: {  	s30 =	sld [smem:$0x0];
	_ =	sdelay $0x2  }
0xba: {  	s31 =	sshll.u32 s1, $0xD;
	s1 =	sshrl.u32 s1, $0x2  }
0xbb: {  	s3 =	sand.u32 $0x4000, s31;
	s1 =	sadd.s32 s1, s30  }
0xbc: {  	s0 =	sor.u32 s3, s0;
	s1 =	sshll.u32 s1, $0x11  }
0xbd: {  	s0 =	sor.u32 s1, s0  }
0xbe: {  	s0 =	sadd.s32 $0x8F2B, s0  }
0xbf: {  	[sflag:s0] =	ssyncadd.remote.s32 $0x1  }
0xc0: {  	_ =	sfence.sel $0xFFFF  }
0xc1: {  	[dreg:$0x0] =	wrdreg $0xFFFFFFFF;
	(pc) =	sbr.abs _section_cstart, $3  }
0xc2: {  	[dreg:$0x1] =	wrdreg $0xFFFFFFFF  }
0xc3: {  	_ =	task.clear_ibuf [dreg:s8], $0x2FFFF;
	_ =	strace $0x9FFFFFFF  }
0xc4: {  	(tm) =	ssettm $0x7FFFFFFF  }
0xc5: {  	_ =	shalt  }
tec
execute0_lowered:
.L_overlay_start_1:
0x0: {  	(tag) =	ssettag $0x1  }
0x1: {  	s0 =	rddreg [dreg:$0x0];
	s1 =	srdreg.scid  }
0x2: {  	s4 =	simm.s32 $0x0;
	s3 =	stileid.u32;
	s13 =	simm.s32 $0x5  }
0x3: {  	s14 =	simm.s32 $0x1000;
	s15 =	simm.s32 $0x1A000;
	s16 =	simm.s32 $0x1A080  }
0x4: {  	s17 =	simm.s32 $0x80;
	s18 =	simm.s32 $0x2000;
	s19 =	simm.s32 $0xA000  }
0x5: {  	s20 =	simm.s32 $0x6000;
	s21 =	simm.s32 $0x1080;
	s22 =	simm.s32 $0xE000  }
0x6: {  	s23 =	simm.s32 $0x1;
	s24 =	simm.s32 $0x12000;
	s25 =	simm.s32 $0x2  }
0x7: {  	s26 =	simm.s32 $0x16000;
	s28 =	simm.s32 $0x3;
	s29 =	simm.s32 $0x4  }
0x8: {  	s30 =	simm.s32 $0x0;
	s1 =	sand.u32 $0x1, s1;
	[smem:$0x7FF] =	sst s4  }
0x9: {  	s5 =	sadd.s32 $0x2200, s0;
	s6 =	sadd.s32 $0x2A200, s0;
	s7 =	sadd.s32 $0x10E200, s0  }
.Ltmp0:
0xa: {  	s2 =	sshll.u32 s1, $0x4;
	s1 =	ssub.s32 $0x2, s1;
	(pc) =	sbr.rel .LBB2_1-.Ltmp0, $4  }
0xb: {  	_ =	strace $0x80000050;
	s2 =	sor.u32 s3, s2;
	s8 =	sshrl.u32 s1, $0x1  }
0xc: {  	s3 =	sshll.u32 s2, $0x9;
	s11 =	smul.u32 $0xD00, s2;
	s31 =	ssub.s32 s1, s8  }
0xd: {  	s10 =	smul.u32 $0x68000, s2;
	s3 =	sadd.s32 s3, s0;
	s12 =	smax.u32 s31, $0x1  }
0xe: {  	s8 =	sadd.s32 $0x10A200, s3;
	s9 =	sadd.s32 $0x106200, s3;
	s11 =	sor.u32 $0x80, s11  }
.LBB2_8:
0xf: {  	s30 =	sadd.s32 $0x1, s30  }
0x10: {  	_ =	swait.ge [sflag:s28], $0x4000;
	p0 =	sne.s32 s30, s12  }
.Ltmp1:
0x11: {  	[sflag:s28] =	ssyncset.done $0x0;
	(pc) =	sbr.rel @!p0 .LBB2_9-.Ltmp1, $4  }
0x12: {  	[sflag:s28] =	ssyncadd.s32 $0xFFFFC000  }
0x13: {  	_ =	swait.ge [sflag:s29], $0x4000  }
0x14: {  	[sflag:s29] =	ssyncset.done $0x0  }
0x15: {  	[sflag:s29] =	ssyncadd.s32 $0xFFFFC000  }
.LBB2_1:
0x16: {  	[tilespmem:s4], [sflag:$0x5] =	stream.linear.gather [hbm4b:s8+s4], $0xD00, $0x38;
	[tilespmem:$0x1A100] =	vst v63  }
0x17: {  	_ =	swait.ge [sflag:s13], $0xD00  }
0x18: {  	[sflag:s13] =	ssyncset.done $0x0  }
0x19: {  	[sflag:s13] =	ssyncadd.s32 $0xFFFFF300  }
0x1a: {  	[tilespmem:s14], [sflag:$0x5] =	stream.linear.gather [hbm4b:s9+s4], $0xD00, $0x38;
	[tilespmem:$0x1A100] =	vst v63  }
0x1b: {  	_ =	swait.ge [sflag:s13], $0xD00  }
0x1c: {  	[sflag:s13] =	ssyncset.done $0x0  }
0x1d: {  	[sflag:s13] =	ssyncadd.s32 $0xFFFFF300  }
0x1e: {  	s0 =	rddreg [dreg:$0x1]  }
0x1f: {  	[tilespmem:s15], [sflag:$0x5] =	stream.linear.gather [hbm4b:s0+s4], $0x80, $0x38;
	[tilespmem:$0x1A100] =	vst v63  }
0x20: {  	_ =	swait.ge [sflag:s13], $0x80  }
0x21: {  	[sflag:s13] =	ssyncset.done $0x0  }
0x22: {  	[sflag:s13] =	ssyncadd.s32 $0xFFFFFF80  }
0x23: {  	s3 =	rddreg [dreg:$0x2]  }
0x24: {  	[tilespmem:s16], [sflag:$0x5] =	stream.linear.gather [hbm4b:s3+s4], $0x80, $0x38;
	[tilespmem:$0x1A100] =	vst v63  }
0x25: {  	_ =	swait.ge [sflag:s13], $0x80  }
0x26: {  	[sflag:s13] =	ssyncset.done $0x0  }
0x27: {  	[sflag:s13] =	ssyncadd.s32 $0xFFFFFF80  }
0x28: {  	v0 =	vld [tilespmem:$0x1A000]  }
0x29: {  	v1 =	vld [tilespmem:$0x1A010]  }
0x2a: {  	v2 =	vld [tilespmem:$0x1A020]  }
0x2b: {  	v3 =	vld [tilespmem:$0x1A030]  }
0x2c: {  	v4 =	vld [tilespmem:$0x1A040]  }
0x2d: {  	v5 =	vld [tilespmem:$0x1A050]  }
0x2e: {  	v6 =	vld [tilespmem:$0x1A060]  }
0x2f: {  	v7 =	vld [tilespmem:$0x1A070]  }
0x30: {  	v8 =	vld [tilespmem:$0x1A080]  }
0x31: {  	v9 =	vld [tilespmem:$0x1A090]  }
0x32: {  	v10 =	vld [tilespmem:$0x1A0A0]  }
0x33: {  	v11 =	vld [tilespmem:$0x1A0B0]  }
0x34: {  	v12 =	vld [tilespmem:$0x1A0C0]  }
0x35: {  	v13 =	vld [tilespmem:$0x1A0D0]  }
0x36: {  	v14 =	vld [tilespmem:$0x1A0E0]  }
0x37: {  	v15 =	vld [tilespmem:$0x1A0F0];
	[tilespmem:s18], [sflag:$0x1] =	stream.indirect.gather [hbm4b:s5+s17], $0x80, s4, s17, $0xb8  }
0x38: {  	_ = 	snop  }
0x39: {  	[tilespmem:s19], [sflag:$0x1] =	stream.indirect.gather [hbm4b:s6+s17], $0x80, s14, s17, $0xb8;
	[tilespmem:$0x1A100] =	vst v63  }
0x3a: {  	_ = 	snop  }
0x3b: {  	[tilespmem:s20], [sflag:$0x2] =	stream.indirect.gather [hbm4b:s5+s17], $0x80, s17, s17, $0xb8;
	[tilespmem:$0x1A100] =	vst v63  }
0x3c: {  	s31 =	simm.s32 $0x0  }
0x3d: {  	[tilespmem:s22], [sflag:$0x2] =	stream.indirect.gather [hbm4b:s6+s17], $0x80, s21, s17, $0xb8;
	[tilespmem:$0x1A100] =	vst v63  }
.LBB2_2:
0x3e: {  	_ =	swait.ge [sflag:s23], $0x4000  }
0x3f: {  	[sflag:s23] =	ssyncset.done $0x0  }
0x40: {  	[sflag:s23] =	ssyncadd.s32 $0xFFFFC000  }
0x41: {  	_ =	swait.ge [sflag:s23], $0x4000  }
0x42: {  	[sflag:s23] =	ssyncset.done $0x0  }
0x43: {  	s0 =	simm.s32 $0x0;
	[sflag:s23] =	ssyncadd.s32 $0xFFFFC000  }
0x44: {  	v16 =	vld [tilespmem:s0+$0x2000]  }
0x45: {  	v17 =	vld [tilespmem:s0+$0xA000]  }
0x46: {  	v18 =	vld [tilespmem:s0+$0x2010]  }
0x47: {  	v19 =	vld [tilespmem:s0+$0xA010]  }
0x48: {  	v20 =	vld [tilespmem:s0+$0x2020]  }
0x49: {  	v21 =	vld [tilespmem:s0+$0xA020]  }
0x4a: {  	v22 =	vld [tilespmem:s0+$0xA030];
	v16 =	vadd.f32 v17, v16  }
0x4b: {  	v17 =	vld [tilespmem:s0+$0x2030]  }
0x4c: {  	v23 =	vld [tilespmem:s0+$0x2040];
	v18 =	vadd.f32 v19, v18;
	v16 =	vadd.f32 v16, v0  }
0x4d: {  	v24 =	vld [tilespmem:s0+$0xA040]  }
0x4e: {  	v26 =	vld [tilespmem:s0+$0x2050];
	v19 =	vadd.f32 v21, v20;
	v18 =	vadd.f32 v18, v1;
	v16 =	vmax.f32 v16, $0.0e+00  }
0x4f: {  	v27 =	vld [tilespmem:s0+$0xA050];
	v20 =	vmul.f32 v16, v8  }
0x50: {  	v21 =	vadd.f32 v19, v2;
	v19 =	vld [tilespmem:s0+$0xA060];
	v18 =	vmax.f32 v18, $0.0e+00;
	v17 =	vadd.f32 v22, v17  }
0x51: {  	v16 =	vld [tilespmem:s0+$0x2060];
	v18 =	vmul.f32 v18, v9;
	v20 =	vadd.f32 $0.0e+00, v20  }
0x52: {  	v23 =	vadd.f32 v24, v23;
	v22 =	vmax.f32 v21, $0.0e+00;
	v25 =	vadd.f32 v17, v3;
	v17 =	vld [tilespmem:s0+$0x2070]  }
0x53: {  	s3 =	simm.s32 $0x80;
	v22 =	vmul.f32 v22, v10;
	v21 =	vadd.f32 v18, v20;
	v20 =	vld [tilespmem:s0+$0xA070]  }
0x54: {  	s1 =	simm.s32 $0x400;
	v24 =	vadd.f32 v27, v26;
	v23 =	vadd.f32 v23, v4;
	v18 =	vld [tilespmem:s3+$0x2000];
	v25 =	vmax.f32 v25, $0.0e+00  }
.LBB2_3:
0x55: {  	p0 =	sne.s32 s1, $0xFE00;
	v26 =	vld [tilespmem:s3+$0xA000];
	v21 =	vadd.f32 v22, v21;
	v22 =	vmul.f32 v25, v11  }
0x56: {  	v25 =	vld [tilespmem:s3+$0x2010];
	v23 =	vmax.f32 v23, $0.0e+00;
	v24 =	vadd.f32 v24, v5;
	v16 =	vadd.f32 v19, v16  }
0x57: {  	v19 =	vld [tilespmem:s3+$0xA010];
	v21 =	vadd.f32 v22, v21;
	v22 =	vmul.f32 v23, v12  }
0x58: {  	v23 =	vld [tilespmem:s3+$0x2020];
	v24 =	vmax.f32 v24, $0.0e+00;
	v16 =	vadd.f32 v16, v6;
	v17 =	vadd.f32 v20, v17  }
0x59: {  	v20 =	vld [tilespmem:s3+$0xA020];
	v21 =	vadd.f32 v22, v21;
	v22 =	vmul.f32 v24, v13  }
0x5a: {  	v18 =	vadd.f32 v26, v18;
	v24 =	vld [tilespmem:s3+$0x2030];
	v16 =	vmax.f32 v16, $0.0e+00;
	v17 =	vadd.f32 v17, v7  }
0x5b: {  	v26 =	vld [tilespmem:s3+$0xA030];
	v21 =	vadd.f32 v22, v21;
	v16 =	vmul.f32 v16, v14  }
0x5c: {  	v18 =	vadd.f32 v18, v0;
	v19 =	vadd.f32 v19, v25;
	v22 =	vld [tilespmem:s3+$0x2040];
	v17 =	vmax.f32 v17, $0.0e+00  }
0x5d: {  	v25 =	vld [tilespmem:s3+$0xA040];
	v16 =	vadd.f32 v16, v21;
	v17 =	vmul.f32 v17, v15  }
0x5e: {  	v18 =	vmax.f32 v18, $0.0e+00;
	v19 =	vadd.f32 v19, v1;
	v20 =	vadd.f32 v20, v23;
	v27 =	vld [tilespmem:s3+$0x2050]  }
0x5f: {  	v18 =	vmul.f32 v18, v8;
	v28 =	vld [tilespmem:s3+$0xA050];
	v17 =	vadd.f32 v17, v16  }
.Ltmp2:
0x60: {  	v19 =	vmax.f32 v19, $0.0e+00;
	v20 =	vadd.f32 v20, v2;
	v21 =	vadd.f32 v26, v24;
	v16 =	vld [tilespmem:s3+$0x2060];
	(pc) =	sbr.rel @p0 .LBB2_3-.Ltmp2, $4  }
0x61: {  	v18 =	vadd.f32 $0.0e+00, v18;
	v23 =	vmul.f32 v19, v9;
	v19 =	vld [tilespmem:s3+$0xA060];
	[tilespmem:s0+$0x12000] =	vst v17;
	s0 =	smov.u32 s3  }
0x62: {  	v20 =	vmax.f32 v20, $0.0e+00;
	v24 =	vadd.f32 v21, v3;
	v26 =	vadd.f32 v25, v22;
	v17 =	vld [tilespmem:s0+$0x2070]  }
0x63: {  	s3 =	sshra.s32 s1, $0x2;
	v21 =	vadd.f32 v23, v18;
	v22 =	vmul.f32 v20, v10;
	v20 =	vld [tilespmem:s0+$0xA070]  }
0x64: {  	s1 =	sadd.s32 $0x200, s1;
	v18 =	vld [tilespmem:s3+$0x2000];
	v25 =	vmax.f32 v24, $0.0e+00;
	v23 =	vadd.f32 v26, v4;
	v24 =	vadd.f32 v28, v27  }
0x65: {  	v26 =	vld [tilespmem:s3+$0xA000];
	v21 =	vadd.f32 v22, v21;
	v22 =	vmul.f32 v25, v11  }
0x66: {  	v25 =	vld [tilespmem:s3+$0x2010];
	v23 =	vmax.f32 v23, $0.0e+00;
	v24 =	vadd.f32 v24, v5;
	v16 =	vadd.f32 v19, v16  }
0x67: {  	v19 =	vld [tilespmem:s3+$0xA010];
	v21 =	vadd.f32 v22, v21;
	v22 =	vmul.f32 v23, v12  }
0x68: {  	v23 =	vld [tilespmem:s3+$0x2020];
	v24 =	vmax.f32 v24, $0.0e+00;
	v16 =	vadd.f32 v16, v6;
	v17 =	vadd.f32 v20, v17  }
0x69: {  	v20 =	vld [tilespmem:s3+$0xA020];
	v21 =	vadd.f32 v22, v21;
	v22 =	vmul.f32 v24, v13  }
0x6a: {  	v24 =	vld [tilespmem:s3+$0x2030];
	v18 =	vadd.f32 v26, v18;
	v16 =	vmax.f32 v16, $0.0e+00;
	v17 =	vadd.f32 v17, v7  }
0x6b: {  	v26 =	vld [tilespmem:s3+$0xA030];
	v21 =	vadd.f32 v22, v21;
	v16 =	vmul.f32 v16, v14  }
0x6c: {  	v22 =	vld [tilespmem:s3+$0x2040];
	v19 =	vadd.f32 v19, v25;
	v18 =	vadd.f32 v18, v0;
	v17 =	vmax.f32 v17, $0.0e+00  }
0x6d: {  	v25 =	vld [tilespmem:s3+$0xA040];
	v16 =	vadd.f32 v16, v21;
	v17 =	vmul.f32 v17, v15  }
0x6e: {  	v21 =	vld [tilespmem:s3+$0x2050];
	v19 =	vadd.f32 v19, v1;
	v20 =	vadd.f32 v20, v23;
	v18 =	vmax.f32 v18, $0.0e+00  }
0x6f: {  	v23 =	vld [tilespmem:s3+$0xA050];
	v18 =	vmul.f32 v18, v8;
	v16 =	vadd.f32 v17, v16  }
0x70: {  	v17 =	vld [tilespmem:s3+$0x2060];
	v19 =	vmax.f32 v19, $0.0e+00;
	v20 =	vadd.f32 v20, v2;
	v24 =	vadd.f32 v26, v24  }
0x71: {  	v26 =	vld [tilespmem:s3+$0xA060];
	v19 =	vmul.f32 v19, v9;
	v18 =	vadd.f32 $0.0e+00, v18;
	[tilespmem:s0+$0x12000] =	vst v16  }
0x72: {  	v22 =	vadd.f32 v25, v22;
	v16 =	vmax.f32 v20, $0.0e+00;
	v20 =	vadd.f32 v24, v3;
	v24 =	vld [tilespmem:s3+$0x2070]  }
0x73: {  	v16 =	vmul.f32 v16, v10;
	v18 =	vadd.f32 v19, v18;
	v19 =	vld [tilespmem:s3+$0xA070]  }
0x74: {  	v22 =	vadd.f32 v22, v4;
	v21 =	vadd.f32 v23, v21;
	v20 =	vmax.f32 v20, $0.0e+00  }
0x75: {  	v16 =	vadd.f32 v16, v18;
	v18 =	vmul.f32 v20, v11  }
0x76: {  	v21 =	vadd.f32 v21, v5;
	v17 =	vadd.f32 v26, v17;
	v20 =	vmax.f32 v22, $0.0e+00  }
0x77: {  	v16 =	vadd.f32 v18, v16;
	v18 =	vmul.f32 v20, v12  }
0x78: {  	v17 =	vadd.f32 v17, v6;
	v20 =	vmax.f32 v21, $0.0e+00;
	v19 =	vadd.f32 v19, v24  }
0x79: {  	v16 =	vadd.f32 v18, v16;
	v18 =	vmul.f32 v20, v13  }
0x7a: {  	v17 =	vmax.f32 v17, $0.0e+00;
	v19 =	vadd.f32 v19, v7  }
0x7b: {  	v17 =	vmul.f32 v17, v14;
	v16 =	vadd.f32 v18, v16  }
0x7c: {  	v18 =	vmax.f32 v19, $0.0e+00  }
0x7d: {  	v16 =	vadd.f32 v17, v16;
	v17 =	vmul.f32 v18, v15  }
0x7e: {  	s2 =	sshll.u32 s31, $0xF  }
0x7f: {  	s0 =	sadd.s32 s10, s2;
	v16 =	vadd.f32 v17, v16  }
0x80: {  	p0 =	seq.s32 s31, $0xC;
	s0 =	sshrl.u32 s0, $0x3  }
0x81: {  	s1 =	simm.s32 @!p0 $0x3;
	s0 =	sadd.s32 s7, s0;
	[tilespmem:s3+$0x12000] =	vst v16  }
0x82: {  	[hbm4b:s0+s4] =	stream.linear.scatter [tilespmem:s24], [sflag:$0x3], $0x4000, $0x38;
	[tilespmem:$0x1A100] =	vst v63  }
0x83: {  	_ =	swait.ge @!p0 [sflag:s1], $0x4000  }
0x84: {  	s2 =	simm.s32 @!p0 $0x80;
	s0 =	sshll.u32 s31, $0x8;
	[sflag:s1] =	ssyncset.done @!p0 $0x0  }
0x85: {  	s3 =	simm.s32 @!p0 $0x2000;
	[sflag:s1] =	ssyncadd.s32 @!p0 $0xFFFFC000;
	s1 =	sadd.s32 @!p0 $0x100, s0  }
0x86: {  	[tilespmem:s3], [sflag:$0x1] =	stream.indirect.gather @!p0 [hbm4b:s5+s2], $0x80, s1, s2, $0xb8;
	[tilespmem:$0x1A100] =	vst v63  }
0x87: {  	s1 =	sadd.s32 @!p0 $0x1100, s0;
	s3 =	simm.s32 @!p0 $0xA000  }
0x88: {  	[tilespmem:s3], [sflag:$0x1] =	stream.indirect.gather @!p0 [hbm4b:s6+s2], $0x80, s1, s2, $0xb8;
	[tilespmem:$0x1A100] =	vst v63  }
0x89: {  	_ =	swait.ge [sflag:s25], $0x4000  }
0x8a: {  	[sflag:s25] =	ssyncset.done $0x0  }
0x8b: {  	[sflag:s25] =	ssyncadd.s32 $0xFFFFC000  }
0x8c: {  	_ =	swait.ge [sflag:s25], $0x4000  }
0x8d: {  	[sflag:s25] =	ssyncset.done $0x0  }
0x8e: {  	s3 =	simm.s32 $0x0;
	[sflag:s25] =	ssyncadd.s32 $0xFFFFC000  }
0x8f: {  	v16 =	vld [tilespmem:s3+$0x6000]  }
0x90: {  	v17 =	vld [tilespmem:s3+$0xE000]  }
0x91: {  	v18 =	vld [tilespmem:s3+$0x6010]  }
0x92: {  	v19 =	vld [tilespmem:s3+$0xE010]  }
0x93: {  	v20 =	vld [tilespmem:s3+$0x6020]  }
0x94: {  	v21 =	vld [tilespmem:s3+$0xE020]  }
0x95: {  	v22 =	vld [tilespmem:s3+$0xE030];
	v16 =	vadd.f32 v17, v16  }
0x96: {  	v17 =	vld [tilespmem:s3+$0x6030]  }
0x97: {  	v23 =	vld [tilespmem:s3+$0x6040];
	v18 =	vadd.f32 v19, v18;
	v16 =	vadd.f32 v16, v0  }
0x98: {  	v24 =	vld [tilespmem:s3+$0xE040]  }
0x99: {  	v26 =	vld [tilespmem:s3+$0x6050];
	v19 =	vadd.f32 v21, v20;
	v18 =	vadd.f32 v18, v1;
	v16 =	vmax.f32 v16, $0.0e+00  }
0x9a: {  	v27 =	vld [tilespmem:s3+$0xE050];
	v20 =	vmul.f32 v16, v8  }
0x9b: {  	v21 =	vadd.f32 v19, v2;
	v19 =	vld [tilespmem:s3+$0xE060];
	v18 =	vmax.f32 v18, $0.0e+00;
	v17 =	vadd.f32 v22, v17  }
0x9c: {  	v16 =	vld [tilespmem:s3+$0x6060];
	v18 =	vmul.f32 v18, v9;
	v20 =	vadd.f32 $0.0e+00, v20  }
0x9d: {  	v23 =	vadd.f32 v24, v23;
	v22 =	vmax.f32 v21, $0.0e+00;
	v25 =	vadd.f32 v17, v3;
	v17 =	vld [tilespmem:s3+$0x6070]  }
0x9e: {  	s1 =	simm.s32 $0x80;
	v22 =	vmul.f32 v22, v10;
	v21 =	vadd.f32 v18, v20;
	v20 =	vld [tilespmem:s3+$0xE070]  }
0x9f: {  	s2 =	simm.s32 $0x400;
	v24 =	vadd.f32 v27, v26;
	v23 =	vadd.f32 v23, v4;
	v18 =	vld [tilespmem:s1+$0x6000];
	v25 =	vmax.f32 v25, $0.0e+00  }
.LBB2_5:
0xa0: {  	p1 =	sne.s32 s2, $0xFE00;
	v26 =	vld [tilespmem:s1+$0xE000];
	v21 =	vadd.f32 v22, v21;
	v22 =	vmul.f32 v25, v11  }
0xa1: {  	v25 =	vld [tilespmem:s1+$0x6010];
	v23 =	vmax.f32 v23, $0.0e+00;
	v24 =	vadd.f32 v24, v5;
	v16 =	vadd.f32 v19, v16  }
0xa2: {  	v19 =	vld [tilespmem:s1+$0xE010];
	v21 =	vadd.f32 v22, v21;
	v22 =	vmul.f32 v23, v12  }
0xa3: {  	v23 =	vld [tilespmem:s1+$0x6020];
	v24 =	vmax.f32 v24, $0.0e+00;
	v16 =	vadd.f32 v16, v6;
	v17 =	vadd.f32 v20, v17  }
0xa4: {  	v20 =	vld [tilespmem:s1+$0xE020];
	v21 =	vadd.f32 v22, v21;
	v22 =	vmul.f32 v24, v13  }
0xa5: {  	v18 =	vadd.f32 v26, v18;
	v24 =	vld [tilespmem:s1+$0x6030];
	v16 =	vmax.f32 v16, $0.0e+00;
	v17 =	vadd.f32 v17, v7  }
0xa6: {  	v26 =	vld [tilespmem:s1+$0xE030];
	v21 =	vadd.f32 v22, v21;
	v16 =	vmul.f32 v16, v14  }
0xa7: {  	v18 =	vadd.f32 v18, v0;
	v19 =	vadd.f32 v19, v25;
	v22 =	vld [tilespmem:s1+$0x6040];
	v17 =	vmax.f32 v17, $0.0e+00  }
0xa8: {  	v25 =	vld [tilespmem:s1+$0xE040];
	v16 =	vadd.f32 v16, v21;
	v17 =	vmul.f32 v17, v15  }
0xa9: {  	v18 =	vmax.f32 v18, $0.0e+00;
	v19 =	vadd.f32 v19, v1;
	v20 =	vadd.f32 v20, v23;
	v27 =	vld [tilespmem:s1+$0x6050]  }
0xaa: {  	v18 =	vmul.f32 v18, v8;
	v28 =	vld [tilespmem:s1+$0xE050];
	v17 =	vadd.f32 v17, v16  }
.Ltmp3:
0xab: {  	v19 =	vmax.f32 v19, $0.0e+00;
	v20 =	vadd.f32 v20, v2;
	v21 =	vadd.f32 v26, v24;
	v16 =	vld [tilespmem:s1+$0x6060];
	(pc) =	sbr.rel @p1 .LBB2_5-.Ltmp3, $4  }
0xac: {  	v18 =	vadd.f32 $0.0e+00, v18;
	v23 =	vmul.f32 v19, v9;
	v19 =	vld [tilespmem:s1+$0xE060];
	[tilespmem:s3+$0x16000] =	vst v17;
	s3 =	smov.u32 s1  }
0xad: {  	v20 =	vmax.f32 v20, $0.0e+00;
	v24 =	vadd.f32 v21, v3;
	v26 =	vadd.f32 v25, v22;
	v17 =	vld [tilespmem:s3+$0x6070]  }
0xae: {  	s1 =	sshra.s32 s2, $0x2;
	v21 =	vadd.f32 v23, v18;
	v22 =	vmul.f32 v20, v10;
	v20 =	vld [tilespmem:s3+$0xE070]  }
0xaf: {  	s2 =	sadd.s32 $0x200, s2;
	v18 =	vld [tilespmem:s1+$0x6000];
	v25 =	vmax.f32 v24, $0.0e+00;
	v23 =	vadd.f32 v26, v4;
	v24 =	vadd.f32 v28, v27  }
0xb0: {  	v26 =	vld [tilespmem:s1+$0xE000];
	v21 =	vadd.f32 v22, v21;
	v41 =	vmul.f32 v25, v11  }
0xb1: {  	v42 =	vld [tilespmem:s1+$0x6010];
	v23 =	vmax.f32 v23, $0.0e+00;
	v24 =	vadd.f32 v24, v5;
	v16 =	vadd.f32 v19, v16  }
0xb2: {  	v43 =	vld [tilespmem:s1+$0xE010];
	v21 =	vadd.f32 v41, v21;
	v44 =	vmul.f32 v23, v12  }
0xb3: {  	v45 =	vld [tilespmem:s1+$0x6020];
	v24 =	vmax.f32 v24, $0.0e+00;
	v16 =	vadd.f32 v16, v6;
	v17 =	vadd.f32 v20, v17  }
0xb4: {  	v46 =	vld [tilespmem:s1+$0xE020];
	v21 =	vadd.f32 v44, v21;
	v47 =	vmul.f32 v24, v13  }
0xb5: {  	v48 =	vld [tilespmem:s1+$0x6030];
	v18 =	vadd.f32 v26, v18;
	v16 =	vmax.f32 v16, $0.0e+00;
	v17 =	vadd.f32 v17, v7  }
0xb6: {  	v49 =	vld [tilespmem:s1+$0xE030];
	v21 =	vadd.f32 v47, v21;
	v16 =	vmul.f32 v16, v14  }
0xb7: {  	v50 =	vld [tilespmem:s1+$0x6040];
	v19 =	vadd.f32 v43, v42;
	v18 =	vadd.f32 v18, v0;
	v17 =	vmax.f32 v17, $0.0e+00  }
0xb8: {  	v51 =	vld [tilespmem:s1+$0xE040];
	v16 =	vadd.f32 v16, v21;
	v17 =	vmul.f32 v17, v15  }
0xb9: {  	v52 =	vld [tilespmem:s1+$0x6050];
	v20 =	vadd.f32 v46, v45;
	v19 =	vadd.f32 v19, v1;
	v18 =	vmax.f32 v18, $0.0e+00  }
0xba: {  	v53 =	vld [tilespmem:s1+$0xE050];
	v18 =	vmul.f32 v18, v8;
	v16 =	vadd.f32 v17, v16  }
0xbb: {  	v54 =	vld [tilespmem:s1+$0xE060];
	v24 =	vadd.f32 v49, v48;
	v20 =	vadd.f32 v20, v2;
	v19 =	vmax.f32 v19, $0.0e+00  }
0xbc: {  	v17 =	vld [tilespmem:s1+$0x6060];
	v19 =	vmul.f32 v19, v9;
	v18 =	vadd.f32 $0.0e+00, v18;
	[tilespmem:s3+$0x16000] =	vst v16  }
0xbd: {  	v22 =	vadd.f32 v51, v50;
	v55 =	vadd.f32 v24, v3;
	v16 =	vmax.f32 v20, $0.0e+00;
	v56 =	vld [tilespmem:s1+$0x6070]  }
0xbe: {  	v16 =	vmul.f32 v16, v10;
	v57 =	vld [tilespmem:s1+$0xE070];
	v18 =	vadd.f32 v19, v18  }
0xbf: {  	v22 =	vadd.f32 v22, v4;
	v21 =	vadd.f32 v53, v52;
	v20 =	vmax.f32 v55, $0.0e+00  }
0xc0: {  	v58 =	vmul.f32 v20, v11;
	v16 =	vadd.f32 v16, v18  }
0xc1: {  	v59 =	vmax.f32 v22, $0.0e+00;
	v21 =	vadd.f32 v21, v5;
	v17 =	vadd.f32 v54, v17  }
0xc2: {  	v60 =	vmul.f32 v59, v12;
	v16 =	vadd.f32 v58, v16  }
0xc3: {  	v61 =	vmax.f32 v21, $0.0e+00;
	v17 =	vadd.f32 v17, v6;
	v19 =	vadd.f32 v57, v56  }
0xc4: {  	v62 =	vmul.f32 v61, v13;
	v16 =	vadd.f32 v60, v16  }
0xc5: {  	v17 =	vmax.f32 v17, $0.0e+00;
	v19 =	vadd.f32 v19, v7  }
0xc6: {  	v17 =	vmul.f32 v17, v14;
	v16 =	vadd.f32 v62, v16  }
0xc7: {  	v63 =	vmax.f32 v19, $0.0e+00  }
0xc8: {  	v16 =	vadd.f32 v17, v16;
	v17 =	vmul.f32 v63, v15  }
.Ltmp4:
0xc9: {  	_ = 	snop;
	(pc) =	sbr.rel @p0 .LBB2_8-.Ltmp4, $4  }
0xca: {  	s2 =	sadd.s32 s0, s11;
	v16 =	vadd.f32 v17, v16  }
0xcb: {  	s2 =	sshll.u32 s2, $0x4  }
0xcc: {  	s3 =	sadd.s32 s7, s2;
	[tilespmem:s1+$0x16000] =	vst v16  }
0xcd: {  	[hbm4b:s3+s4] =	stream.linear.scatter [tilespmem:s26], [sflag:$0x4], $0x4000, $0x38;
	[tilespmem:$0x1A100] =	vst v63  }
0xce: {  	_ =	swait.ge [sflag:s29], $0x4000  }
.Ltmp5:
0xcf: {  	[sflag:s29] =	ssyncset.done $0x0;
	(pc) =	sbr.rel .LBB2_2-.Ltmp5, $4  }
0xd0: {  	s1 =	sadd.s32 $0x180, s0;
	[sflag:s29] =	ssyncadd.s32 $0xFFFFC000  }
0xd1: {  	[tilespmem:s20], [sflag:$0x2] =	stream.indirect.gather [hbm4b:s5+s17], $0x80, s1, s17, $0xb8;
	[tilespmem:$0x1A100] =	vst v63  }
0xd2: {  	s3 =	sadd.s32 $0x1180, s0;
	s31 =	sadd.s32 $0x1, s31  }
0xd3: {  	[tilespmem:s22], [sflag:$0x2] =	stream.indirect.gather [hbm4b:s6+s17], $0x80, s3, s17, $0xb8;
	[tilespmem:$0x1A100] =	vst v63  }
.LBB2_9:
0xd4: {  	_ =	sfence.sel $0x180000  }
0xd5: {  	[bflag:$0x0] =	sbarrier.arrive $0xFFFF  }
0xd6: {  	_ =	strace $0x90000050  }
0xd7: {  	s0 =	stileid.u32;
	[bflag:$0x2] =	sbarrier.arrive $0xFFFF  }
0xd8: {  	p0 =	sne.s32 s0, $0x0;
	s0 =	rddreg [dreg:$0x3]  }
0xd9: {  	s0 =	sadd.s32 @!p0 $0x100000, s0  }
0xda: {  	[sflag:s0] =	ssyncadd.tile.s32 @!p0 $0x1;
	_ =	shalt  }
.Lfunc_end2:
_tile_overlayer_lowered:
.L_overlay_start_2:
0xdb: {  	(tag) =	ssettag $0x2  }
0xdc: {  	s0 =	rddreg [dreg:$0x0];
	s2 =	stileid.u32  }
0xdd: {  	s1 =	rddreg [dreg:$0x1];
	p0 =	sne.s32 s2, $0x0  }
0xde: {  	s3 =	rddreg [dreg:$0x2];
	[bflag:$0x3] =	sbarrier.arrive $0xFFFF;
	s2 =	simm.s32 @!p0 $0x1C05  }
0xdf: {  	[timem:s3], [sflag:s2] =	dma.local @!p0 [hbm:s0], s1  }
0xe0: {  	s0 =	simm.s32 @!p0 $0x5  }
0xe1: {  	_ =	swait.ge @!p0 [sflag:s0], s1  }
0xe2: {  	s1 =	ssub.s32 @!p0 $0x0, s1;
	[sflag:s0] =	ssyncset.done @!p0 $0x0  }
0xe3: {  	[sflag:s0] =	ssyncadd.s32 @!p0 s1  }
0xe4: {  	[bflag:$0x3] =	sbarrier.arrive $0xFFFF  }
0xe5: {  	_ =	shalt  }

</sc_bundles>
